<compile_context>
chip_gen: v7x
topology: tpu7x:2x2x1
jax: 0.10.2.dev20260603
libtpu: 0.0.44.dev20260713+nightly
codegen_flags: <defaults>
</compile_context>

<pallas_src>
import functools

import jax
import jax.numpy as jnp
from jax import lax
from jax.experimental import pallas as pl
from jax.experimental.pallas import tpu as pltpu
from jax.experimental.pallas import tpu_sc as plsc

N = 100000
D = 4
M = 1600000
S = D * (2 * M + N)
NC = 2
NS = 16
NW = NC * NS
EPW = M // NW
NP = 102400
NSTRIPE = NP // NS
DPW = NP // NW
DCH = DPW // 2
CH1 = 2000
CH3 = 2000
I32 = jnp.int32
F32 = jnp.float32

_mesh = plsc.VectorSubcoreMesh(
    core_axis_name="c", subcore_axis_name="s", num_cores=NC, num_subcores=NS
)


_R = 6250
_RB = 625


def _ew_body(m1_ref, m2_ref, tril_ref, sq1_ref, sq2_ref):
    a = m1_ref[...]
    b = m2_ref[...]
    tril_ref[...] = -(a * b)
    sq1_ref[...] = a * a
    sq2_ref[...] = b * b


_ew = pl.pallas_call(
    _ew_body,
    grid=(8,),
    in_specs=[pl.BlockSpec((_R, 128), lambda i: (i * 0, i))] * 2,
    out_specs=[pl.BlockSpec((_R, 128), lambda i: (i * 0, i))] * 3,
    out_shape=[jax.ShapeDtypeStruct((_R, 1024), F32)] * 3,
)


@functools.partial(
    pl.kernel,
    out_type=(
        jax.ShapeDtypeStruct((NC * NP * D,), F32),
        jax.ShapeDtypeStruct((NC * NP,), I32),
        jax.ShapeDtypeStruct((NC * NP,), I32),
    ),
    mesh=_mesh,
    compiler_params=pltpu.CompilerParams(use_tc_tiling_on_sc=False, needs_layout_passes=False),
    scratch_types=[
        pltpu.VMEM_SHARED((NP * D,), F32),
        pltpu.VMEM_SHARED((NP,), I32),
        pltpu.VMEM_SHARED((NP,), I32),
        pltpu.VMEM((4 * CH1,), F32),
        pltpu.VMEM((CH1,), I32),
        pltpu.VMEM((4 * CH1,), I32),
        pltpu.VMEM((CH1,), I32),
    ],
)
def _stats_kernel(sq1f, sq2f, u_hbm, v_hbm, zeros4, zerosi, ones_hbm,
                  dv_out, ca_out, cb_out,
                  tsq, ca_sh, cb_sh, val_v, idx_v, idx4_v, ones_v):
    cid = lax.axis_index("c")
    sid = lax.axis_index("s")
    wid = cid * NS + sid
    iota = lax.iota(I32, 16)
    jv = iota & 3
    esub = iota >> 2
    st = sid * NSTRIPE
    pltpu.sync_copy(zeros4, tsq.at[pl.ds(st * D, NSTRIPE * D)])
    pltpu.sync_copy(zerosi, ca_sh.at[pl.ds(st, NSTRIPE)])
    pltpu.sync_copy(zerosi, cb_sh.at[pl.ds(st, NSTRIPE)])
    pltpu.sync_copy(ones_hbm, ones_v)
    plsc.subcore_barrier()

    base = wid * EPW

    @pl.loop(I32(0), I32(EPW // CH1))
    def body(it):
        off = base + it * CH1

        def expand_idx():
            @pl.loop(I32(0), I32(4 * CH1 // 16))
            def exp(k):
                s0 = k * 16
                ev = k * 4 + esub
                idx4_v[pl.ds(s0, 16)] = plsc.load_gather(idx_v, [ev]) * 4 + jv

        pltpu.sync_copy(sq1f.at[pl.ds(4 * off, 4 * CH1)], val_v)
        pltpu.sync_copy(u_hbm.at[pl.ds(off, CH1)], idx_v)
        expand_idx()
        pltpu.sync_copy(val_v, tsq.at[idx4_v], add=True)
        pltpu.sync_copy(ones_v, ca_sh.at[idx_v], add=True)
        pltpu.sync_copy(sq2f.at[pl.ds(4 * off, 4 * CH1)], val_v)
        pltpu.sync_copy(v_hbm.at[pl.ds(off, CH1)], idx_v)
        expand_idx()
        pltpu.sync_copy(val_v, tsq.at[idx4_v], add=True)
        pltpu.sync_copy(ones_v, cb_sh.at[idx_v], add=True)

    plsc.subcore_barrier()
    gst = cid * NP + st
    pltpu.sync_copy(tsq.at[pl.ds(st * D, NSTRIPE * D)], dv_out.at[pl.ds(gst * D, NSTRIPE * D)])
    pltpu.sync_copy(ca_sh.at[pl.ds(st, NSTRIPE)], ca_out.at[pl.ds(gst, NSTRIPE)])
    pltpu.sync_copy(cb_sh.at[pl.ds(st, NSTRIPE)], cb_out.at[pl.ds(gst, NSTRIPE)])


@functools.partial(
    pl.kernel,
    out_type=(
        jax.ShapeDtypeStruct((S,), I32),
        jax.ShapeDtypeStruct((S,), I32),
        jax.ShapeDtypeStruct((S,), F32),
    ),
    mesh=_mesh,
    compiler_params=pltpu.CompilerParams(use_tc_tiling_on_sc=False, needs_layout_passes=False),
    scratch_types=[
        pltpu.VMEM((CH3,), I32),
        pltpu.VMEM((CH3,), I32),
        pltpu.VMEM((CH3,), I32),
        pltpu.VMEM((CH3,), I32),
        pltpu.VMEM((CH3,), I32),
        pltpu.VMEM((CH3,), I32),
        pltpu.VMEM((CH3,), I32),
        pltpu.VMEM((CH3,), I32),
        pltpu.VMEM((CH3,), I32),
        pltpu.VMEM((4 * CH3,), F32),
        pltpu.VMEM((4 * CH3,), F32),
        pltpu.VMEM((4 * CH3,), I32),
        pltpu.VMEM((4 * CH3,), I32),
        pltpu.VMEM((4 * CH3,), I32),
        pltpu.VMEM((4 * CH3,), I32),
        pltpu.VMEM((4 * CH3,), I32),
        pltpu.VMEM((4 * CH3,), I32),
        pltpu.VMEM((4 * CH3,), I32),
        pltpu.VMEM((DCH,), I32),
        pltpu.VMEM((DCH,), I32),
        pltpu.VMEM((4 * DCH,), F32),
        pltpu.VMEM((4 * DCH,), F32),
        pltpu.VMEM((4 * DCH,), I32),
        pltpu.VMEM((4 * DCH,), I32),
        pltpu.VMEM((4 * DCH,), F32),
    ],
)
def _final_kernel(tv_flat, u_hbm, v_hbm, order_hbm, qa_h, qb_h, dg_h, qd_h, dvf,
                  rowo, colo, wo,
                  u_c, v_c, o_c, uo, vo, qau, dgu, qbv, dgv, tvc, tvo,
                  qa_buf, ra_buf, ca_buf, qb_buf, rb_buf, cb_buf, ws_buf,
                  qd_l, dg_l, dv1f, dv2f, qd_buf, rd_buf, wd_buf):
    cid = lax.axis_index("c")
    sid = lax.axis_index("s")
    wid = cid * NS + sid
    iota = lax.iota(I32, 16)
    jv = iota & 3
    esub = iota >> 2

    ebase = wid * EPW

    @pl.loop(I32(0), I32(EPW // CH3))
    def echunk(it):
        off = ebase + it * CH3
        pltpu.sync_copy(u_hbm.at[pl.ds(off, CH3)], u_c)
        pltpu.sync_copy(v_hbm.at[pl.ds(off, CH3)], v_c)
        pltpu.sync_copy(order_hbm.at[pl.ds(off, CH3)], o_c)
        pltpu.sync_copy(tv_flat.at[pl.ds(4 * off, 4 * CH3)], tvc)
        pltpu.sync_copy(u_hbm.at[o_c], uo)
        pltpu.sync_copy(v_hbm.at[o_c], vo)
        pltpu.sync_copy(qa_h.at[u_c], qau)
        pltpu.sync_copy(dg_h.at[u_c], dgu)
        pltpu.sync_copy(qb_h.at[vo], qbv)
        pltpu.sync_copy(dg_h.at[vo], dgv)

        @pl.loop(I32(0), I32(4 * CH3 // 16))
        def slots(k):
            s0 = k * 16
            ev = k * 4 + esub
            qa = plsc.load_gather(qau, [ev]) + (off + ev) + jv * plsc.load_gather(dgu, [ev])
            ra = plsc.load_gather(u_c, [ev]) * 4 + jv
            cav = plsc.load_gather(v_c, [ev]) * 4 + jv
            qb = plsc.load_gather(qbv, [ev]) + (off + ev) + jv * plsc.load_gather(dgv, [ev])
            rb = plsc.load_gather(vo, [ev]) * 4 + jv
            cbv = plsc.load_gather(uo, [ev]) * 4 + jv
            ws = plsc.load_gather(o_c, [ev]) * 4 + jv
            qa_buf[pl.ds(s0, 16)] = qa
            ra_buf[pl.ds(s0, 16)] = ra
            ca_buf[pl.ds(s0, 16)] = cav
            qb_buf[pl.ds(s0, 16)] = qb
            rb_buf[pl.ds(s0, 16)] = rb
            cb_buf[pl.ds(s0, 16)] = cbv
            ws_buf[pl.ds(s0, 16)] = ws

        pltpu.sync_copy(tv_flat.at[ws_buf], tvo)
        pltpu.sync_copy(ra_buf, rowo.at[qa_buf])
        pltpu.sync_copy(ca_buf, colo.at[qa_buf])
        pltpu.sync_copy(tvc, wo.at[qa_buf])
        pltpu.sync_copy(rb_buf, rowo.at[qb_buf])
        pltpu.sync_copy(cb_buf, colo.at[qb_buf])
        pltpu.sync_copy(tvo, wo.at[qb_buf])

    @pl.loop(I32(0), I32(2))
    def dchunk(it):
        a0 = wid * DPW + it * DCH
        pltpu.sync_copy(qd_h.at[pl.ds(a0, DCH)], qd_l)
        pltpu.sync_copy(dg_h.at[pl.ds(a0, DCH)], dg_l)
        pltpu.sync_copy(dvf.at[pl.ds(4 * a0, 4 * DCH)], dv1f)
        pltpu.sync_copy(dvf.at[pl.ds(4 * (NP + a0), 4 * DCH)], dv2f)

        @pl.loop(I32(0), I32(4 * DCH // 16))
        def dslots(k):
            s0 = k * 16
            ev = k * 4 + esub
            q = plsc.load_gather(qd_l, [ev]) + jv * plsc.load_gather(dg_l, [ev])
            anode = jnp.minimum(a0 + ev, N - 1)
            rc = anode * 4 + jv
            w = dv1f[pl.ds(s0, 16)] + dv2f[pl.ds(s0, 16)]
            qd_buf[pl.ds(s0, 16)] = q
            rd_buf[pl.ds(s0, 16)] = rc
            wd_buf[pl.ds(s0, 16)] = w

        pltpu.sync_copy(rd_buf, rowo.at[qd_buf])
        pltpu.sync_copy(rd_buf, colo.at[qd_buf])
        pltpu.sync_copy(wd_buf, wo.at[qd_buf])


def kernel(maps, edge_index):
    maps = maps.astype(F32)
    u = edge_index[0, :M].astype(I32)
    v = edge_index[1, :M].astype(I32)

    m1 = maps[:M].reshape(_R, 1024)
    m2 = maps[M:].reshape(_R, 1024)
    trilf, sq1f, sq2f = _ew(m1, m2)
    saved_tril_maps = trilf.reshape(M, D)
    tv_flat = trilf.reshape(-1)

    zeros4 = jnp.zeros((NSTRIPE * D,), F32)
    zerosi = jnp.zeros((NSTRIPE,), I32)
    ones1 = jnp.ones((CH1,), I32)
    dvp, cap, cbp = _stats_kernel(
        sq1f.reshape(-1), sq2f.reshape(-1), u, v, zeros4, zerosi, ones1
    )

    cnta = cap[:N] + cap[NP : NP + N]
    cntb = cbp[:N] + cbp[NP : NP + N]
    deg = cnta + cntb + 1
    start_nbr = jnp.cumsum(deg) - deg
    rowstart_a = jnp.cumsum(cnta) - cnta
    start_b = jnp.cumsum(cntb) - cntb
    qbase_a = (4 * start_nbr + cntb + 1 - rowstart_a).astype(I32)
    qbase_b = (4 * start_nbr - start_b).astype(I32)
    qd0 = (4 * start_nbr + cntb).astype(I32)
    degi = deg.astype(I32)

    def _padn(x):
        return jnp.concatenate([x, jnp.broadcast_to(x[-1], (NP - N,))])

    qa_h, qb_h, dg_h, qd_h = _padn(qbase_a), _padn(qbase_b), _padn(degi), _padn(qd0)
    dv0 = dvp[: NP * D].reshape(NP, D)[:N]
    dv1r = dvp[NP * D :].reshape(NP, D)[:N]

    def _padrows(x):
        return jnp.concatenate([x, jnp.broadcast_to(x[-1], (NP - N, D))]).reshape(-1)

    dvfp = jnp.concatenate([_padrows(dv0), _padrows(dv1r)])
    order = jnp.argsort(v, stable=True).astype(I32)

    rowo, colo, wo = _final_kernel(tv_flat, u, v, order, qa_h, qb_h, dg_h, qd_h, dvfp)
    l_index = jnp.stack([rowo.astype(jnp.int64), colo.astype(jnp.int64)])
    return (l_index, wo), saved_tril_maps

# --- scband reference (transcript-rebuilt; emitter-appended) ---
"""Pipeline reference for scband-diag-laplacian-builder-18459769438524 (READ-ONLY COPY).

The authoritative reference and input builder live on the scoring server;
editing this copy changes nothing except your own understanding.
"""

import jax, jax.numpy as jnp
import numpy as np

jax.config.update("jax_enable_x64", True)

N_NODES = 100000
D = 4
M = 1600000  # undirected edges; directed E = 2*M


def setup_inputs() -> dict:
    rng = np.random.default_rng(0)
    src = rng.integers(0, N_NODES, int(M * 1.05))
    dst = rng.integers(0, N_NODES, int(M * 1.05))
    mask = src != dst
    u = np.minimum(src[mask], dst[mask]).astype(np.int64)
    v = np.maximum(src[mask], dst[mask]).astype(np.int64)
    k = np.unique(u * N_NODES + v)[:M]
    assert k.shape[0] == M, "not enough unique edges; increase oversample"
    u, v = k // N_NODES, k % N_NODES
    # symmetric directed edge list: first M entries are (u,v) with u<v, next M are reverses
    edge_index = jnp.asarray(
        np.stack([np.concatenate([u, v]), np.concatenate([v, u])]), dtype=jnp.int64
    )
    maps = jax.random.normal(jax.random.key(0), (2 * M, D), dtype=jnp.float32)
    return {"maps": maps, "edge_index": edge_index}


def compute_left_right_map_index(edge_index, n, full_matrix=False):
    row, col = edge_index[0], edge_index[1]
    key_fwd = row * n + col
    key_rev = col * n + row
    order = jnp.argsort(key_fwd)
    pos = jnp.searchsorted(key_fwd[order], key_rev)
    rev = order[pos]  # index of reverse edge (col,row) in the directed edge list
    if full_matrix:
        left = jnp.arange(row.shape[0], dtype=jnp.int64)
        return (left, rev), (row, col)
    mask = row < col
    idx = jnp.nonzero(mask, size=mask.shape[0] // 2)[0]
    return (idx, rev[idx]), (row[idx], col[idx])


def mergesp(idx1, val1, idx2, val2, n):
    # coalesce: sort by flat key (row*n+col) and sum duplicates
    idx = jnp.concatenate([idx1, idx2], axis=1)
    val = jnp.concatenate([val1, val2])
    key = idx[0] * n + idx[1]
    uniq, inv = jnp.unique(key, return_inverse=True, size=key.shape[0])
    out_val = jax.ops.segment_sum(val, inv.reshape(-1), num_segments=uniq.shape[0])
    return jnp.stack([uniq // n, uniq % n]), out_val


def reference(maps, edge_index):
    size = N_NODES
    d = maps.shape[1]
    (left_idx, right_idx), (tril_row, tril_col) = compute_left_right_map_index(edge_index, size)
    row = edge_index[0]
    left_maps = jnp.take(maps, left_idx, axis=0)
    right_maps = jnp.take(maps, right_idx, axis=0)
    tril_maps = -left_maps * right_maps
    saved_tril_maps = jax.lax.stop_gradient(tril_maps)
    diag_maps = jax.ops.segment_sum(maps ** 2, row, num_segments=size)
    ar = jnp.arange(d, dtype=jnp.int64)
    tr = (tril_row[:, None] * d + ar[None, :]).reshape(-1)
    tc = (tril_col[:, None] * d + ar[None, :]).reshape(-1)
    tril_indices = jnp.stack([tr, tc])
    di = (jnp.arange(size, dtype=jnp.int64)[:, None] * d + ar[None, :]).reshape(-1)
    diag_indices = jnp.stack([di, di])
    triu_indices = jnp.stack([tril_indices[1], tril_indices[0]])
    Nbig = size * d
    tv = tril_maps.reshape(-1)
    dv = diag_maps.reshape(-1)
    non_diag_indices, non_diag_values = mergesp(tril_indices, tv, triu_indices, tv, Nbig)
    L_index, weights = mergesp(non_diag_indices, non_diag_values, diag_indices, dv, Nbig)
    return (L_index, weights), saved_tril_maps

if __name__ == "__main__":
    import jax
    _d = setup_inputs()
    print(jax.jit(kernel)(*tuple(_d.values())))

</pallas_src>

<mosaic_0001>
#map = affine_map<(d0, d1) -> (0)>
module attributes {stable_mosaic.version = 14 : i64} {
  func.func @_final_kernel(%arg0: i32, %arg1: i32, %arg2: memref<6400000xf32, #tpu.memory_space<hbm>>, %arg3: memref<1600000xi32, #tpu.memory_space<hbm>>, %arg4: memref<1600000xi32, #tpu.memory_space<hbm>>, %arg5: memref<1600000xi32, #tpu.memory_space<hbm>>, %arg6: memref<102400xi32, #tpu.memory_space<hbm>>, %arg7: memref<102400xi32, #tpu.memory_space<hbm>>, %arg8: memref<102400xi32, #tpu.memory_space<hbm>>, %arg9: memref<102400xi32, #tpu.memory_space<hbm>>, %arg10: memref<819200xf32, #tpu.memory_space<hbm>>, %arg11: memref<13200000xi32, #tpu.memory_space<hbm>>, %arg12: memref<13200000xi32, #tpu.memory_space<hbm>>, %arg13: memref<13200000xf32, #tpu.memory_space<hbm>>, %arg14: memref<2000xi32, #tpu.memory_space<vmem>>, %arg15: memref<2000xi32, #tpu.memory_space<vmem>>, %arg16: memref<2000xi32, #tpu.memory_space<vmem>>, %arg17: memref<2000xi32, #tpu.memory_space<vmem>>, %arg18: memref<2000xi32, #tpu.memory_space<vmem>>, %arg19: memref<2000xi32, #tpu.memory_space<vmem>>, %arg20: memref<2000xi32, #tpu.memory_space<vmem>>, %arg21: memref<2000xi32, #tpu.memory_space<vmem>>, %arg22: memref<2000xi32, #tpu.memory_space<vmem>>, %arg23: memref<8000xf32, #tpu.memory_space<vmem>>, %arg24: memref<8000xf32, #tpu.memory_space<vmem>>, %arg25: memref<8000xi32, #tpu.memory_space<vmem>>, %arg26: memref<8000xi32, #tpu.memory_space<vmem>>, %arg27: memref<8000xi32, #tpu.memory_space<vmem>>, %arg28: memref<8000xi32, #tpu.memory_space<vmem>>, %arg29: memref<8000xi32, #tpu.memory_space<vmem>>, %arg30: memref<8000xi32, #tpu.memory_space<vmem>>, %arg31: memref<8000xi32, #tpu.memory_space<vmem>>, %arg32: memref<1600xi32, #tpu.memory_space<vmem>>, %arg33: memref<1600xi32, #tpu.memory_space<vmem>>, %arg34: memref<6400xf32, #tpu.memory_space<vmem>>, %arg35: memref<6400xf32, #tpu.memory_space<vmem>>, %arg36: memref<6400xi32, #tpu.memory_space<vmem>>, %arg37: memref<6400xi32, #tpu.memory_space<vmem>>, %arg38: memref<6400xf32, #tpu.memory_space<vmem>>) attributes {dimension_semantics = [#tpu.dimension_semantics<core_parallel>, #tpu.dimension_semantics<subcore_parallel>], iteration_bounds = array<i64: 2, 16>, scalar_prefetch = 0 : i64, scratch_operands = 25 : i64, tpu.core_type = #tpu.core_type<sc_vector_subcore>, window_params = [{transform_indices = #map}, {transform_indices = #map}, {transform_indices = #map}, {transform_indices = #map}, {transform_indices = #map}, {transform_indices = #map}, {transform_indices = #map}, {transform_indices = #map}, {transform_indices = #map}, {transform_indices = #map}, {transform_indices = #map}, {transform_indices = #map}]} {
    %mul3A = arith.constant 16 : i32
    %mul3A_0 = arith.muli %arg0, %mul3A : i32
    %add3A = arith.addi %mul3A_0, %arg1 : i32
    %iota3A = tpu.iota {dimensions = array<i32: 0>} : vector<16xi32>
    %and3A = arith.constant 3 : i32
    %and3A_1 = vector.broadcast %and3A : i32 to vector<16xi32>
    %and3A_2 = arith.andi %iota3A, %and3A_1 : vector<16xi32>
    %shift_right_arithmetic3A = arith.constant 2 : i32
    %shift_right_arithmetic3A_3 = vector.broadcast %shift_right_arithmetic3A : i32 to vector<16xi32>
    %shift_right_arithmetic3A_4 = arith.shrsi %iota3A, %shift_right_arithmetic3A_3 : vector<16xi32>
    %mul3A_5 = arith.constant 50000 : i32
    %mul3A_6 = arith.muli %add3A, %mul3A_5 : i32
    %sub3A = arith.constant 25 : i32
    %sub3A_7 = arith.constant 0 : i32
    %sub3A_8 = arith.subi %sub3A, %sub3A_7 : i32
    %sub3A_9 = arith.constant 1 : i32
    %sub3A_10 = arith.constant 1 : i32
    %sub3A_11 = arith.subi %sub3A_9, %sub3A_10 : i32
    %add3A_12 = arith.addi %sub3A_8, %sub3A_11 : i32
    %div3A = arith.constant 1 : i32
    %div3A_13 = arith.divsi %add3A_12, %div3A : i32
    %while3A = arith.constant 1 : i32
    %while3A_14 = arith.constant 0 : i32
    %while3A_15 = arith.constant 0 : i32
    %while3A_16 = arith.subi %div3A_13, %while3A_15 : i32
    %while3A_17 = arith.addi %while3A_15, %while3A_16 : i32
    %while3A_18 = arith.constant 1 : i32
    %while3A_19 = arith.divsi %while3A_16, %while3A_18 : i32
    %while3A_20 = arith.muli %while3A_19, %while3A_18 : i32
    %while3A_21 = arith.addi %while3A_15, %while3A_20 : i32
    %while3A_22 = arith.constant 1 : i32
    scf.for %while3A_44 = %while3A_15 to %while3A_21 step %while3A_22  : i32 {
      %mul3A_45 = arith.muli %while3A_44, %while3A : i32
      %add3A_46 = arith.addi %while3A_14, %mul3A_45 : i32
      %mul3A_47 = arith.constant 2000 : i32
      %mul3A_48 = arith.muli %add3A_46, %mul3A_47 : i32
      %add3A_49 = arith.addi %mul3A_6, %mul3A_48 : i32
      "tpu.region"() ({
        %run_scoped3A = tpu.sem_alloc : memref<!tpu.dma_semaphore, #tpu.memory_space<semaphore_mem>>
        %dma_start3A = tpu.memref_slice %arg3[%add3A_49] : memref<1600000xi32, #tpu.memory_space<hbm>> -> memref<2000xi32, #tpu.memory_space<hbm>>
        %dma_start3A_72 = tpu.memref_slice %arg3[%add3A_49] : memref<1600000xi32, #tpu.memory_space<hbm>> -> memref<2000xi32, #tpu.memory_space<hbm>>
        tpu.enqueue_dma source(%dma_start3A_72 : memref<2000xi32, #tpu.memory_space<hbm>>) target(%arg14 : memref<2000xi32, #tpu.memory_space<vmem>>) target_semaphore(%run_scoped3A : memref<!tpu.dma_semaphore, #tpu.memory_space<semaphore_mem>>)
        %dma_wait3A = tpu.memref_slice %arg3[%add3A_49] : memref<1600000xi32, #tpu.memory_space<hbm>> -> memref<2000xi32, #tpu.memory_space<hbm>>
        %dma_wait3A_73 = tpu.memref_slice %arg3[%add3A_49] : memref<1600000xi32, #tpu.memory_space<hbm>> -> memref<2000xi32, #tpu.memory_space<hbm>>
        tpu.wait_dma2 semaphore(%run_scoped3A : memref<!tpu.dma_semaphore, #tpu.memory_space<semaphore_mem>>) src(%dma_wait3A_73 : memref<2000xi32, #tpu.memory_space<hbm>>) dst(%arg14 : memref<2000xi32, #tpu.memory_space<vmem>>)
        tpu.yield
      }) : () -> ()
      "tpu.region"() ({
        %run_scoped3A = tpu.sem_alloc : memref<!tpu.dma_semaphore, #tpu.memory_space<semaphore_mem>>
        %dma_start3A = tpu.memref_slice %arg4[%add3A_49] : memref<1600000xi32, #tpu.memory_space<hbm>> -> memref<2000xi32, #tpu.memory_space<hbm>>
        %dma_start3A_72 = tpu.memref_slice %arg4[%add3A_49] : memref<1600000xi32, #tpu.memory_space<hbm>> -> memref<2000xi32, #tpu.memory_space<hbm>>
        tpu.enqueue_dma source(%dma_start3A_72 : memref<2000xi32, #tpu.memory_space<hbm>>) target(%arg15 : memref<2000xi32, #tpu.memory_space<vmem>>) target_semaphore(%run_scoped3A : memref<!tpu.dma_semaphore, #tpu.memory_space<semaphore_mem>>)
        %dma_wait3A = tpu.memref_slice %arg4[%add3A_49] : memref<1600000xi32, #tpu.memory_space<hbm>> -> memref<2000xi32, #tpu.memory_space<hbm>>
        %dma_wait3A_73 = tpu.memref_slice %arg4[%add3A_49] : memref<1600000xi32, #tpu.memory_space<hbm>> -> memref<2000xi32, #tpu.memory_space<hbm>>
        tpu.wait_dma2 semaphore(%run_scoped3A : memref<!tpu.dma_semaphore, #tpu.memory_space<semaphore_mem>>) src(%dma_wait3A_73 : memref<2000xi32, #tpu.memory_space<hbm>>) dst(%arg15 : memref<2000xi32, #tpu.memory_space<vmem>>)
        tpu.yield
      }) : () -> ()
      "tpu.region"() ({
        %run_scoped3A = tpu.sem_alloc : memref<!tpu.dma_semaphore, #tpu.memory_space<semaphore_mem>>
        %dma_start3A = tpu.memref_slice %arg5[%add3A_49] : memref<1600000xi32, #tpu.memory_space<hbm>> -> memref<2000xi32, #tpu.memory_space<hbm>>
        %dma_start3A_72 = tpu.memref_slice %arg5[%add3A_49] : memref<1600000xi32, #tpu.memory_space<hbm>> -> memref<2000xi32, #tpu.memory_space<hbm>>
        tpu.enqueue_dma source(%dma_start3A_72 : memref<2000xi32, #tpu.memory_space<hbm>>) target(%arg16 : memref<2000xi32, #tpu.memory_space<vmem>>) target_semaphore(%run_scoped3A : memref<!tpu.dma_semaphore, #tpu.memory_space<semaphore_mem>>)
        %dma_wait3A = tpu.memref_slice %arg5[%add3A_49] : memref<1600000xi32, #tpu.memory_space<hbm>> -> memref<2000xi32, #tpu.memory_space<hbm>>
        %dma_wait3A_73 = tpu.memref_slice %arg5[%add3A_49] : memref<1600000xi32, #tpu.memory_space<hbm>> -> memref<2000xi32, #tpu.memory_space<hbm>>
        tpu.wait_dma2 semaphore(%run_scoped3A : memref<!tpu.dma_semaphore, #tpu.memory_space<semaphore_mem>>) src(%dma_wait3A_73 : memref<2000xi32, #tpu.memory_space<hbm>>) dst(%arg16 : memref<2000xi32, #tpu.memory_space<vmem>>)
        tpu.yield
      }) : () -> ()
      %mul3A_50 = arith.constant 4 : i32
      %mul3A_51 = arith.muli %mul3A_50, %add3A_49 : i32
      "tpu.region"() ({
        %run_scoped3A = tpu.sem_alloc : memref<!tpu.dma_semaphore, #tpu.memory_space<semaphore_mem>>
        %dma_start3A = tpu.memref_slice %arg2[%mul3A_51] : memref<6400000xf32, #tpu.memory_space<hbm>> -> memref<8000xf32, #tpu.memory_space<hbm>>
        %dma_start3A_72 = tpu.memref_slice %arg2[%mul3A_51] : memref<6400000xf32, #tpu.memory_space<hbm>> -> memref<8000xf32, #tpu.memory_space<hbm>>
        tpu.enqueue_dma source(%dma_start3A_72 : memref<8000xf32, #tpu.memory_space<hbm>>) target(%arg23 : memref<8000xf32, #tpu.memory_space<vmem>>) target_semaphore(%run_scoped3A : memref<!tpu.dma_semaphore, #tpu.memory_space<semaphore_mem>>)
        %dma_wait3A = tpu.memref_slice %arg2[%mul3A_51] : memref<6400000xf32, #tpu.memory_space<hbm>> -> memref<8000xf32, #tpu.memory_space<hbm>>
        %dma_wait3A_73 = tpu.memref_slice %arg2[%mul3A_51] : memref<6400000xf32, #tpu.memory_space<hbm>> -> memref<8000xf32, #tpu.memory_space<hbm>>
        tpu.wait_dma2 semaphore(%run_scoped3A : memref<!tpu.dma_semaphore, #tpu.memory_space<semaphore_mem>>) src(%dma_wait3A_73 : memref<8000xf32, #tpu.memory_space<hbm>>) dst(%arg23 : memref<8000xf32, #tpu.memory_space<vmem>>)
        tpu.yield
      }) : () -> ()
      "tpu.region"() ({
        %run_scoped3A = tpu.sem_alloc : memref<!tpu.dma_semaphore, #tpu.memory_space<semaphore_mem>>
        %dma_start3A = arith.constant 0 : i32
        %dma_start3A_72 = tpu.memref_slice %arg3[%dma_start3A] : memref<1600000xi32, #tpu.memory_space<hbm>> -> memref<1600000xi32, #tpu.memory_space<hbm>>
        tpu.enqueue_indirect_dma source(%dma_start3A_72 : memref<1600000xi32, #tpu.memory_space<hbm>>) target(%arg17 : memref<2000xi32, #tpu.memory_space<vmem>>) offsets(%arg16 : memref<2000xi32, #tpu.memory_space<vmem>>) semaphore(%run_scoped3A : memref<!tpu.dma_semaphore, #tpu.memory_space<semaphore_mem>>)
        %dma_wait3A = arith.constant 0 : i32
        %dma_wait3A_73 = tpu.memref_slice %arg3[%dma_wait3A] : memref<1600000xi32, #tpu.memory_space<hbm>> -> memref<1600000xi32, #tpu.memory_space<hbm>>
        tpu.wait_indirect_dma semaphore(%run_scoped3A : memref<!tpu.dma_semaphore, #tpu.memory_space<semaphore_mem>>) src(%dma_wait3A_73 : memref<1600000xi32, #tpu.memory_space<hbm>>) dst(%arg17 : memref<2000xi32, #tpu.memory_space<vmem>>)
        tpu.yield
      }) : () -> ()
      "tpu.region"() ({
        %run_scoped3A = tpu.sem_alloc : memref<!tpu.dma_semaphore, #tpu.memory_space<semaphore_mem>>
        %dma_start3A = arith.constant 0 : i32
        %dma_start3A_72 = tpu.memref_slice %arg4[%dma_start3A] : memref<1600000xi32, #tpu.memory_space<hbm>> -> memref<1600000xi32, #tpu.memory_space<hbm>>
        tpu.enqueue_indirect_dma source(%dma_start3A_72 : memref<1600000xi32, #tpu.memory_space<hbm>>) target(%arg18 : memref<2000xi32, #tpu.memory_space<vmem>>) offsets(%arg16 : memref<2000xi32, #tpu.memory_space<vmem>>) semaphore(%run_scoped3A : memref<!tpu.dma_semaphore, #tpu.memory_space<semaphore_mem>>)
        %dma_wait3A = arith.constant 0 : i32
        %dma_wait3A_73 = tpu.memref_slice %arg4[%dma_wait3A] : memref<1600000xi32, #tpu.memory_space<hbm>> -> memref<1600000xi32, #tpu.memory_space<hbm>>
        tpu.wait_indirect_dma semaphore(%run_scoped3A : memref<!tpu.dma_semaphore, #tpu.memory_space<semaphore_mem>>) src(%dma_wait3A_73 : memref<1600000xi32, #tpu.memory_space<hbm>>) dst(%arg18 : memref<2000xi32, #tpu.memory_space<vmem>>)
        tpu.yield
      }) : () -> ()
      "tpu.region"() ({
        %run_scoped3A = tpu.sem_alloc : memref<!tpu.dma_semaphore, #tpu.memory_space<semaphore_mem>>
        %dma_start3A = arith.constant 0 : i32
        %dma_start3A_72 = tpu.memref_slice %arg6[%dma_start3A] : memref<102400xi32, #tpu.memory_space<hbm>> -> memref<102400xi32, #tpu.memory_space<hbm>>
        tpu.enqueue_indirect_dma source(%dma_start3A_72 : memref<102400xi32, #tpu.memory_space<hbm>>) target(%arg19 : memref<2000xi32, #tpu.memory_space<vmem>>) offsets(%arg14 : memref<2000xi32, #tpu.memory_space<vmem>>) semaphore(%run_scoped3A : memref<!tpu.dma_semaphore, #tpu.memory_space<semaphore_mem>>)
        %dma_wait3A = arith.constant 0 : i32
        %dma_wait3A_73 = tpu.memref_slice %arg6[%dma_wait3A] : memref<102400xi32, #tpu.memory_space<hbm>> -> memref<102400xi32, #tpu.memory_space<hbm>>
        tpu.wait_indirect_dma semaphore(%run_scoped3A : memref<!tpu.dma_semaphore, #tpu.memory_space<semaphore_mem>>) src(%dma_wait3A_73 : memref<102400xi32, #tpu.memory_space<hbm>>) dst(%arg19 : memref<2000xi32, #tpu.memory_space<vmem>>)
        tpu.yield
      }) : () -> ()
      "tpu.region"() ({
        %run_scoped3A = tpu.sem_alloc : memref<!tpu.dma_semaphore, #tpu.memory_space<semaphore_mem>>
        %dma_start3A = arith.constant 0 : i32
        %dma_start3A_72 = tpu.memref_slice %arg8[%dma_start3A] : memref<102400xi32, #tpu.memory_space<hbm>> -> memref<102400xi32, #tpu.memory_space<hbm>>
        tpu.enqueue_indirect_dma source(%dma_start3A_72 : memref<102400xi32, #tpu.memory_space<hbm>>) target(%arg20 : memref<2000xi32, #tpu.memory_space<vmem>>) offsets(%arg14 : memref<2000xi32, #tpu.memory_space<vmem>>) semaphore(%run_scoped3A : memref<!tpu.dma_semaphore, #tpu.memory_space<semaphore_mem>>)
        %dma_wait3A = arith.constant 0 : i32
        %dma_wait3A_73 = tpu.memref_slice %arg8[%dma_wait3A] : memref<102400xi32, #tpu.memory_space<hbm>> -> memref<102400xi32, #tpu.memory_space<hbm>>
        tpu.wait_indirect_dma semaphore(%run_scoped3A : memref<!tpu.dma_semaphore, #tpu.memory_space<semaphore_mem>>) src(%dma_wait3A_73 : memref<102400xi32, #tpu.memory_space<hbm>>) dst(%arg20 : memref<2000xi32, #tpu.memory_space<vmem>>)
        tpu.yield
      }) : () -> ()
      "tpu.region"() ({
        %run_scoped3A = tpu.sem_alloc : memref<!tpu.dma_semaphore, #tpu.memory_space<semaphore_mem>>
        %dma_start3A = arith.constant 0 : i32
        %dma_start3A_72 = tpu.memref_slice %arg7[%dma_start3A] : memref<102400xi32, #tpu.memory_space<hbm>> -> memref<102400xi32, #tpu.memory_space<hbm>>
        tpu.enqueue_indirect_dma source(%dma_start3A_72 : memref<102400xi32, #tpu.memory_space<hbm>>) target(%arg21 : memref<2000xi32, #tpu.memory_space<vmem>>) offsets(%arg18 : memref<2000xi32, #tpu.memory_space<vmem>>) semaphore(%run_scoped3A : memref<!tpu.dma_semaphore, #tpu.memory_space<semaphore_mem>>)
        %dma_wait3A = arith.constant 0 : i32
        %dma_wait3A_73 = tpu.memref_slice %arg7[%dma_wait3A] : memref<102400xi32, #tpu.memory_space<hbm>> -> memref<102400xi32, #tpu.memory_space<hbm>>
        tpu.wait_indirect_dma semaphore(%run_scoped3A : memref<!tpu.dma_semaphore, #tpu.memory_space<semaphore_mem>>) src(%dma_wait3A_73 : memref<102400xi32, #tpu.memory_space<hbm>>) dst(%arg21 : memref<2000xi32, #tpu.memory_space<vmem>>)
        tpu.yield
      }) : () -> ()
      "tpu.region"() ({
        %run_scoped3A = tpu.sem_alloc : memref<!tpu.dma_semaphore, #tpu.memory_space<semaphore_mem>>
        %dma_start3A = arith.constant 0 : i32
        %dma_start3A_72 = tpu.memref_slice %arg8[%dma_start3A] : memref<102400xi32, #tpu.memory_space<hbm>> -> memref<102400xi32, #tpu.memory_space<hbm>>
        tpu.enqueue_indirect_dma source(%dma_start3A_72 : memref<102400xi32, #tpu.memory_space<hbm>>) target(%arg22 : memref<2000xi32, #tpu.memory_space<vmem>>) offsets(%arg18 : memref<2000xi32, #tpu.memory_space<vmem>>) semaphore(%run_scoped3A : memref<!tpu.dma_semaphore, #tpu.memory_space<semaphore_mem>>)
        %dma_wait3A = arith.constant 0 : i32
        %dma_wait3A_73 = tpu.memref_slice %arg8[%dma_wait3A] : memref<102400xi32, #tpu.memory_space<hbm>> -> memref<102400xi32, #tpu.memory_space<hbm>>
        tpu.wait_indirect_dma semaphore(%run_scoped3A : memref<!tpu.dma_semaphore, #tpu.memory_space<semaphore_mem>>) src(%dma_wait3A_73 : memref<102400xi32, #tpu.memory_space<hbm>>) dst(%arg22 : memref<2000xi32, #tpu.memory_space<vmem>>)
        tpu.yield
      }) : () -> ()
      %sub3A_52 = arith.constant 500 : i32
      %sub3A_53 = arith.constant 0 : i32
      %sub3A_54 = arith.subi %sub3A_52, %sub3A_53 : i32
      %sub3A_55 = arith.constant 1 : i32
      %sub3A_56 = arith.constant 1 : i32
      %sub3A_57 = arith.subi %sub3A_55, %sub3A_56 : i32
      %add3A_58 = arith.addi %sub3A_54, %sub3A_57 : i32
      %div3A_59 = arith.constant 1 : i32
      %div3A_60 = arith.divsi %add3A_58, %div3A_59 : i32
      %while3A_61 = arith.constant 1 : i32
      %while3A_62 = arith.constant 0 : i32
      %while3A_63 = arith.constant 0 : i32
      %while3A_64 = arith.subi %div3A_60, %while3A_63 : i32
      %while3A_65 = arith.addi %while3A_63, %while3A_64 : i32
      %while3A_66 = arith.constant 1 : i32
      %while3A_67 = arith.divsi %while3A_64, %while3A_66 : i32
      %while3A_68 = arith.muli %while3A_67, %while3A_66 : i32
      %while3A_69 = arith.addi %while3A_63, %while3A_68 : i32
      %while3A_70 = arith.constant 1 : i32
      scf.for %while3A_72 = %while3A_63 to %while3A_69 step %while3A_70  : i32 {
        %mul3A_73 = arith.muli %while3A_72, %while3A_61 : i32
        %add3A_74 = arith.addi %while3A_62, %mul3A_73 : i32
        %mul3A_75 = arith.constant 16 : i32
        %mul3A_76 = arith.muli %add3A_74, %mul3A_75 : i32
        %mul3A_77 = arith.constant 4 : i32
        %mul3A_78 = arith.muli %add3A_74, %mul3A_77 : i32
        %add3A_79 = vector.broadcast %mul3A_78 : i32 to vector<16xi32>
        %add3A_80 = arith.addi %add3A_79, %shift_right_arithmetic3A_4 : vector<16xi32>
        %gather3A = tpu.vector_load_idx %arg19[%add3A_80] : memref<2000xi32, #tpu.memory_space<vmem>>[vector<16xi32>], vector<16xi32>,
        %add3A_81 = vector.broadcast %add3A_49 : i32 to vector<16xi32>
        %add3A_82 = arith.addi %add3A_81, %add3A_80 : vector<16xi32>
        %add3A_83 = arith.addi %gather3A, %add3A_82 : vector<16xi32>
        %gather3A_84 = tpu.vector_load_idx %arg20[%add3A_80] : memref<2000xi32, #tpu.memory_space<vmem>>[vector<16xi32>], vector<16xi32>,
        %mul3A_85 = arith.muli %and3A_2, %gather3A_84 : vector<16xi32>
        %add3A_86 = arith.addi %add3A_83, %mul3A_85 : vector<16xi32>
        %gather3A_87 = tpu.vector_load_idx %arg14[%add3A_80] : memref<2000xi32, #tpu.memory_space<vmem>>[vector<16xi32>], vector<16xi32>,
        %mul3A_88 = arith.constant 4 : i32
        %mul3A_89 = vector.broadcast %mul3A_88 : i32 to vector<16xi32>
        %mul3A_90 = arith.muli %gather3A_87, %mul3A_89 : vector<16xi32>
        %add3A_91 = arith.addi %mul3A_90, %and3A_2 : vector<16xi32>
        %gather3A_92 = tpu.vector_load_idx %arg15[%add3A_80] : memref<2000xi32, #tpu.memory_space<vmem>>[vector<16xi32>], vector<16xi32>,
        %mul3A_93 = arith.constant 4 : i32
        %mul3A_94 = vector.broadcast %mul3A_93 : i32 to vector<16xi32>
        %mul3A_95 = arith.muli %gather3A_92, %mul3A_94 : vector<16xi32>
        %add3A_96 = arith.addi %mul3A_95, %and3A_2 : vector<16xi32>
        %gather3A_97 = tpu.vector_load_idx %arg21[%add3A_80] : memref<2000xi32, #tpu.memory_space<vmem>>[vector<16xi32>], vector<16xi32>,
        %add3A_98 = vector.broadcast %add3A_49 : i32 to vector<16xi32>
        %add3A_99 = arith.addi %add3A_98, %add3A_80 : vector<16xi32>
        %add3A_100 = arith.addi %gather3A_97, %add3A_99 : vector<16xi32>
        %gather3A_101 = tpu.vector_load_idx %arg22[%add3A_80] : memref<2000xi32, #tpu.memory_space<vmem>>[vector<16xi32>], vector<16xi32>,
        %mul3A_102 = arith.muli %and3A_2, %gather3A_101 : vector<16xi32>
        %add3A_103 = arith.addi %add3A_100, %mul3A_102 : vector<16xi32>
        %gather3A_104 = tpu.vector_load_idx %arg18[%add3A_80] : memref<2000xi32, #tpu.memory_space<vmem>>[vector<16xi32>], vector<16xi32>,
        %mul3A_105 = arith.constant 4 : i32
        %mul3A_106 = vector.broadcast %mul3A_105 : i32 to vector<16xi32>
        %mul3A_107 = arith.muli %gather3A_104, %mul3A_106 : vector<16xi32>
        %add3A_108 = arith.addi %mul3A_107, %and3A_2 : vector<16xi32>
        %gather3A_109 = tpu.vector_load_idx %arg17[%add3A_80] : memref<2000xi32, #tpu.memory_space<vmem>>[vector<16xi32>], vector<16xi32>,
        %mul3A_110 = arith.constant 4 : i32
        %mul3A_111 = vector.broadcast %mul3A_110 : i32 to vector<16xi32>
        %mul3A_112 = arith.muli %gather3A_109, %mul3A_111 : vector<16xi32>
        %add3A_113 = arith.addi %mul3A_112, %and3A_2 : vector<16xi32>
        %gather3A_114 = tpu.vector_load_idx %arg16[%add3A_80] : memref<2000xi32, #tpu.memory_space<vmem>>[vector<16xi32>], vector<16xi32>,
        %mul3A_115 = arith.constant 4 : i32
        %mul3A_116 = vector.broadcast %mul3A_115 : i32 to vector<16xi32>
        %mul3A_117 = arith.muli %gather3A_114, %mul3A_116 : vector<16xi32>
        %add3A_118 = arith.addi %mul3A_117, %and3A_2 : vector<16xi32>
        %swap3A = arith.index_cast %mul3A_76 : i32 to index
        %swap3A_119 = tpu.vector_load %arg25[%swap3A] {strides = array<i32>} : memref<8000xi32, #tpu.memory_space<vmem>>, vector<16xi32>,
        tpu.vector_store %arg25[%swap3A], %add3A_86 {strides = array<i32>} : memref<8000xi32, #tpu.memory_space<vmem>>, vector<16xi32>,
        %swap3A_120 = arith.index_cast %mul3A_76 : i32 to index
        %swap3A_121 = tpu.vector_load %arg26[%swap3A_120] {strides = array<i32>} : memref<8000xi32, #tpu.memory_space<vmem>>, vector<16xi32>,
        tpu.vector_store %arg26[%swap3A_120], %add3A_91 {strides = array<i32>} : memref<8000xi32, #tpu.memory_space<vmem>>, vector<16xi32>,
        %swap3A_122 = arith.index_cast %mul3A_76 : i32 to index
        %swap3A_123 = tpu.vector_load %arg27[%swap3A_122] {strides = array<i32>} : memref<8000xi32, #tpu.memory_space<vmem>>, vector<16xi32>,
        tpu.vector_store %arg27[%swap3A_122], %add3A_96 {strides = array<i32>} : memref<8000xi32, #tpu.memory_space<vmem>>, vector<16xi32>,
        %swap3A_124 = arith.index_cast %mul3A_76 : i32 to index
        %swap3A_125 = tpu.vector_load %arg28[%swap3A_124] {strides = array<i32>} : memref<8000xi32, #tpu.memory_space<vmem>>, vector<16xi32>,
        tpu.vector_store %arg28[%swap3A_124], %add3A_103 {strides = array<i32>} : memref<8000xi32, #tpu.memory_space<vmem>>, vector<16xi32>,
        %swap3A_126 = arith.index_cast %mul3A_76 : i32 to index
        %swap3A_127 = tpu.vector_load %arg29[%swap3A_126] {strides = array<i32>} : memref<8000xi32, #tpu.memory_space<vmem>>, vector<16xi32>,
        tpu.vector_store %arg29[%swap3A_126], %add3A_108 {strides = array<i32>} : memref<8000xi32, #tpu.memory_space<vmem>>, vector<16xi32>,
        %swap3A_128 = arith.index_cast %mul3A_76 : i32 to index
        %swap3A_129 = tpu.vector_load %arg30[%swap3A_128] {strides = array<i32>} : memref<8000xi32, #tpu.memory_space<vmem>>, vector<16xi32>,
        tpu.vector_store %arg30[%swap3A_128], %add3A_113 {strides = array<i32>} : memref<8000xi32, #tpu.memory_space<vmem>>, vector<16xi32>,
        %swap3A_130 = arith.index_cast %mul3A_76 : i32 to index
        %swap3A_131 = tpu.vector_load %arg31[%swap3A_130] {strides = array<i32>} : memref<8000xi32, #tpu.memory_space<vmem>>, vector<16xi32>,
        tpu.vector_store %arg31[%swap3A_130], %add3A_118 {strides = array<i32>} : memref<8000xi32, #tpu.memory_space<vmem>>, vector<16xi32>,
      }
      %while3A_71 = arith.constant 1 : i32
      scf.for %while3A_72 = %while3A_69 to %while3A_65 step %while3A_71  : i32 {
        %mul3A_73 = arith.muli %while3A_72, %while3A_61 : i32
        %add3A_74 = arith.addi %while3A_62, %mul3A_73 : i32
        %mul3A_75 = arith.constant 16 : i32
        %mul3A_76 = arith.muli %add3A_74, %mul3A_75 : i32
        %mul3A_77 = arith.constant 4 : i32
        %mul3A_78 = arith.muli %add3A_74, %mul3A_77 : i32
        %add3A_79 = vector.broadcast %mul3A_78 : i32 to vector<16xi32>
        %add3A_80 = arith.addi %add3A_79, %shift_right_arithmetic3A_4 : vector<16xi32>
        %gather3A = tpu.vector_load_idx %arg19[%add3A_80] : memref<2000xi32, #tpu.memory_space<vmem>>[vector<16xi32>], vector<16xi32>,
        %add3A_81 = vector.broadcast %add3A_49 : i32 to vector<16xi32>
        %add3A_82 = arith.addi %add3A_81, %add3A_80 : vector<16xi32>
        %add3A_83 = arith.addi %gather3A, %add3A_82 : vector<16xi32>
        %gather3A_84 = tpu.vector_load_idx %arg20[%add3A_80] : memref<2000xi32, #tpu.memory_space<vmem>>[vector<16xi32>], vector<16xi32>,
        %mul3A_85 = arith.muli %and3A_2, %gather3A_84 : vector<16xi32>
        %add3A_86 = arith.addi %add3A_83, %mul3A_85 : vector<16xi32>
        %gather3A_87 = tpu.vector_load_idx %arg14[%add3A_80] : memref<2000xi32, #tpu.memory_space<vmem>>[vector<16xi32>], vector<16xi32>,
        %mul3A_88 = arith.constant 4 : i32
        %mul3A_89 = vector.broadcast %mul3A_88 : i32 to vector<16xi32>
        %mul3A_90 = arith.muli %gather3A_87, %mul3A_89 : vector<16xi32>
        %add3A_91 = arith.addi %mul3A_90, %and3A_2 : vector<16xi32>
        %gather3A_92 = tpu.vector_load_idx %arg15[%add3A_80] : memref<2000xi32, #tpu.memory_space<vmem>>[vector<16xi32>], vector<16xi32>,
        %mul3A_93 = arith.constant 4 : i32
        %mul3A_94 = vector.broadcast %mul3A_93 : i32 to vector<16xi32>
        %mul3A_95 = arith.muli %gather3A_92, %mul3A_94 : vector<16xi32>
        %add3A_96 = arith.addi %mul3A_95, %and3A_2 : vector<16xi32>
        %gather3A_97 = tpu.vector_load_idx %arg21[%add3A_80] : memref<2000xi32, #tpu.memory_space<vmem>>[vector<16xi32>], vector<16xi32>,
        %add3A_98 = vector.broadcast %add3A_49 : i32 to vector<16xi32>
        %add3A_99 = arith.addi %add3A_98, %add3A_80 : vector<16xi32>
        %add3A_100 = arith.addi %gather3A_97, %add3A_99 : vector<16xi32>
        %gather3A_101 = tpu.vector_load_idx %arg22[%add3A_80] : memref<2000xi32, #tpu.memory_space<vmem>>[vector<16xi32>], vector<16xi32>,
        %mul3A_102 = arith.muli %and3A_2, %gather3A_101 : vector<16xi32>
        %add3A_103 = arith.addi %add3A_100, %mul3A_102 : vector<16xi32>
        %gather3A_104 = tpu.vector_load_idx %arg18[%add3A_80] : memref<2000xi32, #tpu.memory_space<vmem>>[vector<16xi32>], vector<16xi32>,
        %mul3A_105 = arith.constant 4 : i32
        %mul3A_106 = vector.broadcast %mul3A_105 : i32 to vector<16xi32>
        %mul3A_107 = arith.muli %gather3A_104, %mul3A_106 : vector<16xi32>
        %add3A_108 = arith.addi %mul3A_107, %and3A_2 : vector<16xi32>
        %gather3A_109 = tpu.vector_load_idx %arg17[%add3A_80] : memref<2000xi32, #tpu.memory_space<vmem>>[vector<16xi32>], vector<16xi32>,
        %mul3A_110 = arith.constant 4 : i32
        %mul3A_111 = vector.broadcast %mul3A_110 : i32 to vector<16xi32>
        %mul3A_112 = arith.muli %gather3A_109, %mul3A_111 : vector<16xi32>
        %add3A_113 = arith.addi %mul3A_112, %and3A_2 : vector<16xi32>
        %gather3A_114 = tpu.vector_load_idx %arg16[%add3A_80] : memref<2000xi32, #tpu.memory_space<vmem>>[vector<16xi32>], vector<16xi32>,
        %mul3A_115 = arith.constant 4 : i32
        %mul3A_116 = vector.broadcast %mul3A_115 : i32 to vector<16xi32>
        %mul3A_117 = arith.muli %gather3A_114, %mul3A_116 : vector<16xi32>
        %add3A_118 = arith.addi %mul3A_117, %and3A_2 : vector<16xi32>
        %swap3A = arith.index_cast %mul3A_76 : i32 to index
        %swap3A_119 = tpu.vector_load %arg25[%swap3A] {strides = array<i32>} : memref<8000xi32, #tpu.memory_space<vmem>>, vector<16xi32>,
        tpu.vector_store %arg25[%swap3A], %add3A_86 {strides = array<i32>} : memref<8000xi32, #tpu.memory_space<vmem>>, vector<16xi32>,
        %swap3A_120 = arith.index_cast %mul3A_76 : i32 to index
        %swap3A_121 = tpu.vector_load %arg26[%swap3A_120] {strides = array<i32>} : memref<8000xi32, #tpu.memory_space<vmem>>, vector<16xi32>,
        tpu.vector_store %arg26[%swap3A_120], %add3A_91 {strides = array<i32>} : memref<8000xi32, #tpu.memory_space<vmem>>, vector<16xi32>,
        %swap3A_122 = arith.index_cast %mul3A_76 : i32 to index
        %swap3A_123 = tpu.vector_load %arg27[%swap3A_122] {strides = array<i32>} : memref<8000xi32, #tpu.memory_space<vmem>>, vector<16xi32>,
        tpu.vector_store %arg27[%swap3A_122], %add3A_96 {strides = array<i32>} : memref<8000xi32, #tpu.memory_space<vmem>>, vector<16xi32>,
        %swap3A_124 = arith.index_cast %mul3A_76 : i32 to index
        %swap3A_125 = tpu.vector_load %arg28[%swap3A_124] {strides = array<i32>} : memref<8000xi32, #tpu.memory_space<vmem>>, vector<16xi32>,
        tpu.vector_store %arg28[%swap3A_124], %add3A_103 {strides = array<i32>} : memref<8000xi32, #tpu.memory_space<vmem>>, vector<16xi32>,
        %swap3A_126 = arith.index_cast %mul3A_76 : i32 to index
        %swap3A_127 = tpu.vector_load %arg29[%swap3A_126] {strides = array<i32>} : memref<8000xi32, #tpu.memory_space<vmem>>, vector<16xi32>,
        tpu.vector_store %arg29[%swap3A_126], %add3A_108 {strides = array<i32>} : memref<8000xi32, #tpu.memory_space<vmem>>, vector<16xi32>,
        %swap3A_128 = arith.index_cast %mul3A_76 : i32 to index
        %swap3A_129 = tpu.vector_load %arg30[%swap3A_128] {strides = array<i32>} : memref<8000xi32, #tpu.memory_space<vmem>>, vector<16xi32>,
        tpu.vector_store %arg30[%swap3A_128], %add3A_113 {strides = array<i32>} : memref<8000xi32, #tpu.memory_space<vmem>>, vector<16xi32>,
        %swap3A_130 = arith.index_cast %mul3A_76 : i32 to index
        %swap3A_131 = tpu.vector_load %arg31[%swap3A_130] {strides = array<i32>} : memref<8000xi32, #tpu.memory_space<vmem>>, vector<16xi32>,
        tpu.vector_store %arg31[%swap3A_130], %add3A_118 {strides = array<i32>} : memref<8000xi32, #tpu.memory_space<vmem>>, vector<16xi32>,
      }
      "tpu.region"() ({
        %run_scoped3A = tpu.sem_alloc : memref<!tpu.dma_semaphore, #tpu.memory_space<semaphore_mem>>
        %dma_start3A = arith.constant 0 : i32
        %dma_start3A_72 = tpu.memref_slice %arg2[%dma_start3A] : memref<6400000xf32, #tpu.memory_space<hbm>> -> memref<6400000xf32, #tpu.memory_space<hbm>>
        tpu.enqueue_indirect_dma source(%dma_start3A_72 : memref<6400000xf32, #tpu.memory_space<hbm>>) target(%arg24 : memref<8000xf32, #tpu.memory_space<vmem>>) offsets(%arg31 : memref<8000xi32, #tpu.memory_space<vmem>>) semaphore(%run_scoped3A : memref<!tpu.dma_semaphore, #tpu.memory_space<semaphore_mem>>)
        %dma_wait3A = arith.constant 0 : i32
        %dma_wait3A_73 = tpu.memref_slice %arg2[%dma_wait3A] : memref<6400000xf32, #tpu.memory_space<hbm>> -> memref<6400000xf32, #tpu.memory_space<hbm>>
        tpu.wait_indirect_dma semaphore(%run_scoped3A : memref<!tpu.dma_semaphore, #tpu.memory_space<semaphore_mem>>) src(%dma_wait3A_73 : memref<6400000xf32, #tpu.memory_space<hbm>>) dst(%arg24 : memref<8000xf32, #tpu.memory_space<vmem>>)
        tpu.yield
      }) : () -> ()
      "tpu.region"() ({
        %run_scoped3A = tpu.sem_alloc : memref<!tpu.dma_semaphore, #tpu.memory_space<semaphore_mem>>
        %dma_start3A = arith.constant 0 : i32
        %dma_start3A_72 = tpu.memref_slice %arg11[%dma_start3A] : memref<13200000xi32, #tpu.memory_space<hbm>> -> memref<13200000xi32, #tpu.memory_space<hbm>>
        tpu.enqueue_indirect_dma source(%arg26 : memref<8000xi32, #tpu.memory_space<vmem>>) target(%dma_start3A_72 : memref<13200000xi32, #tpu.memory_space<hbm>>) offsets(%arg25 : memref<8000xi32, #tpu.memory_space<vmem>>) semaphore(%run_scoped3A : memref<!tpu.dma_semaphore, #tpu.memory_space<semaphore_mem>>)
        %dma_wait3A = arith.constant 0 : i32
        %dma_wait3A_73 = tpu.memref_slice %arg11[%dma_wait3A] : memref<13200000xi32, #tpu.memory_space<hbm>> -> memref<13200000xi32, #tpu.memory_space<hbm>>
        tpu.wait_indirect_dma semaphore(%run_scoped3A : memref<!tpu.dma_semaphore, #tpu.memory_space<semaphore_mem>>) src(%arg26 : memref<8000xi32, #tpu.memory_space<vmem>>) dst(%dma_wait3A_73 : memref<13200000xi32, #tpu.memory_space<hbm>>)
        tpu.yield
      }) : () -> ()
      "tpu.region"() ({
        %run_scoped3A = tpu.sem_alloc : memref<!tpu.dma_semaphore, #tpu.memory_space<semaphore_mem>>
        %dma_start3A = arith.constant 0 : i32
        %dma_start3A_72 = tpu.memref_slice %arg12[%dma_start3A] : memref<13200000xi32, #tpu.memory_space<hbm>> -> memref<13200000xi32, #tpu.memory_space<hbm>>
        tpu.enqueue_indirect_dma source(%arg27 : memref<8000xi32, #tpu.memory_space<vmem>>) target(%dma_start3A_72 : memref<13200000xi32, #tpu.memory_space<hbm>>) offsets(%arg25 : memref<8000xi32, #tpu.memory_space<vmem>>) semaphore(%run_scoped3A : memref<!tpu.dma_semaphore, #tpu.memory_space<semaphore_mem>>)
        %dma_wait3A = arith.constant 0 : i32
        %dma_wait3A_73 = tpu.memref_slice %arg12[%dma_wait3A] : memref<13200000xi32, #tpu.memory_space<hbm>> -> memref<13200000xi32, #tpu.memory_space<hbm>>
        tpu.wait_indirect_dma semaphore(%run_scoped3A : memref<!tpu.dma_semaphore, #tpu.memory_space<semaphore_mem>>) src(%arg27 : memref<8000xi32, #tpu.memory_space<vmem>>) dst(%dma_wait3A_73 : memref<13200000xi32, #tpu.memory_space<hbm>>)
        tpu.yield
      }) : () -> ()
      "tpu.region"() ({
        %run_scoped3A = tpu.sem_alloc : memref<!tpu.dma_semaphore, #tpu.memory_space<semaphore_mem>>
        %dma_start3A = arith.constant 0 : i32
        %dma_start3A_72 = tpu.memref_slice %arg13[%dma_start3A] : memref<13200000xf32, #tpu.memory_space<hbm>> -> memref<13200000xf32, #tpu.memory_space<hbm>>
        tpu.enqueue_indirect_dma source(%arg23 : memref<8000xf32, #tpu.memory_space<vmem>>) target(%dma_start3A_72 : memref<13200000xf32, #tpu.memory_space<hbm>>) offsets(%arg25 : memref<8000xi32, #tpu.memory_space<vmem>>) semaphore(%run_scoped3A : memref<!tpu.dma_semaphore, #tpu.memory_space<semaphore_mem>>)
        %dma_wait3A = arith.constant 0 : i32
        %dma_wait3A_73 = tpu.memref_slice %arg13[%dma_wait3A] : memref<13200000xf32, #tpu.memory_space<hbm>> -> memref<13200000xf32, #tpu.memory_space<hbm>>
        tpu.wait_indirect_dma semaphore(%run_scoped3A : memref<!tpu.dma_semaphore, #tpu.memory_space<semaphore_mem>>) src(%arg23 : memref<8000xf32, #tpu.memory_space<vmem>>) dst(%dma_wait3A_73 : memref<13200000xf32, #tpu.memory_space<hbm>>)
        tpu.yield
      }) : () -> ()
      "tpu.region"() ({
        %run_scoped3A = tpu.sem_alloc : memref<!tpu.dma_semaphore, #tpu.memory_space<semaphore_mem>>
        %dma_start3A = arith.constant 0 : i32
        %dma_start3A_72 = tpu.memref_slice %arg11[%dma_start3A] : memref<13200000xi32, #tpu.memory_space<hbm>> -> memref<13200000xi32, #tpu.memory_space<hbm>>
        tpu.enqueue_indirect_dma source(%arg29 : memref<8000xi32, #tpu.memory_space<vmem>>) target(%dma_start3A_72 : memref<13200000xi32, #tpu.memory_space<hbm>>) offsets(%arg28 : memref<8000xi32, #tpu.memory_space<vmem>>) semaphore(%run_scoped3A : memref<!tpu.dma_semaphore, #tpu.memory_space<semaphore_mem>>)
        %dma_wait3A = arith.constant 0 : i32
        %dma_wait3A_73 = tpu.memref_slice %arg11[%dma_wait3A] : memref<13200000xi32, #tpu.memory_space<hbm>> -> memref<13200000xi32, #tpu.memory_space<hbm>>
        tpu.wait_indirect_dma semaphore(%run_scoped3A : memref<!tpu.dma_semaphore, #tpu.memory_space<semaphore_mem>>) src(%arg29 : memref<8000xi32, #tpu.memory_space<vmem>>) dst(%dma_wait3A_73 : memref<13200000xi32, #tpu.memory_space<hbm>>)
        tpu.yield
      }) : () -> ()
      "tpu.region"() ({
        %run_scoped3A = tpu.sem_alloc : memref<!tpu.dma_semaphore, #tpu.memory_space<semaphore_mem>>
        %dma_start3A = arith.constant 0 : i32
        %dma_start3A_72 = tpu.memref_slice %arg12[%dma_start3A] : memref<13200000xi32, #tpu.memory_space<hbm>> -> memref<13200000xi32, #tpu.memory_space<hbm>>
        tpu.enqueue_indirect_dma source(%arg30 : memref<8000xi32, #tpu.memory_space<vmem>>) target(%dma_start3A_72 : memref<13200000xi32, #tpu.memory_space<hbm>>) offsets(%arg28 : memref<8000xi32, #tpu.memory_space<vmem>>) semaphore(%run_scoped3A : memref<!tpu.dma_semaphore, #tpu.memory_space<semaphore_mem>>)
        %dma_wait3A = arith.constant 0 : i32
        %dma_wait3A_73 = tpu.memref_slice %arg12[%dma_wait3A] : memref<13200000xi32, #tpu.memory_space<hbm>> -> memref<13200000xi32, #tpu.memory_space<hbm>>
        tpu.wait_indirect_dma semaphore(%run_scoped3A : memref<!tpu.dma_semaphore, #tpu.memory_space<semaphore_mem>>) src(%arg30 : memref<8000xi32, #tpu.memory_space<vmem>>) dst(%dma_wait3A_73 : memref<13200000xi32, #tpu.memory_space<hbm>>)
        tpu.yield
      }) : () -> ()
      "tpu.region"() ({
        %run_scoped3A = tpu.sem_alloc : memref<!tpu.dma_semaphore, #tpu.memory_space<semaphore_mem>>
        %dma_start3A = arith.constant 0 : i32
        %dma_start3A_72 = tpu.memref_slice %arg13[%dma_start3A] : memref<13200000xf32, #tpu.memory_space<hbm>> -> memref<13200000xf32, #tpu.memory_space<hbm>>
        tpu.enqueue_indirect_dma source(%arg24 : memref<8000xf32, #tpu.memory_space<vmem>>) target(%dma_start3A_72 : memref<13200000xf32, #tpu.memory_space<hbm>>) offsets(%arg28 : memref<8000xi32, #tpu.memory_space<vmem>>) semaphore(%run_scoped3A : memref<!tpu.dma_semaphore, #tpu.memory_space<semaphore_mem>>)
        %dma_wait3A = arith.constant 0 : i32
        %dma_wait3A_73 = tpu.memref_slice %arg13[%dma_wait3A] : memref<13200000xf32, #tpu.memory_space<hbm>> -> memref<13200000xf32, #tpu.memory_space<hbm>>
        tpu.wait_indirect_dma semaphore(%run_scoped3A : memref<!tpu.dma_semaphore, #tpu.memory_space<semaphore_mem>>) src(%arg24 : memref<8000xf32, #tpu.memory_space<vmem>>) dst(%dma_wait3A_73 : memref<13200000xf32, #tpu.memory_space<hbm>>)
        tpu.yield
      }) : () -> ()
    }
    %while3A_23 = arith.constant 1 : i32
    scf.for %while3A_44 = %while3A_21 to %while3A_17 step %while3A_23  : i32 {
      %mul3A_45 = arith.muli %while3A_44, %while3A : i32
      %add3A_46 = arith.addi %while3A_14, %mul3A_45 : i32
      %mul3A_47 = arith.constant 2000 : i32
      %mul3A_48 = arith.muli %add3A_46, %mul3A_47 : i32
      %add3A_49 = arith.addi %mul3A_6, %mul3A_48 : i32
      "tpu.region"() ({
        %run_scoped3A = tpu.sem_alloc : memref<!tpu.dma_semaphore, #tpu.memory_space<semaphore_mem>>
        %dma_start3A = tpu.memref_slice %arg3[%add3A_49] : memref<1600000xi32, #tpu.memory_space<hbm>> -> memref<2000xi32, #tpu.memory_space<hbm>>
        %dma_start3A_72 = tpu.memref_slice %arg3[%add3A_49] : memref<1600000xi32, #tpu.memory_space<hbm>> -> memref<2000xi32, #tpu.memory_space<hbm>>
        tpu.enqueue_dma source(%dma_start3A_72 : memref<2000xi32, #tpu.memory_space<hbm>>) target(%arg14 : memref<2000xi32, #tpu.memory_space<vmem>>) target_semaphore(%run_scoped3A : memref<!tpu.dma_semaphore, #tpu.memory_space<semaphore_mem>>)
        %dma_wait3A = tpu.memref_slice %arg3[%add3A_49] : memref<1600000xi32, #tpu.memory_space<hbm>> -> memref<2000xi32, #tpu.memory_space<hbm>>
        %dma_wait3A_73 = tpu.memref_slice %arg3[%add3A_49] : memref<1600000xi32, #tpu.memory_space<hbm>> -> memref<2000xi32, #tpu.memory_space<hbm>>
        tpu.wait_dma2 semaphore(%run_scoped3A : memref<!tpu.dma_semaphore, #tpu.memory_space<semaphore_mem>>) src(%dma_wait3A_73 : memref<2000xi32, #tpu.memory_space<hbm>>) dst(%arg14 : memref<2000xi32, #tpu.memory_space<vmem>>)
        tpu.yield
      }) : () -> ()
      "tpu.region"() ({
        %run_scoped3A = tpu.sem_alloc : memref<!tpu.dma_semaphore, #tpu.memory_space<semaphore_mem>>
        %dma_start3A = tpu.memref_slice %arg4[%add3A_49] : memref<1600000xi32, #tpu.memory_space<hbm>> -> memref<2000xi32, #tpu.memory_space<hbm>>
        %dma_start3A_72 = tpu.memref_slice %arg4[%add3A_49] : memref<1600000xi32, #tpu.memory_space<hbm>> -> memref<2000xi32, #tpu.memory_space<hbm>>
        tpu.enqueue_dma source(%dma_start3A_72 : memref<2000xi32, #tpu.memory_space<hbm>>) target(%arg15 : memref<2000xi32, #tpu.memory_space<vmem>>) target_semaphore(%run_scoped3A : memref<!tpu.dma_semaphore, #tpu.memory_space<semaphore_mem>>)
        %dma_wait3A = tpu.memref_slice %arg4[%add3A_49] : memref<1600000xi32, #tpu.memory_space<hbm>> -> memref<2000xi32, #tpu.memory_space<hbm>>
        %dma_wait3A_73 = tpu.memref_slice %arg4[%add3A_49] : memref<1600000xi32, #tpu.memory_space<hbm>> -> memref<2000xi32, #tpu.memory_space<hbm>>
        tpu.wait_dma2 semaphore(%run_scoped3A : memref<!tpu.dma_semaphore, #tpu.memory_space<semaphore_mem>>) src(%dma_wait3A_73 : memref<2000xi32, #tpu.memory_space<hbm>>) dst(%arg15 : memref<2000xi32, #tpu.memory_space<vmem>>)
        tpu.yield
      }) : () -> ()
      "tpu.region"() ({
        %run_scoped3A = tpu.sem_alloc : memref<!tpu.dma_semaphore, #tpu.memory_space<semaphore_mem>>
        %dma_start3A = tpu.memref_slice %arg5[%add3A_49] : memref<1600000xi32, #tpu.memory_space<hbm>> -> memref<2000xi32, #tpu.memory_space<hbm>>
        %dma_start3A_72 = tpu.memref_slice %arg5[%add3A_49] : memref<1600000xi32, #tpu.memory_space<hbm>> -> memref<2000xi32, #tpu.memory_space<hbm>>
        tpu.enqueue_dma source(%dma_start3A_72 : memref<2000xi32, #tpu.memory_space<hbm>>) target(%arg16 : memref<2000xi32, #tpu.memory_space<vmem>>) target_semaphore(%run_scoped3A : memref<!tpu.dma_semaphore, #tpu.memory_space<semaphore_mem>>)
        %dma_wait3A = tpu.memref_slice %arg5[%add3A_49] : memref<1600000xi32, #tpu.memory_space<hbm>> -> memref<2000xi32, #tpu.memory_space<hbm>>
        %dma_wait3A_73 = tpu.memref_slice %arg5[%add3A_49] : memref<1600000xi32, #tpu.memory_space<hbm>> -> memref<2000xi32, #tpu.memory_space<hbm>>
        tpu.wait_dma2 semaphore(%run_scoped3A : memref<!tpu.dma_semaphore, #tpu.memory_space<semaphore_mem>>) src(%dma_wait3A_73 : memref<2000xi32, #tpu.memory_space<hbm>>) dst(%arg16 : memref<2000xi32, #tpu.memory_space<vmem>>)
        tpu.yield
      }) : () -> ()
      %mul3A_50 = arith.constant 4 : i32
      %mul3A_51 = arith.muli %mul3A_50, %add3A_49 : i32
      "tpu.region"() ({
        %run_scoped3A = tpu.sem_alloc : memref<!tpu.dma_semaphore, #tpu.memory_space<semaphore_mem>>
        %dma_start3A = tpu.memref_slice %arg2[%mul3A_51] : memref<6400000xf32, #tpu.memory_space<hbm>> -> memref<8000xf32, #tpu.memory_space<hbm>>
        %dma_start3A_72 = tpu.memref_slice %arg2[%mul3A_51] : memref<6400000xf32, #tpu.memory_space<hbm>> -> memref<8000xf32, #tpu.memory_space<hbm>>
        tpu.enqueue_dma source(%dma_start3A_72 : memref<8000xf32, #tpu.memory_space<hbm>>) target(%arg23 : memref<8000xf32, #tpu.memory_space<vmem>>) target_semaphore(%run_scoped3A : memref<!tpu.dma_semaphore, #tpu.memory_space<semaphore_mem>>)
        %dma_wait3A = tpu.memref_slice %arg2[%mul3A_51] : memref<6400000xf32, #tpu.memory_space<hbm>> -> memref<8000xf32, #tpu.memory_space<hbm>>
        %dma_wait3A_73 = tpu.memref_slice %arg2[%mul3A_51] : memref<6400000xf32, #tpu.memory_space<hbm>> -> memref<8000xf32, #tpu.memory_space<hbm>>
        tpu.wait_dma2 semaphore(%run_scoped3A : memref<!tpu.dma_semaphore, #tpu.memory_space<semaphore_mem>>) src(%dma_wait3A_73 : memref<8000xf32, #tpu.memory_space<hbm>>) dst(%arg23 : memref<8000xf32, #tpu.memory_space<vmem>>)
        tpu.yield
      }) : () -> ()
      "tpu.region"() ({
        %run_scoped3A = tpu.sem_alloc : memref<!tpu.dma_semaphore, #tpu.memory_space<semaphore_mem>>
        %dma_start3A = arith.constant 0 : i32
        %dma_start3A_72 = tpu.memref_slice %arg3[%dma_start3A] : memref<1600000xi32, #tpu.memory_space<hbm>> -> memref<1600000xi32, #tpu.memory_space<hbm>>
        tpu.enqueue_indirect_dma source(%dma_start3A_72 : memref<1600000xi32, #tpu.memory_space<hbm>>) target(%arg17 : memref<2000xi32, #tpu.memory_space<vmem>>) offsets(%arg16 : memref<2000xi32, #tpu.memory_space<vmem>>) semaphore(%run_scoped3A : memref<!tpu.dma_semaphore, #tpu.memory_space<semaphore_mem>>)
        %dma_wait3A = arith.constant 0 : i32
        %dma_wait3A_73 = tpu.memref_slice %arg3[%dma_wait3A] : memref<1600000xi32, #tpu.memory_space<hbm>> -> memref<1600000xi32, #tpu.memory_space<hbm>>
        tpu.wait_indirect_dma semaphore(%run_scoped3A : memref<!tpu.dma_semaphore, #tpu.memory_space<semaphore_mem>>) src(%dma_wait3A_73 : memref<1600000xi32, #tpu.memory_space<hbm>>) dst(%arg17 : memref<2000xi32, #tpu.memory_space<vmem>>)
        tpu.yield
      }) : () -> ()
      "tpu.region"() ({
        %run_scoped3A = tpu.sem_alloc : memref<!tpu.dma_semaphore, #tpu.memory_space<semaphore_mem>>
        %dma_start3A = arith.constant 0 : i32
        %dma_start3A_72 = tpu.memref_slice %arg4[%dma_start3A] : memref<1600000xi32, #tpu.memory_space<hbm>> -> memref<1600000xi32, #tpu.memory_space<hbm>>
        tpu.enqueue_indirect_dma source(%dma_start3A_72 : memref<1600000xi32, #tpu.memory_space<hbm>>) target(%arg18 : memref<2000xi32, #tpu.memory_space<vmem>>) offsets(%arg16 : memref<2000xi32, #tpu.memory_space<vmem>>) semaphore(%run_scoped3A : memref<!tpu.dma_semaphore, #tpu.memory_space<semaphore_mem>>)
        %dma_wait3A = arith.constant 0 : i32
        %dma_wait3A_73 = tpu.memref_slice %arg4[%dma_wait3A] : memref<1600000xi32, #tpu.memory_space<hbm>> -> memref<1600000xi32, #tpu.memory_space<hbm>>
        tpu.wait_indirect_dma semaphore(%run_scoped3A : memref<!tpu.dma_semaphore, #tpu.memory_space<semaphore_mem>>) src(%dma_wait3A_73 : memref<1600000xi32, #tpu.memory_space<hbm>>) dst(%arg18 : memref<2000xi32, #tpu.memory_space<vmem>>)
        tpu.yield
      }) : () -> ()
      "tpu.region"() ({
        %run_scoped3A = tpu.sem_alloc : memref<!tpu.dma_semaphore, #tpu.memory_space<semaphore_mem>>
        %dma_start3A = arith.constant 0 : i32
        %dma_start3A_72 = tpu.memref_slice %arg6[%dma_start3A] : memref<102400xi32, #tpu.memory_space<hbm>> -> memref<102400xi32, #tpu.memory_space<hbm>>
        tpu.enqueue_indirect_dma source(%dma_start3A_72 : memref<102400xi32, #tpu.memory_space<hbm>>) target(%arg19 : memref<2000xi32, #tpu.memory_space<vmem>>) offsets(%arg14 : memref<2000xi32, #tpu.memory_space<vmem>>) semaphore(%run_scoped3A : memref<!tpu.dma_semaphore, #tpu.memory_space<semaphore_mem>>)
        %dma_wait3A = arith.constant 0 : i32
        %dma_wait3A_73 = tpu.memref_slice %arg6[%dma_wait3A] : memref<102400xi32, #tpu.memory_space<hbm>> -> memref<102400xi32, #tpu.memory_space<hbm>>
        tpu.wait_indirect_dma semaphore(%run_scoped3A : memref<!tpu.dma_semaphore, #tpu.memory_space<semaphore_mem>>) src(%dma_wait3A_73 : memref<102400xi32, #tpu.memory_space<hbm>>) dst(%arg19 : memref<2000xi32, #tpu.memory_space<vmem>>)
        tpu.yield
      }) : () -> ()
      "tpu.region"() ({
        %run_scoped3A = tpu.sem_alloc : memref<!tpu.dma_semaphore, #tpu.memory_space<semaphore_mem>>
        %dma_start3A = arith.constant 0 : i32
        %dma_start3A_72 = tpu.memref_slice %arg8[%dma_start3A] : memref<102400xi32, #tpu.memory_space<hbm>> -> memref<102400xi32, #tpu.memory_space<hbm>>
        tpu.enqueue_indirect_dma source(%dma_start3A_72 : memref<102400xi32, #tpu.memory_space<hbm>>) target(%arg20 : memref<2000xi32, #tpu.memory_space<vmem>>) offsets(%arg14 : memref<2000xi32, #tpu.memory_space<vmem>>) semaphore(%run_scoped3A : memref<!tpu.dma_semaphore, #tpu.memory_space<semaphore_mem>>)
        %dma_wait3A = arith.constant 0 : i32
        %dma_wait3A_73 = tpu.memref_slice %arg8[%dma_wait3A] : memref<102400xi32, #tpu.memory_space<hbm>> -> memref<102400xi32, #tpu.memory_space<hbm>>
        tpu.wait_indirect_dma semaphore(%run_scoped3A : memref<!tpu.dma_semaphore, #tpu.memory_space<semaphore_mem>>) src(%dma_wait3A_73 : memref<102400xi32, #tpu.memory_space<hbm>>) dst(%arg20 : memref<2000xi32, #tpu.memory_space<vmem>>)
        tpu.yield
      }) : () -> ()
      "tpu.region"() ({
        %run_scoped3A = tpu.sem_alloc : memref<!tpu.dma_semaphore, #tpu.memory_space<semaphore_mem>>
        %dma_start3A = arith.constant 0 : i32
        %dma_start3A_72 = tpu.memref_slice %arg7[%dma_start3A] : memref<102400xi32, #tpu.memory_space<hbm>> -> memref<102400xi32, #tpu.memory_space<hbm>>
        tpu.enqueue_indirect_dma source(%dma_start3A_72 : memref<102400xi32, #tpu.memory_space<hbm>>) target(%arg21 : memref<2000xi32, #tpu.memory_space<vmem>>) offsets(%arg18 : memref<2000xi32, #tpu.memory_space<vmem>>) semaphore(%run_scoped3A : memref<!tpu.dma_semaphore, #tpu.memory_space<semaphore_mem>>)
        %dma_wait3A = arith.constant 0 : i32
        %dma_wait3A_73 = tpu.memref_slice %arg7[%dma_wait3A] : memref<102400xi32, #tpu.memory_space<hbm>> -> memref<102400xi32, #tpu.memory_space<hbm>>
        tpu.wait_indirect_dma semaphore(%run_scoped3A : memref<!tpu.dma_semaphore, #tpu.memory_space<semaphore_mem>>) src(%dma_wait3A_73 : memref<102400xi32, #tpu.memory_space<hbm>>) dst(%arg21 : memref<2000xi32, #tpu.memory_space<vmem>>)
        tpu.yield
      }) : () -> ()
      "tpu.region"() ({
        %run_scoped3A = tpu.sem_alloc : memref<!tpu.dma_semaphore, #tpu.memory_space<semaphore_mem>>
        %dma_start3A = arith.constant 0 : i32
        %dma_start3A_72 = tpu.memref_slice %arg8[%dma_start3A] : memref<102400xi32, #tpu.memory_space<hbm>> -> memref<102400xi32, #tpu.memory_space<hbm>>
        tpu.enqueue_indirect_dma source(%dma_start3A_72 : memref<102400xi32, #tpu.memory_space<hbm>>) target(%arg22 : memref<2000xi32, #tpu.memory_space<vmem>>) offsets(%arg18 : memref<2000xi32, #tpu.memory_space<vmem>>) semaphore(%run_scoped3A : memref<!tpu.dma_semaphore, #tpu.memory_space<semaphore_mem>>)
        %dma_wait3A = arith.constant 0 : i32
        %dma_wait3A_73 = tpu.memref_slice %arg8[%dma_wait3A] : memref<102400xi32, #tpu.memory_space<hbm>> -> memref<102400xi32, #tpu.memory_space<hbm>>
        tpu.wait_indirect_dma semaphore(%run_scoped3A : memref<!tpu.dma_semaphore, #tpu.memory_space<semaphore_mem>>) src(%dma_wait3A_73 : memref<102400xi32, #tpu.memory_space<hbm>>) dst(%arg22 : memref<2000xi32, #tpu.memory_space<vmem>>)
        tpu.yield
      }) : () -> ()
      %sub3A_52 = arith.constant 500 : i32
      %sub3A_53 = arith.constant 0 : i32
      %sub3A_54 = arith.subi %sub3A_52, %sub3A_53 : i32
      %sub3A_55 = arith.constant 1 : i32
      %sub3A_56 = arith.constant 1 : i32
      %sub3A_57 = arith.subi %sub3A_55, %sub3A_56 : i32
      %add3A_58 = arith.addi %sub3A_54, %sub3A_57 : i32
      %div3A_59 = arith.constant 1 : i32
      %div3A_60 = arith.divsi %add3A_58, %div3A_59 : i32
      %while3A_61 = arith.constant 1 : i32
      %while3A_62 = arith.constant 0 : i32
      %while3A_63 = arith.constant 0 : i32
      %while3A_64 = arith.subi %div3A_60, %while3A_63 : i32
      %while3A_65 = arith.addi %while3A_63, %while3A_64 : i32
      %while3A_66 = arith.constant 1 : i32
      %while3A_67 = arith.divsi %while3A_64, %while3A_66 : i32
      %while3A_68 = arith.muli %while3A_67, %while3A_66 : i32
      %while3A_69 = arith.addi %while3A_63, %while3A_68 : i32
      %while3A_70 = arith.constant 1 : i32
      scf.for %while3A_72 = %while3A_63 to %while3A_69 step %while3A_70  : i32 {
        %mul3A_73 = arith.muli %while3A_72, %while3A_61 : i32
        %add3A_74 = arith.addi %while3A_62, %mul3A_73 : i32
        %mul3A_75 = arith.constant 16 : i32
        %mul3A_76 = arith.muli %add3A_74, %mul3A_75 : i32
        %mul3A_77 = arith.constant 4 : i32
        %mul3A_78 = arith.muli %add3A_74, %mul3A_77 : i32
        %add3A_79 = vector.broadcast %mul3A_78 : i32 to vector<16xi32>
        %add3A_80 = arith.addi %add3A_79, %shift_right_arithmetic3A_4 : vector<16xi32>
        %gather3A = tpu.vector_load_idx %arg19[%add3A_80] : memref<2000xi32, #tpu.memory_space<vmem>>[vector<16xi32>], vector<16xi32>,
        %add3A_81 = vector.broadcast %add3A_49 : i32 to vector<16xi32>
        %add3A_82 = arith.addi %add3A_81, %add3A_80 : vector<16xi32>
        %add3A_83 = arith.addi %gather3A, %add3A_82 : vector<16xi32>
        %gather3A_84 = tpu.vector_load_idx %arg20[%add3A_80] : memref<2000xi32, #tpu.memory_space<vmem>>[vector<16xi32>], vector<16xi32>,
        %mul3A_85 = arith.muli %and3A_2, %gather3A_84 : vector<16xi32>
        %add3A_86 = arith.addi %add3A_83, %mul3A_85 : vector<16xi32>
        %gather3A_87 = tpu.vector_load_idx %arg14[%add3A_80] : memref<2000xi32, #tpu.memory_space<vmem>>[vector<16xi32>], vector<16xi32>,
        %mul3A_88 = arith.constant 4 : i32
        %mul3A_89 = vector.broadcast %mul3A_88 : i32 to vector<16xi32>
        %mul3A_90 = arith.muli %gather3A_87, %mul3A_89 : vector<16xi32>
        %add3A_91 = arith.addi %mul3A_90, %and3A_2 : vector<16xi32>
        %gather3A_92 = tpu.vector_load_idx %arg15[%add3A_80] : memref<2000xi32, #tpu.memory_space<vmem>>[vector<16xi32>], vector<16xi32>,
        %mul3A_93 = arith.constant 4 : i32
        %mul3A_94 = vector.broadcast %mul3A_93 : i32 to vector<16xi32>
        %mul3A_95 = arith.muli %gather3A_92, %mul3A_94 : vector<16xi32>
        %add3A_96 = arith.addi %mul3A_95, %and3A_2 : vector<16xi32>
        %gather3A_97 = tpu.vector_load_idx %arg21[%add3A_80] : memref<2000xi32, #tpu.memory_space<vmem>>[vector<16xi32>], vector<16xi32>,
        %add3A_98 = vector.broadcast %add3A_49 : i32 to vector<16xi32>
        %add3A_99 = arith.addi %add3A_98, %add3A_80 : vector<16xi32>
        %add3A_100 = arith.addi %gather3A_97, %add3A_99 : vector<16xi32>
        %gather3A_101 = tpu.vector_load_idx %arg22[%add3A_80] : memref<2000xi32, #tpu.memory_space<vmem>>[vector<16xi32>], vector<16xi32>,
        %mul3A_102 = arith.muli %and3A_2, %gather3A_101 : vector<16xi32>
        %add3A_103 = arith.addi %add3A_100, %mul3A_102 : vector<16xi32>
        %gather3A_104 = tpu.vector_load_idx %arg18[%add3A_80] : memref<2000xi32, #tpu.memory_space<vmem>>[vector<16xi32>], vector<16xi32>,
        %mul3A_105 = arith.constant 4 : i32
        %mul3A_106 = vector.broadcast %mul3A_105 : i32 to vector<16xi32>
        %mul3A_107 = arith.muli %gather3A_104, %mul3A_106 : vector<16xi32>
        %add3A_108 = arith.addi %mul3A_107, %and3A_2 : vector<16xi32>
        %gather3A_109 = tpu.vector_load_idx %arg17[%add3A_80] : memref<2000xi32, #tpu.memory_space<vmem>>[vector<16xi32>], vector<16xi32>,
        %mul3A_110 = arith.constant 4 : i32
        %mul3A_111 = vector.broadcast %mul3A_110 : i32 to vector<16xi32>
        %mul3A_112 = arith.muli %gather3A_109, %mul3A_111 : vector<16xi32>
        %add3A_113 = arith.addi %mul3A_112, %and3A_2 : vector<16xi32>
        %gather3A_114 = tpu.vector_load_idx %arg16[%add3A_80] : memref<2000xi32, #tpu.memory_space<vmem>>[vector<16xi32>], vector<16xi32>,
        %mul3A_115 = arith.constant 4 : i32
        %mul3A_116 = vector.broadcast %mul3A_115 : i32 to vector<16xi32>
        %mul3A_117 = arith.muli %gather3A_114, %mul3A_116 : vector<16xi32>
        %add3A_118 = arith.addi %mul3A_117, %and3A_2 : vector<16xi32>
        %swap3A = arith.index_cast %mul3A_76 : i32 to index
        %swap3A_119 = tpu.vector_load %arg25[%swap3A] {strides = array<i32>} : memref<8000xi32, #tpu.memory_space<vmem>>, vector<16xi32>,
        tpu.vector_store %arg25[%swap3A], %add3A_86 {strides = array<i32>} : memref<8000xi32, #tpu.memory_space<vmem>>, vector<16xi32>,
        %swap3A_120 = arith.index_cast %mul3A_76 : i32 to index
        %swap3A_121 = tpu.vector_load %arg26[%swap3A_120] {strides = array<i32>} : memref<8000xi32, #tpu.memory_space<vmem>>, vector<16xi32>,
        tpu.vector_store %arg26[%swap3A_120], %add3A_91 {strides = array<i32>} : memref<8000xi32, #tpu.memory_space<vmem>>, vector<16xi32>,
        %swap3A_122 = arith.index_cast %mul3A_76 : i32 to index
        %swap3A_123 = tpu.vector_load %arg27[%swap3A_122] {strides = array<i32>} : memref<8000xi32, #tpu.memory_space<vmem>>, vector<16xi32>,
        tpu.vector_store %arg27[%swap3A_122], %add3A_96 {strides = array<i32>} : memref<8000xi32, #tpu.memory_space<vmem>>, vector<16xi32>,
        %swap3A_124 = arith.index_cast %mul3A_76 : i32 to index
        %swap3A_125 = tpu.vector_load %arg28[%swap3A_124] {strides = array<i32>} : memref<8000xi32, #tpu.memory_space<vmem>>, vector<16xi32>,
        tpu.vector_store %arg28[%swap3A_124], %add3A_103 {strides = array<i32>} : memref<8000xi32, #tpu.memory_space<vmem>>, vector<16xi32>,
        %swap3A_126 = arith.index_cast %mul3A_76 : i32 to index
        %swap3A_127 = tpu.vector_load %arg29[%swap3A_126] {strides = array<i32>} : memref<8000xi32, #tpu.memory_space<vmem>>, vector<16xi32>,
        tpu.vector_store %arg29[%swap3A_126], %add3A_108 {strides = array<i32>} : memref<8000xi32, #tpu.memory_space<vmem>>, vector<16xi32>,
        %swap3A_128 = arith.index_cast %mul3A_76 : i32 to index
        %swap3A_129 = tpu.vector_load %arg30[%swap3A_128] {strides = array<i32>} : memref<8000xi32, #tpu.memory_space<vmem>>, vector<16xi32>,
        tpu.vector_store %arg30[%swap3A_128], %add3A_113 {strides = array<i32>} : memref<8000xi32, #tpu.memory_space<vmem>>, vector<16xi32>,
        %swap3A_130 = arith.index_cast %mul3A_76 : i32 to index
        %swap3A_131 = tpu.vector_load %arg31[%swap3A_130] {strides = array<i32>} : memref<8000xi32, #tpu.memory_space<vmem>>, vector<16xi32>,
        tpu.vector_store %arg31[%swap3A_130], %add3A_118 {strides = array<i32>} : memref<8000xi32, #tpu.memory_space<vmem>>, vector<16xi32>,
      }
      %while3A_71 = arith.constant 1 : i32
      scf.for %while3A_72 = %while3A_69 to %while3A_65 step %while3A_71  : i32 {
        %mul3A_73 = arith.muli %while3A_72, %while3A_61 : i32
        %add3A_74 = arith.addi %while3A_62, %mul3A_73 : i32
        %mul3A_75 = arith.constant 16 : i32
        %mul3A_76 = arith.muli %add3A_74, %mul3A_75 : i32
        %mul3A_77 = arith.constant 4 : i32
        %mul3A_78 = arith.muli %add3A_74, %mul3A_77 : i32
        %add3A_79 = vector.broadcast %mul3A_78 : i32 to vector<16xi32>
        %add3A_80 = arith.addi %add3A_79, %shift_right_arithmetic3A_4 : vector<16xi32>
        %gather3A = tpu.vector_load_idx %arg19[%add3A_80] : memref<2000xi32, #tpu.memory_space<vmem>>[vector<16xi32>], vector<16xi32>,
        %add3A_81 = vector.broadcast %add3A_49 : i32 to vector<16xi32>
        %add3A_82 = arith.addi %add3A_81, %add3A_80 : vector<16xi32>
        %add3A_83 = arith.addi %gather3A, %add3A_82 : vector<16xi32>
        %gather3A_84 = tpu.vector_load_idx %arg20[%add3A_80] : memref<2000xi32, #tpu.memory_space<vmem>>[vector<16xi32>], vector<16xi32>,
        %mul3A_85 = arith.muli %and3A_2, %gather3A_84 : vector<16xi32>
        %add3A_86 = arith.addi %add3A_83, %mul3A_85 : vector<16xi32>
        %gather3A_87 = tpu.vector_load_idx %arg14[%add3A_80] : memref<2000xi32, #tpu.memory_space<vmem>>[vector<16xi32>], vector<16xi32>,
        %mul3A_88 = arith.constant 4 : i32
        %mul3A_89 = vector.broadcast %mul3A_88 : i32 to vector<16xi32>
        %mul3A_90 = arith.muli %gather3A_87, %mul3A_89 : vector<16xi32>
        %add3A_91 = arith.addi %mul3A_90, %and3A_2 : vector<16xi32>
        %gather3A_92 = tpu.vector_load_idx %arg15[%add3A_80] : memref<2000xi32, #tpu.memory_space<vmem>>[vector<16xi32>], vector<16xi32>,
        %mul3A_93 = arith.constant 4 : i32
        %mul3A_94 = vector.broadcast %mul3A_93 : i32 to vector<16xi32>
        %mul3A_95 = arith.muli %gather3A_92, %mul3A_94 : vector<16xi32>
        %add3A_96 = arith.addi %mul3A_95, %and3A_2 : vector<16xi32>
        %gather3A_97 = tpu.vector_load_idx %arg21[%add3A_80] : memref<2000xi32, #tpu.memory_space<vmem>>[vector<16xi32>], vector<16xi32>,
        %add3A_98 = vector.broadcast %add3A_49 : i32 to vector<16xi32>
        %add3A_99 = arith.addi %add3A_98, %add3A_80 : vector<16xi32>
        %add3A_100 = arith.addi %gather3A_97, %add3A_99 : vector<16xi32>
        %gather3A_101 = tpu.vector_load_idx %arg22[%add3A_80] : memref<2000xi32, #tpu.memory_space<vmem>>[vector<16xi32>], vector<16xi32>,
        %mul3A_102 = arith.muli %and3A_2, %gather3A_101 : vector<16xi32>
        %add3A_103 = arith.addi %add3A_100, %mul3A_102 : vector<16xi32>
        %gather3A_104 = tpu.vector_load_idx %arg18[%add3A_80] : memref<2000xi32, #tpu.memory_space<vmem>>[vector<16xi32>], vector<16xi32>,
        %mul3A_105 = arith.constant 4 : i32
        %mul3A_106 = vector.broadcast %mul3A_105 : i32 to vector<16xi32>
        %mul3A_107 = arith.muli %gather3A_104, %mul3A_106 : vector<16xi32>
        %add3A_108 = arith.addi %mul3A_107, %and3A_2 : vector<16xi32>
        %gather3A_109 = tpu.vector_load_idx %arg17[%add3A_80] : memref<2000xi32, #tpu.memory_space<vmem>>[vector<16xi32>], vector<16xi32>,
        %mul3A_110 = arith.constant 4 : i32
        %mul3A_111 = vector.broadcast %mul3A_110 : i32 to vector<16xi32>
        %mul3A_112 = arith.muli %gather3A_109, %mul3A_111 : vector<16xi32>
        %add3A_113 = arith.addi %mul3A_112, %and3A_2 : vector<16xi32>
        %gather3A_114 = tpu.vector_load_idx %arg16[%add3A_80] : memref<2000xi32, #tpu.memory_space<vmem>>[vector<16xi32>], vector<16xi32>,
        %mul3A_115 = arith.constant 4 : i32
        %mul3A_116 = vector.broadcast %mul3A_115 : i32 to vector<16xi32>
        %mul3A_117 = arith.muli %gather3A_114, %mul3A_116 : vector<16xi32>
        %add3A_118 = arith.addi %mul3A_117, %and3A_2 : vector<16xi32>
        %swap3A = arith.index_cast %mul3A_76 : i32 to index
        %swap3A_119 = tpu.vector_load %arg25[%swap3A] {strides = array<i32>} : memref<8000xi32, #tpu.memory_space<vmem>>, vector<16xi32>,
        tpu.vector_store %arg25[%swap3A], %add3A_86 {strides = array<i32>} : memref<8000xi32, #tpu.memory_space<vmem>>, vector<16xi32>,
        %swap3A_120 = arith.index_cast %mul3A_76 : i32 to index
        %swap3A_121 = tpu.vector_load %arg26[%swap3A_120] {strides = array<i32>} : memref<8000xi32, #tpu.memory_space<vmem>>, vector<16xi32>,
        tpu.vector_store %arg26[%swap3A_120], %add3A_91 {strides = array<i32>} : memref<8000xi32, #tpu.memory_space<vmem>>, vector<16xi32>,
        %swap3A_122 = arith.index_cast %mul3A_76 : i32 to index
        %swap3A_123 = tpu.vector_load %arg27[%swap3A_122] {strides = array<i32>} : memref<8000xi32, #tpu.memory_space<vmem>>, vector<16xi32>,
        tpu.vector_store %arg27[%swap3A_122], %add3A_96 {strides = array<i32>} : memref<8000xi32, #tpu.memory_space<vmem>>, vector<16xi32>,
        %swap3A_124 = arith.index_cast %mul3A_76 : i32 to index
        %swap3A_125 = tpu.vector_load %arg28[%swap3A_124] {strides = array<i32>} : memref<8000xi32, #tpu.memory_space<vmem>>, vector<16xi32>,
        tpu.vector_store %arg28[%swap3A_124], %add3A_103 {strides = array<i32>} : memref<8000xi32, #tpu.memory_space<vmem>>, vector<16xi32>,
        %swap3A_126 = arith.index_cast %mul3A_76 : i32 to index
        %swap3A_127 = tpu.vector_load %arg29[%swap3A_126] {strides = array<i32>} : memref<8000xi32, #tpu.memory_space<vmem>>, vector<16xi32>,
        tpu.vector_store %arg29[%swap3A_126], %add3A_108 {strides = array<i32>} : memref<8000xi32, #tpu.memory_space<vmem>>, vector<16xi32>,
        %swap3A_128 = arith.index_cast %mul3A_76 : i32 to index
        %swap3A_129 = tpu.vector_load %arg30[%swap3A_128] {strides = array<i32>} : memref<8000xi32, #tpu.memory_space<vmem>>, vector<16xi32>,
        tpu.vector_store %arg30[%swap3A_128], %add3A_113 {strides = array<i32>} : memref<8000xi32, #tpu.memory_space<vmem>>, vector<16xi32>,
        %swap3A_130 = arith.index_cast %mul3A_76 : i32 to index
        %swap3A_131 = tpu.vector_load %arg31[%swap3A_130] {strides = array<i32>} : memref<8000xi32, #tpu.memory_space<vmem>>, vector<16xi32>,
        tpu.vector_store %arg31[%swap3A_130], %add3A_118 {strides = array<i32>} : memref<8000xi32, #tpu.memory_space<vmem>>, vector<16xi32>,
      }
      "tpu.region"() ({
        %run_scoped3A = tpu.sem_alloc : memref<!tpu.dma_semaphore, #tpu.memory_space<semaphore_mem>>
        %dma_start3A = arith.constant 0 : i32
        %dma_start3A_72 = tpu.memref_slice %arg2[%dma_start3A] : memref<6400000xf32, #tpu.memory_space<hbm>> -> memref<6400000xf32, #tpu.memory_space<hbm>>
        tpu.enqueue_indirect_dma source(%dma_start3A_72 : memref<6400000xf32, #tpu.memory_space<hbm>>) target(%arg24 : memref<8000xf32, #tpu.memory_space<vmem>>) offsets(%arg31 : memref<8000xi32, #tpu.memory_space<vmem>>) semaphore(%run_scoped3A : memref<!tpu.dma_semaphore, #tpu.memory_space<semaphore_mem>>)
        %dma_wait3A = arith.constant 0 : i32
        %dma_wait3A_73 = tpu.memref_slice %arg2[%dma_wait3A] : memref<6400000xf32, #tpu.memory_space<hbm>> -> memref<6400000xf32, #tpu.memory_space<hbm>>
        tpu.wait_indirect_dma semaphore(%run_scoped3A : memref<!tpu.dma_semaphore, #tpu.memory_space<semaphore_mem>>) src(%dma_wait3A_73 : memref<6400000xf32, #tpu.memory_space<hbm>>) dst(%arg24 : memref<8000xf32, #tpu.memory_space<vmem>>)
        tpu.yield
      }) : () -> ()
      "tpu.region"() ({
        %run_scoped3A = tpu.sem_alloc : memref<!tpu.dma_semaphore, #tpu.memory_space<semaphore_mem>>
        %dma_start3A = arith.constant 0 : i32
        %dma_start3A_72 = tpu.memref_slice %arg11[%dma_start3A] : memref<13200000xi32, #tpu.memory_space<hbm>> -> memref<13200000xi32, #tpu.memory_space<hbm>>
        tpu.enqueue_indirect_dma source(%arg26 : memref<8000xi32, #tpu.memory_space<vmem>>) target(%dma_start3A_72 : memref<13200000xi32, #tpu.memory_space<hbm>>) offsets(%arg25 : memref<8000xi32, #tpu.memory_space<vmem>>) semaphore(%run_scoped3A : memref<!tpu.dma_semaphore, #tpu.memory_space<semaphore_mem>>)
        %dma_wait3A = arith.constant 0 : i32
        %dma_wait3A_73 = tpu.memref_slice %arg11[%dma_wait3A] : memref<13200000xi32, #tpu.memory_space<hbm>> -> memref<13200000xi32, #tpu.memory_space<hbm>>
        tpu.wait_indirect_dma semaphore(%run_scoped3A : memref<!tpu.dma_semaphore, #tpu.memory_space<semaphore_mem>>) src(%arg26 : memref<8000xi32, #tpu.memory_space<vmem>>) dst(%dma_wait3A_73 : memref<13200000xi32, #tpu.memory_space<hbm>>)
        tpu.yield
      }) : () -> ()
      "tpu.region"() ({
        %run_scoped3A = tpu.sem_alloc : memref<!tpu.dma_semaphore, #tpu.memory_space<semaphore_mem>>
        %dma_start3A = arith.constant 0 : i32
        %dma_start3A_72 = tpu.memref_slice %arg12[%dma_start3A] : memref<13200000xi32, #tpu.memory_space<hbm>> -> memref<13200000xi32, #tpu.memory_space<hbm>>
        tpu.enqueue_indirect_dma source(%arg27 : memref<8000xi32, #tpu.memory_space<vmem>>) target(%dma_start3A_72 : memref<13200000xi32, #tpu.memory_space<hbm>>) offsets(%arg25 : memref<8000xi32, #tpu.memory_space<vmem>>) semaphore(%run_scoped3A : memref<!tpu.dma_semaphore, #tpu.memory_space<semaphore_mem>>)
        %dma_wait3A = arith.constant 0 : i32
        %dma_wait3A_73 = tpu.memref_slice %arg12[%dma_wait3A] : memref<13200000xi32, #tpu.memory_space<hbm>> -> memref<13200000xi32, #tpu.memory_space<hbm>>
        tpu.wait_indirect_dma semaphore(%run_scoped3A : memref<!tpu.dma_semaphore, #tpu.memory_space<semaphore_mem>>) src(%arg27 : memref<8000xi32, #tpu.memory_space<vmem>>) dst(%dma_wait3A_73 : memref<13200000xi32, #tpu.memory_space<hbm>>)
        tpu.yield
      }) : () -> ()
      "tpu.region"() ({
        %run_scoped3A = tpu.sem_alloc : memref<!tpu.dma_semaphore, #tpu.memory_space<semaphore_mem>>
        %dma_start3A = arith.constant 0 : i32
        %dma_start3A_72 = tpu.memref_slice %arg13[%dma_start3A] : memref<13200000xf32, #tpu.memory_space<hbm>> -> memref<13200000xf32, #tpu.memory_space<hbm>>
        tpu.enqueue_indirect_dma source(%arg23 : memref<8000xf32, #tpu.memory_space<vmem>>) target(%dma_start3A_72 : memref<13200000xf32, #tpu.memory_space<hbm>>) offsets(%arg25 : memref<8000xi32, #tpu.memory_space<vmem>>) semaphore(%run_scoped3A : memref<!tpu.dma_semaphore, #tpu.memory_space<semaphore_mem>>)
        %dma_wait3A = arith.constant 0 : i32
        %dma_wait3A_73 = tpu.memref_slice %arg13[%dma_wait3A] : memref<13200000xf32, #tpu.memory_space<hbm>> -> memref<13200000xf32, #tpu.memory_space<hbm>>
        tpu.wait_indirect_dma semaphore(%run_scoped3A : memref<!tpu.dma_semaphore, #tpu.memory_space<semaphore_mem>>) src(%arg23 : memref<8000xf32, #tpu.memory_space<vmem>>) dst(%dma_wait3A_73 : memref<13200000xf32, #tpu.memory_space<hbm>>)
        tpu.yield
      }) : () -> ()
      "tpu.region"() ({
        %run_scoped3A = tpu.sem_alloc : memref<!tpu.dma_semaphore, #tpu.memory_space<semaphore_mem>>
        %dma_start3A = arith.constant 0 : i32
        %dma_start3A_72 = tpu.memref_slice %arg11[%dma_start3A] : memref<13200000xi32, #tpu.memory_space<hbm>> -> memref<13200000xi32, #tpu.memory_space<hbm>>
        tpu.enqueue_indirect_dma source(%arg29 : memref<8000xi32, #tpu.memory_space<vmem>>) target(%dma_start3A_72 : memref<13200000xi32, #tpu.memory_space<hbm>>) offsets(%arg28 : memref<8000xi32, #tpu.memory_space<vmem>>) semaphore(%run_scoped3A : memref<!tpu.dma_semaphore, #tpu.memory_space<semaphore_mem>>)
        %dma_wait3A = arith.constant 0 : i32
        %dma_wait3A_73 = tpu.memref_slice %arg11[%dma_wait3A] : memref<13200000xi32, #tpu.memory_space<hbm>> -> memref<13200000xi32, #tpu.memory_space<hbm>>
        tpu.wait_indirect_dma semaphore(%run_scoped3A : memref<!tpu.dma_semaphore, #tpu.memory_space<semaphore_mem>>) src(%arg29 : memref<8000xi32, #tpu.memory_space<vmem>>) dst(%dma_wait3A_73 : memref<13200000xi32, #tpu.memory_space<hbm>>)
        tpu.yield
      }) : () -> ()
      "tpu.region"() ({
        %run_scoped3A = tpu.sem_alloc : memref<!tpu.dma_semaphore, #tpu.memory_space<semaphore_mem>>
        %dma_start3A = arith.constant 0 : i32
        %dma_start3A_72 = tpu.memref_slice %arg12[%dma_start3A] : memref<13200000xi32, #tpu.memory_space<hbm>> -> memref<13200000xi32, #tpu.memory_space<hbm>>
        tpu.enqueue_indirect_dma source(%arg30 : memref<8000xi32, #tpu.memory_space<vmem>>) target(%dma_start3A_72 : memref<13200000xi32, #tpu.memory_space<hbm>>) offsets(%arg28 : memref<8000xi32, #tpu.memory_space<vmem>>) semaphore(%run_scoped3A : memref<!tpu.dma_semaphore, #tpu.memory_space<semaphore_mem>>)
        %dma_wait3A = arith.constant 0 : i32
        %dma_wait3A_73 = tpu.memref_slice %arg12[%dma_wait3A] : memref<13200000xi32, #tpu.memory_space<hbm>> -> memref<13200000xi32, #tpu.memory_space<hbm>>
        tpu.wait_indirect_dma semaphore(%run_scoped3A : memref<!tpu.dma_semaphore, #tpu.memory_space<semaphore_mem>>) src(%arg30 : memref<8000xi32, #tpu.memory_space<vmem>>) dst(%dma_wait3A_73 : memref<13200000xi32, #tpu.memory_space<hbm>>)
        tpu.yield
      }) : () -> ()
      "tpu.region"() ({
        %run_scoped3A = tpu.sem_alloc : memref<!tpu.dma_semaphore, #tpu.memory_space<semaphore_mem>>
        %dma_start3A = arith.constant 0 : i32
        %dma_start3A_72 = tpu.memref_slice %arg13[%dma_start3A] : memref<13200000xf32, #tpu.memory_space<hbm>> -> memref<13200000xf32, #tpu.memory_space<hbm>>
        tpu.enqueue_indirect_dma source(%arg24 : memref<8000xf32, #tpu.memory_space<vmem>>) target(%dma_start3A_72 : memref<13200000xf32, #tpu.memory_space<hbm>>) offsets(%arg28 : memref<8000xi32, #tpu.memory_space<vmem>>) semaphore(%run_scoped3A : memref<!tpu.dma_semaphore, #tpu.memory_space<semaphore_mem>>)
        %dma_wait3A = arith.constant 0 : i32
        %dma_wait3A_73 = tpu.memref_slice %arg13[%dma_wait3A] : memref<13200000xf32, #tpu.memory_space<hbm>> -> memref<13200000xf32, #tpu.memory_space<hbm>>
        tpu.wait_indirect_dma semaphore(%run_scoped3A : memref<!tpu.dma_semaphore, #tpu.memory_space<semaphore_mem>>) src(%arg24 : memref<8000xf32, #tpu.memory_space<vmem>>) dst(%dma_wait3A_73 : memref<13200000xf32, #tpu.memory_space<hbm>>)
        tpu.yield
      }) : () -> ()
    }
    %sub3A_24 = arith.constant 2 : i32
    %sub3A_25 = arith.constant 0 : i32
    %sub3A_26 = arith.subi %sub3A_24, %sub3A_25 : i32
    %sub3A_27 = arith.constant 1 : i32
    %sub3A_28 = arith.constant 1 : i32
    %sub3A_29 = arith.subi %sub3A_27, %sub3A_28 : i32
    %add3A_30 = arith.addi %sub3A_26, %sub3A_29 : i32
    %div3A_31 = arith.constant 1 : i32
    %div3A_32 = arith.divsi %add3A_30, %div3A_31 : i32
    %while3A_33 = arith.constant 1 : i32
    %while3A_34 = arith.constant 0 : i32
    %while3A_35 = arith.constant 0 : i32
    %while3A_36 = arith.subi %div3A_32, %while3A_35 : i32
    %while3A_37 = arith.addi %while3A_35, %while3A_36 : i32
    %while3A_38 = arith.constant 1 : i32
    %while3A_39 = arith.divsi %while3A_36, %while3A_38 : i32
    %while3A_40 = arith.muli %while3A_39, %while3A_38 : i32
    %while3A_41 = arith.addi %while3A_35, %while3A_40 : i32
    %while3A_42 = arith.constant 1 : i32
    scf.for %while3A_44 = %while3A_35 to %while3A_41 step %while3A_42  : i32 {
      %mul3A_45 = arith.muli %while3A_44, %while3A_33 : i32
      %add3A_46 = arith.addi %while3A_34, %mul3A_45 : i32
      %mul3A_47 = arith.constant 3200 : i32
      %mul3A_48 = arith.muli %add3A, %mul3A_47 : i32
      %mul3A_49 = arith.constant 1600 : i32
      %mul3A_50 = arith.muli %add3A_46, %mul3A_49 : i32
      %add3A_51 = arith.addi %mul3A_48, %mul3A_50 : i32
      "tpu.region"() ({
        %run_scoped3A = tpu.sem_alloc : memref<!tpu.dma_semaphore, #tpu.memory_space<semaphore_mem>>
        %dma_start3A = tpu.memref_slice %arg9[%add3A_51] : memref<102400xi32, #tpu.memory_space<hbm>> -> memref<1600xi32, #tpu.memory_space<hbm>>
        %dma_start3A_78 = tpu.memref_slice %arg9[%add3A_51] : memref<102400xi32, #tpu.memory_space<hbm>> -> memref<1600xi32, #tpu.memory_space<hbm>>
        tpu.enqueue_dma source(%dma_start3A_78 : memref<1600xi32, #tpu.memory_space<hbm>>) target(%arg32 : memref<1600xi32, #tpu.memory_space<vmem>>) target_semaphore(%run_scoped3A : memref<!tpu.dma_semaphore, #tpu.memory_space<semaphore_mem>>)
        %dma_wait3A = tpu.memref_slice %arg9[%add3A_51] : memref<102400xi32, #tpu.memory_space<hbm>> -> memref<1600xi32, #tpu.memory_space<hbm>>
        %dma_wait3A_79 = tpu.memref_slice %arg9[%add3A_51] : memref<102400xi32, #tpu.memory_space<hbm>> -> memref<1600xi32, #tpu.memory_space<hbm>>
        tpu.wait_dma2 semaphore(%run_scoped3A : memref<!tpu.dma_semaphore, #tpu.memory_space<semaphore_mem>>) src(%dma_wait3A_79 : memref<1600xi32, #tpu.memory_space<hbm>>) dst(%arg32 : memref<1600xi32, #tpu.memory_space<vmem>>)
        tpu.yield
      }) : () -> ()
      "tpu.region"() ({
        %run_scoped3A = tpu.sem_alloc : memref<!tpu.dma_semaphore, #tpu.memory_space<semaphore_mem>>
        %dma_start3A = tpu.memref_slice %arg8[%add3A_51] : memref<102400xi32, #tpu.memory_space<hbm>> -> memref<1600xi32, #tpu.memory_space<hbm>>
        %dma_start3A_78 = tpu.memref_slice %arg8[%add3A_51] : memref<102400xi32, #tpu.memory_space<hbm>> -> memref<1600xi32, #tpu.memory_space<hbm>>
        tpu.enqueue_dma source(%dma_start3A_78 : memref<1600xi32, #tpu.memory_space<hbm>>) target(%arg33 : memref<1600xi32, #tpu.memory_space<vmem>>) target_semaphore(%run_scoped3A : memref<!tpu.dma_semaphore, #tpu.memory_space<semaphore_mem>>)
        %dma_wait3A = tpu.memref_slice %arg8[%add3A_51] : memref<102400xi32, #tpu.memory_space<hbm>> -> memref<1600xi32, #tpu.memory_space<hbm>>
        %dma_wait3A_79 = tpu.memref_slice %arg8[%add3A_51] : memref<102400xi32, #tpu.memory_space<hbm>> -> memref<1600xi32, #tpu.memory_space<hbm>>
        tpu.wait_dma2 semaphore(%run_scoped3A : memref<!tpu.dma_semaphore, #tpu.memory_space<semaphore_mem>>) src(%dma_wait3A_79 : memref<1600xi32, #tpu.memory_space<hbm>>) dst(%arg33 : memref<1600xi32, #tpu.memory_space<vmem>>)
        tpu.yield
      }) : () -> ()
      %mul3A_52 = arith.constant 4 : i32
      %mul3A_53 = arith.muli %mul3A_52, %add3A_51 : i32
      "tpu.region"() ({
        %run_scoped3A = tpu.sem_alloc : memref<!tpu.dma_semaphore, #tpu.memory_space<semaphore_mem>>
        %dma_start3A = tpu.memref_slice %arg10[%mul3A_53] : memref<819200xf32, #tpu.memory_space<hbm>> -> memref<6400xf32, #tpu.memory_space<hbm>>
        %dma_start3A_78 = tpu.memref_slice %arg10[%mul3A_53] : memref<819200xf32, #tpu.memory_space<hbm>> -> memref<6400xf32, #tpu.memory_space<hbm>>
        tpu.enqueue_dma source(%dma_start3A_78 : memref<6400xf32, #tpu.memory_space<hbm>>) target(%arg34 : memref<6400xf32, #tpu.memory_space<vmem>>) target_semaphore(%run_scoped3A : memref<!tpu.dma_semaphore, #tpu.memory_space<semaphore_mem>>)
        %dma_wait3A = tpu.memref_slice %arg10[%mul3A_53] : memref<819200xf32, #tpu.memory_space<hbm>> -> memref<6400xf32, #tpu.memory_space<hbm>>
        %dma_wait3A_79 = tpu.memref_slice %arg10[%mul3A_53] : memref<819200xf32, #tpu.memory_space<hbm>> -> memref<6400xf32, #tpu.memory_space<hbm>>
        tpu.wait_dma2 semaphore(%run_scoped3A : memref<!tpu.dma_semaphore, #tpu.memory_space<semaphore_mem>>) src(%dma_wait3A_79 : memref<6400xf32, #tpu.memory_space<hbm>>) dst(%arg34 : memref<6400xf32, #tpu.memory_space<vmem>>)
        tpu.yield
      }) : () -> ()
      %add3A_54 = arith.constant 102400 : i32
      %add3A_55 = arith.addi %add3A_54, %add3A_51 : i32
      %mul3A_56 = arith.constant 4 : i32
      %mul3A_57 = arith.muli %mul3A_56, %add3A_55 : i32
      "tpu.region"() ({
        %run_scoped3A = tpu.sem_alloc : memref<!tpu.dma_semaphore, #tpu.memory_space<semaphore_mem>>
        %dma_start3A = tpu.memref_slice %arg10[%mul3A_57] : memref<819200xf32, #tpu.memory_space<hbm>> -> memref<6400xf32, #tpu.memory_space<hbm>>
        %dma_start3A_78 = tpu.memref_slice %arg10[%mul3A_57] : memref<819200xf32, #tpu.memory_space<hbm>> -> memref<6400xf32, #tpu.memory_space<hbm>>
        tpu.enqueue_dma source(%dma_start3A_78 : memref<6400xf32, #tpu.memory_space<hbm>>) target(%arg35 : memref<6400xf32, #tpu.memory_space<vmem>>) target_semaphore(%run_scoped3A : memref<!tpu.dma_semaphore, #tpu.memory_space<semaphore_mem>>)
        %dma_wait3A = tpu.memref_slice %arg10[%mul3A_57] : memref<819200xf32, #tpu.memory_space<hbm>> -> memref<6400xf32, #tpu.memory_space<hbm>>
        %dma_wait3A_79 = tpu.memref_slice %arg10[%mul3A_57] : memref<819200xf32, #tpu.memory_space<hbm>> -> memref<6400xf32, #tpu.memory_space<hbm>>
        tpu.wait_dma2 semaphore(%run_scoped3A : memref<!tpu.dma_semaphore, #tpu.memory_space<semaphore_mem>>) src(%dma_wait3A_79 : memref<6400xf32, #tpu.memory_space<hbm>>) dst(%arg35 : memref<6400xf32, #tpu.memory_space<vmem>>)
        tpu.yield
      }) : () -> ()
      %sub3A_58 = arith.constant 400 : i32
      %sub3A_59 = arith.constant 0 : i32
      %sub3A_60 = arith.subi %sub3A_58, %sub3A_59 : i32
      %sub3A_61 = arith.constant 1 : i32
      %sub3A_62 = arith.constant 1 : i32
      %sub3A_63 = arith.subi %sub3A_61, %sub3A_62 : i32
      %add3A_64 = arith.addi %sub3A_60, %sub3A_63 : i32
      %div3A_65 = arith.constant 1 : i32
      %div3A_66 = arith.divsi %add3A_64, %div3A_65 : i32
      %while3A_67 = arith.constant 1 : i32
      %while3A_68 = arith.constant 0 : i32
      %while3A_69 = arith.constant 0 : i32
      %while3A_70 = arith.subi %div3A_66, %while3A_69 : i32
      %while3A_71 = arith.addi %while3A_69, %while3A_70 : i32
      %while3A_72 = arith.constant 1 : i32
      %while3A_73 = arith.divsi %while3A_70, %while3A_72 : i32
      %while3A_74 = arith.muli %while3A_73, %while3A_72 : i32
      %while3A_75 = arith.addi %while3A_69, %while3A_74 : i32
      %while3A_76 = arith.constant 1 : i32
      scf.for %while3A_78 = %while3A_69 to %while3A_75 step %while3A_76  : i32 {
        %mul3A_79 = arith.muli %while3A_78, %while3A_67 : i32
        %add3A_80 = arith.addi %while3A_68, %mul3A_79 : i32
        %mul3A_81 = arith.constant 16 : i32
        %mul3A_82 = arith.muli %add3A_80, %mul3A_81 : i32
        %mul3A_83 = arith.constant 4 : i32
        %mul3A_84 = arith.muli %add3A_80, %mul3A_83 : i32
        %add3A_85 = vector.broadcast %mul3A_84 : i32 to vector<16xi32>
        %add3A_86 = arith.addi %add3A_85, %shift_right_arithmetic3A_4 : vector<16xi32>
        %gather3A = tpu.vector_load_idx %arg32[%add3A_86] : memref<1600xi32, #tpu.memory_space<vmem>>[vector<16xi32>], vector<16xi32>,
        %gather3A_87 = tpu.vector_load_idx %arg33[%add3A_86] : memref<1600xi32, #tpu.memory_space<vmem>>[vector<16xi32>], vector<16xi32>,
        %mul3A_88 = arith.muli %and3A_2, %gather3A_87 : vector<16xi32>
        %add3A_89 = arith.addi %gather3A, %mul3A_88 : vector<16xi32>
        %add3A_90 = vector.broadcast %add3A_51 : i32 to vector<16xi32>
        %add3A_91 = arith.addi %add3A_90, %add3A_86 : vector<16xi32>
        %min3A = arith.constant 99999 : i32
        %min3A_92 = vector.broadcast %min3A : i32 to vector<16xi32>
        %min3A_93 = arith.minsi %add3A_91, %min3A_92 : vector<16xi32>
        %mul3A_94 = arith.constant 4 : i32
        %mul3A_95 = vector.broadcast %mul3A_94 : i32 to vector<16xi32>
        %mul3A_96 = arith.muli %min3A_93, %mul3A_95 : vector<16xi32>
        %add3A_97 = arith.addi %mul3A_96, %and3A_2 : vector<16xi32>
        %get3A = arith.index_cast %mul3A_82 : i32 to index
        %get3A_98 = tpu.vector_load %arg34[%get3A] {strides = array<i32>} : memref<6400xf32, #tpu.memory_space<vmem>>, vector<16xf32>,
        %get3A_99 = arith.index_cast %mul3A_82 : i32 to index
        %get3A_100 = tpu.vector_load %arg35[%get3A_99] {strides = array<i32>} : memref<6400xf32, #tpu.memory_space<vmem>>, vector<16xf32>,
        %add3A_101 = arith.addf %get3A_98, %get3A_100 : vector<16xf32>
        %swap3A = arith.index_cast %mul3A_82 : i32 to index
        %swap3A_102 = tpu.vector_load %arg36[%swap3A] {strides = array<i32>} : memref<6400xi32, #tpu.memory_space<vmem>>, vector<16xi32>,
        tpu.vector_store %arg36[%swap3A], %add3A_89 {strides = array<i32>} : memref<6400xi32, #tpu.memory_space<vmem>>, vector<16xi32>,
        %swap3A_103 = arith.index_cast %mul3A_82 : i32 to index
        %swap3A_104 = tpu.vector_load %arg37[%swap3A_103] {strides = array<i32>} : memref<6400xi32, #tpu.memory_space<vmem>>, vector<16xi32>,
        tpu.vector_store %arg37[%swap3A_103], %add3A_97 {strides = array<i32>} : memref<6400xi32, #tpu.memory_space<vmem>>, vector<16xi32>,
        %swap3A_105 = arith.index_cast %mul3A_82 : i32 to index
        %swap3A_106 = tpu.vector_load %arg38[%swap3A_105] {strides = array<i32>} : memref<6400xf32, #tpu.memory_space<vmem>>, vector<16xf32>,
        tpu.vector_store %arg38[%swap3A_105], %add3A_101 {strides = array<i32>} : memref<6400xf32, #tpu.memory_space<vmem>>, vector<16xf32>,
      }
      %while3A_77 = arith.constant 1 : i32
      scf.for %while3A_78 = %while3A_75 to %while3A_71 step %while3A_77  : i32 {
        %mul3A_79 = arith.muli %while3A_78, %while3A_67 : i32
        %add3A_80 = arith.addi %while3A_68, %mul3A_79 : i32
        %mul3A_81 = arith.constant 16 : i32
        %mul3A_82 = arith.muli %add3A_80, %mul3A_81 : i32
        %mul3A_83 = arith.constant 4 : i32
        %mul3A_84 = arith.muli %add3A_80, %mul3A_83 : i32
        %add3A_85 = vector.broadcast %mul3A_84 : i32 to vector<16xi32>
        %add3A_86 = arith.addi %add3A_85, %shift_right_arithmetic3A_4 : vector<16xi32>
        %gather3A = tpu.vector_load_idx %arg32[%add3A_86] : memref<1600xi32, #tpu.memory_space<vmem>>[vector<16xi32>], vector<16xi32>,
        %gather3A_87 = tpu.vector_load_idx %arg33[%add3A_86] : memref<1600xi32, #tpu.memory_space<vmem>>[vector<16xi32>], vector<16xi32>,
        %mul3A_88 = arith.muli %and3A_2, %gather3A_87 : vector<16xi32>
        %add3A_89 = arith.addi %gather3A, %mul3A_88 : vector<16xi32>
        %add3A_90 = vector.broadcast %add3A_51 : i32 to vector<16xi32>
        %add3A_91 = arith.addi %add3A_90, %add3A_86 : vector<16xi32>
        %min3A = arith.constant 99999 : i32
        %min3A_92 = vector.broadcast %min3A : i32 to vector<16xi32>
        %min3A_93 = arith.minsi %add3A_91, %min3A_92 : vector<16xi32>
        %mul3A_94 = arith.constant 4 : i32
        %mul3A_95 = vector.broadcast %mul3A_94 : i32 to vector<16xi32>
        %mul3A_96 = arith.muli %min3A_93, %mul3A_95 : vector<16xi32>
        %add3A_97 = arith.addi %mul3A_96, %and3A_2 : vector<16xi32>
        %get3A = arith.index_cast %mul3A_82 : i32 to index
        %get3A_98 = tpu.vector_load %arg34[%get3A] {strides = array<i32>} : memref<6400xf32, #tpu.memory_space<vmem>>, vector<16xf32>,
        %get3A_99 = arith.index_cast %mul3A_82 : i32 to index
        %get3A_100 = tpu.vector_load %arg35[%get3A_99] {strides = array<i32>} : memref<6400xf32, #tpu.memory_space<vmem>>, vector<16xf32>,
        %add3A_101 = arith.addf %get3A_98, %get3A_100 : vector<16xf32>
        %swap3A = arith.index_cast %mul3A_82 : i32 to index
        %swap3A_102 = tpu.vector_load %arg36[%swap3A] {strides = array<i32>} : memref<6400xi32, #tpu.memory_space<vmem>>, vector<16xi32>,
        tpu.vector_store %arg36[%swap3A], %add3A_89 {strides = array<i32>} : memref<6400xi32, #tpu.memory_space<vmem>>, vector<16xi32>,
        %swap3A_103 = arith.index_cast %mul3A_82 : i32 to index
        %swap3A_104 = tpu.vector_load %arg37[%swap3A_103] {strides = array<i32>} : memref<6400xi32, #tpu.memory_space<vmem>>, vector<16xi32>,
        tpu.vector_store %arg37[%swap3A_103], %add3A_97 {strides = array<i32>} : memref<6400xi32, #tpu.memory_space<vmem>>, vector<16xi32>,
        %swap3A_105 = arith.index_cast %mul3A_82 : i32 to index
        %swap3A_106 = tpu.vector_load %arg38[%swap3A_105] {strides = array<i32>} : memref<6400xf32, #tpu.memory_space<vmem>>, vector<16xf32>,
        tpu.vector_store %arg38[%swap3A_105], %add3A_101 {strides = array<i32>} : memref<6400xf32, #tpu.memory_space<vmem>>, vector<16xf32>,
      }
      "tpu.region"() ({
        %run_scoped3A = tpu.sem_alloc : memref<!tpu.dma_semaphore, #tpu.memory_space<semaphore_mem>>
        %dma_start3A = arith.constant 0 : i32
        %dma_start3A_78 = tpu.memref_slice %arg11[%dma_start3A] : memref<13200000xi32, #tpu.memory_space<hbm>> -> memref<13200000xi32, #tpu.memory_space<hbm>>
        tpu.enqueue_indirect_dma source(%arg37 : memref<6400xi32, #tpu.memory_space<vmem>>) target(%dma_start3A_78 : memref<13200000xi32, #tpu.memory_space<hbm>>) offsets(%arg36 : memref<6400xi32, #tpu.memory_space<vmem>>) semaphore(%run_scoped3A : memref<!tpu.dma_semaphore, #tpu.memory_space<semaphore_mem>>)
        %dma_wait3A = arith.constant 0 : i32
        %dma_wait3A_79 = tpu.memref_slice %arg11[%dma_wait3A] : memref<13200000xi32, #tpu.memory_space<hbm>> -> memref<13200000xi32, #tpu.memory_space<hbm>>
        tpu.wait_indirect_dma semaphore(%run_scoped3A : memref<!tpu.dma_semaphore, #tpu.memory_space<semaphore_mem>>) src(%arg37 : memref<6400xi32, #tpu.memory_space<vmem>>) dst(%dma_wait3A_79 : memref<13200000xi32, #tpu.memory_space<hbm>>)
        tpu.yield
      }) : () -> ()
      "tpu.region"() ({
        %run_scoped3A = tpu.sem_alloc : memref<!tpu.dma_semaphore, #tpu.memory_space<semaphore_mem>>
        %dma_start3A = arith.constant 0 : i32
        %dma_start3A_78 = tpu.memref_slice %arg12[%dma_start3A] : memref<13200000xi32, #tpu.memory_space<hbm>> -> memref<13200000xi32, #tpu.memory_space<hbm>>
        tpu.enqueue_indirect_dma source(%arg37 : memref<6400xi32, #tpu.memory_space<vmem>>) target(%dma_start3A_78 : memref<13200000xi32, #tpu.memory_space<hbm>>) offsets(%arg36 : memref<6400xi32, #tpu.memory_space<vmem>>) semaphore(%run_scoped3A : memref<!tpu.dma_semaphore, #tpu.memory_space<semaphore_mem>>)
        %dma_wait3A = arith.constant 0 : i32
        %dma_wait3A_79 = tpu.memref_slice %arg12[%dma_wait3A] : memref<13200000xi32, #tpu.memory_space<hbm>> -> memref<13200000xi32, #tpu.memory_space<hbm>>
        tpu.wait_indirect_dma semaphore(%run_scoped3A : memref<!tpu.dma_semaphore, #tpu.memory_space<semaphore_mem>>) src(%arg37 : memref<6400xi32, #tpu.memory_space<vmem>>) dst(%dma_wait3A_79 : memref<13200000xi32, #tpu.memory_space<hbm>>)
        tpu.yield
      }) : () -> ()
      "tpu.region"() ({
        %run_scoped3A = tpu.sem_alloc : memref<!tpu.dma_semaphore, #tpu.memory_space<semaphore_mem>>
        %dma_start3A = arith.constant 0 : i32
        %dma_start3A_78 = tpu.memref_slice %arg13[%dma_start3A] : memref<13200000xf32, #tpu.memory_space<hbm>> -> memref<13200000xf32, #tpu.memory_space<hbm>>
        tpu.enqueue_indirect_dma source(%arg38 : memref<6400xf32, #tpu.memory_space<vmem>>) target(%dma_start3A_78 : memref<13200000xf32, #tpu.memory_space<hbm>>) offsets(%arg36 : memref<6400xi32, #tpu.memory_space<vmem>>) semaphore(%run_scoped3A : memref<!tpu.dma_semaphore, #tpu.memory_space<semaphore_mem>>)
        %dma_wait3A = arith.constant 0 : i32
        %dma_wait3A_79 = tpu.memref_slice %arg13[%dma_wait3A] : memref<13200000xf32, #tpu.memory_space<hbm>> -> memref<13200000xf32, #tpu.memory_space<hbm>>
        tpu.wait_indirect_dma semaphore(%run_scoped3A : memref<!tpu.dma_semaphore, #tpu.memory_space<semaphore_mem>>) src(%arg38 : memref<6400xf32, #tpu.memory_space<vmem>>) dst(%dma_wait3A_79 : memref<13200000xf32, #tpu.memory_space<hbm>>)
        tpu.yield
      }) : () -> ()
    }
    %while3A_43 = arith.constant 1 : i32
    scf.for %while3A_44 = %while3A_41 to %while3A_37 step %while3A_43  : i32 {
      %mul3A_45 = arith.muli %while3A_44, %while3A_33 : i32
      %add3A_46 = arith.addi %while3A_34, %mul3A_45 : i32
      %mul3A_47 = arith.constant 3200 : i32
      %mul3A_48 = arith.muli %add3A, %mul3A_47 : i32
      %mul3A_49 = arith.constant 1600 : i32
      %mul3A_50 = arith.muli %add3A_46, %mul3A_49 : i32
      %add3A_51 = arith.addi %mul3A_48, %mul3A_50 : i32
      "tpu.region"() ({
        %run_scoped3A = tpu.sem_alloc : memref<!tpu.dma_semaphore, #tpu.memory_space<semaphore_mem>>
        %dma_start3A = tpu.memref_slice %arg9[%add3A_51] : memref<102400xi32, #tpu.memory_space<hbm>> -> memref<1600xi32, #tpu.memory_space<hbm>>
        %dma_start3A_78 = tpu.memref_slice %arg9[%add3A_51] : memref<102400xi32, #tpu.memory_space<hbm>> -> memref<1600xi32, #tpu.memory_space<hbm>>
        tpu.enqueue_dma source(%dma_start3A_78 : memref<1600xi32, #tpu.memory_space<hbm>>) target(%arg32 : memref<1600xi32, #tpu.memory_space<vmem>>) target_semaphore(%run_scoped3A : memref<!tpu.dma_semaphore, #tpu.memory_space<semaphore_mem>>)
        %dma_wait3A = tpu.memref_slice %arg9[%add3A_51] : memref<102400xi32, #tpu.memory_space<hbm>> -> memref<1600xi32, #tpu.memory_space<hbm>>
        %dma_wait3A_79 = tpu.memref_slice %arg9[%add3A_51] : memref<102400xi32, #tpu.memory_space<hbm>> -> memref<1600xi32, #tpu.memory_space<hbm>>
        tpu.wait_dma2 semaphore(%run_scoped3A : memref<!tpu.dma_semaphore, #tpu.memory_space<semaphore_mem>>) src(%dma_wait3A_79 : memref<1600xi32, #tpu.memory_space<hbm>>) dst(%arg32 : memref<1600xi32, #tpu.memory_space<vmem>>)
        tpu.yield
      }) : () -> ()
      "tpu.region"() ({
        %run_scoped3A = tpu.sem_alloc : memref<!tpu.dma_semaphore, #tpu.memory_space<semaphore_mem>>
        %dma_start3A = tpu.memref_slice %arg8[%add3A_51] : memref<102400xi32, #tpu.memory_space<hbm>> -> memref<1600xi32, #tpu.memory_space<hbm>>
        %dma_start3A_78 = tpu.memref_slice %arg8[%add3A_51] : memref<102400xi32, #tpu.memory_space<hbm>> -> memref<1600xi32, #tpu.memory_space<hbm>>
        tpu.enqueue_dma source(%dma_start3A_78 : memref<1600xi32, #tpu.memory_space<hbm>>) target(%arg33 : memref<1600xi32, #tpu.memory_space<vmem>>) target_semaphore(%run_scoped3A : memref<!tpu.dma_semaphore, #tpu.memory_space<semaphore_mem>>)
        %dma_wait3A = tpu.memref_slice %arg8[%add3A_51] : memref<102400xi32, #tpu.memory_space<hbm>> -> memref<1600xi32, #tpu.memory_space<hbm>>
        %dma_wait3A_79 = tpu.memref_slice %arg8[%add3A_51] : memref<102400xi32, #tpu.memory_space<hbm>> -> memref<1600xi32, #tpu.memory_space<hbm>>
        tpu.wait_dma2 semaphore(%run_scoped3A : memref<!tpu.dma_semaphore, #tpu.memory_space<semaphore_mem>>) src(%dma_wait3A_79 : memref<1600xi32, #tpu.memory_space<hbm>>) dst(%arg33 : memref<1600xi32, #tpu.memory_space<vmem>>)
        tpu.yield
      }) : () -> ()
      %mul3A_52 = arith.constant 4 : i32
      %mul3A_53 = arith.muli %mul3A_52, %add3A_51 : i32
      "tpu.region"() ({
        %run_scoped3A = tpu.sem_alloc : memref<!tpu.dma_semaphore, #tpu.memory_space<semaphore_mem>>
        %dma_start3A = tpu.memref_slice %arg10[%mul3A_53] : memref<819200xf32, #tpu.memory_space<hbm>> -> memref<6400xf32, #tpu.memory_space<hbm>>
        %dma_start3A_78 = tpu.memref_slice %arg10[%mul3A_53] : memref<819200xf32, #tpu.memory_space<hbm>> -> memref<6400xf32, #tpu.memory_space<hbm>>
        tpu.enqueue_dma source(%dma_start3A_78 : memref<6400xf32, #tpu.memory_space<hbm>>) target(%arg34 : memref<6400xf32, #tpu.memory_space<vmem>>) target_semaphore(%run_scoped3A : memref<!tpu.dma_semaphore, #tpu.memory_space<semaphore_mem>>)
        %dma_wait3A = tpu.memref_slice %arg10[%mul3A_53] : memref<819200xf32, #tpu.memory_space<hbm>> -> memref<6400xf32, #tpu.memory_space<hbm>>
        %dma_wait3A_79 = tpu.memref_slice %arg10[%mul3A_53] : memref<819200xf32, #tpu.memory_space<hbm>> -> memref<6400xf32, #tpu.memory_space<hbm>>
        tpu.wait_dma2 semaphore(%run_scoped3A : memref<!tpu.dma_semaphore, #tpu.memory_space<semaphore_mem>>) src(%dma_wait3A_79 : memref<6400xf32, #tpu.memory_space<hbm>>) dst(%arg34 : memref<6400xf32, #tpu.memory_space<vmem>>)
        tpu.yield
      }) : () -> ()
      %add3A_54 = arith.constant 102400 : i32
      %add3A_55 = arith.addi %add3A_54, %add3A_51 : i32
      %mul3A_56 = arith.constant 4 : i32
      %mul3A_57 = arith.muli %mul3A_56, %add3A_55 : i32
      "tpu.region"() ({
        %run_scoped3A = tpu.sem_alloc : memref<!tpu.dma_semaphore, #tpu.memory_space<semaphore_mem>>
        %dma_start3A = tpu.memref_slice %arg10[%mul3A_57] : memref<819200xf32, #tpu.memory_space<hbm>> -> memref<6400xf32, #tpu.memory_space<hbm>>
        %dma_start3A_78 = tpu.memref_slice %arg10[%mul3A_57] : memref<819200xf32, #tpu.memory_space<hbm>> -> memref<6400xf32, #tpu.memory_space<hbm>>
        tpu.enqueue_dma source(%dma_start3A_78 : memref<6400xf32, #tpu.memory_space<hbm>>) target(%arg35 : memref<6400xf32, #tpu.memory_space<vmem>>) target_semaphore(%run_scoped3A : memref<!tpu.dma_semaphore, #tpu.memory_space<semaphore_mem>>)
        %dma_wait3A = tpu.memref_slice %arg10[%mul3A_57] : memref<819200xf32, #tpu.memory_space<hbm>> -> memref<6400xf32, #tpu.memory_space<hbm>>
        %dma_wait3A_79 = tpu.memref_slice %arg10[%mul3A_57] : memref<819200xf32, #tpu.memory_space<hbm>> -> memref<6400xf32, #tpu.memory_space<hbm>>
        tpu.wait_dma2 semaphore(%run_scoped3A : memref<!tpu.dma_semaphore, #tpu.memory_space<semaphore_mem>>) src(%dma_wait3A_79 : memref<6400xf32, #tpu.memory_space<hbm>>) dst(%arg35 : memref<6400xf32, #tpu.memory_space<vmem>>)
        tpu.yield
      }) : () -> ()
      %sub3A_58 = arith.constant 400 : i32
      %sub3A_59 = arith.constant 0 : i32
      %sub3A_60 = arith.subi %sub3A_58, %sub3A_59 : i32
      %sub3A_61 = arith.constant 1 : i32
      %sub3A_62 = arith.constant 1 : i32
      %sub3A_63 = arith.subi %sub3A_61, %sub3A_62 : i32
      %add3A_64 = arith.addi %sub3A_60, %sub3A_63 : i32
      %div3A_65 = arith.constant 1 : i32
      %div3A_66 = arith.divsi %add3A_64, %div3A_65 : i32
      %while3A_67 = arith.constant 1 : i32
      %while3A_68 = arith.constant 0 : i32
      %while3A_69 = arith.constant 0 : i32
      %while3A_70 = arith.subi %div3A_66, %while3A_69 : i32
      %while3A_71 = arith.addi %while3A_69, %while3A_70 : i32
      %while3A_72 = arith.constant 1 : i32
      %while3A_73 = arith.divsi %while3A_70, %while3A_72 : i32
      %while3A_74 = arith.muli %while3A_73, %while3A_72 : i32
      %while3A_75 = arith.addi %while3A_69, %while3A_74 : i32
      %while3A_76 = arith.constant 1 : i32
      scf.for %while3A_78 = %while3A_69 to %while3A_75 step %while3A_76  : i32 {
        %mul3A_79 = arith.muli %while3A_78, %while3A_67 : i32
        %add3A_80 = arith.addi %while3A_68, %mul3A_79 : i32
        %mul3A_81 = arith.constant 16 : i32
        %mul3A_82 = arith.muli %add3A_80, %mul3A_81 : i32
        %mul3A_83 = arith.constant 4 : i32
        %mul3A_84 = arith.muli %add3A_80, %mul3A_83 : i32
        %add3A_85 = vector.broadcast %mul3A_84 : i32 to vector<16xi32>
        %add3A_86 = arith.addi %add3A_85, %shift_right_arithmetic3A_4 : vector<16xi32>
        %gather3A = tpu.vector_load_idx %arg32[%add3A_86] : memref<1600xi32, #tpu.memory_space<vmem>>[vector<16xi32>], vector<16xi32>,
        %gather3A_87 = tpu.vector_load_idx %arg33[%add3A_86] : memref<1600xi32, #tpu.memory_space<vmem>>[vector<16xi32>], vector<16xi32>,
        %mul3A_88 = arith.muli %and3A_2, %gather3A_87 : vector<16xi32>
        %add3A_89 = arith.addi %gather3A, %mul3A_88 : vector<16xi32>
        %add3A_90 = vector.broadcast %add3A_51 : i32 to vector<16xi32>
        %add3A_91 = arith.addi %add3A_90, %add3A_86 : vector<16xi32>
        %min3A = arith.constant 99999 : i32
        %min3A_92 = vector.broadcast %min3A : i32 to vector<16xi32>
        %min3A_93 = arith.minsi %add3A_91, %min3A_92 : vector<16xi32>
        %mul3A_94 = arith.constant 4 : i32
        %mul3A_95 = vector.broadcast %mul3A_94 : i32 to vector<16xi32>
        %mul3A_96 = arith.muli %min3A_93, %mul3A_95 : vector<16xi32>
        %add3A_97 = arith.addi %mul3A_96, %and3A_2 : vector<16xi32>
        %get3A = arith.index_cast %mul3A_82 : i32 to index
        %get3A_98 = tpu.vector_load %arg34[%get3A] {strides = array<i32>} : memref<6400xf32, #tpu.memory_space<vmem>>, vector<16xf32>,
        %get3A_99 = arith.index_cast %mul3A_82 : i32 to index
        %get3A_100 = tpu.vector_load %arg35[%get3A_99] {strides = array<i32>} : memref<6400xf32, #tpu.memory_space<vmem>>, vector<16xf32>,
        %add3A_101 = arith.addf %get3A_98, %get3A_100 : vector<16xf32>
        %swap3A = arith.index_cast %mul3A_82 : i32 to index
        %swap3A_102 = tpu.vector_load %arg36[%swap3A] {strides = array<i32>} : memref<6400xi32, #tpu.memory_space<vmem>>, vector<16xi32>,
        tpu.vector_store %arg36[%swap3A], %add3A_89 {strides = array<i32>} : memref<6400xi32, #tpu.memory_space<vmem>>, vector<16xi32>,
        %swap3A_103 = arith.index_cast %mul3A_82 : i32 to index
        %swap3A_104 = tpu.vector_load %arg37[%swap3A_103] {strides = array<i32>} : memref<6400xi32, #tpu.memory_space<vmem>>, vector<16xi32>,
        tpu.vector_store %arg37[%swap3A_103], %add3A_97 {strides = array<i32>} : memref<6400xi32, #tpu.memory_space<vmem>>, vector<16xi32>,
        %swap3A_105 = arith.index_cast %mul3A_82 : i32 to index
        %swap3A_106 = tpu.vector_load %arg38[%swap3A_105] {strides = array<i32>} : memref<6400xf32, #tpu.memory_space<vmem>>, vector<16xf32>,
        tpu.vector_store %arg38[%swap3A_105], %add3A_101 {strides = array<i32>} : memref<6400xf32, #tpu.memory_space<vmem>>, vector<16xf32>,
      }
      %while3A_77 = arith.constant 1 : i32
      scf.for %while3A_78 = %while3A_75 to %while3A_71 step %while3A_77  : i32 {
        %mul3A_79 = arith.muli %while3A_78, %while3A_67 : i32
        %add3A_80 = arith.addi %while3A_68, %mul3A_79 : i32
        %mul3A_81 = arith.constant 16 : i32
        %mul3A_82 = arith.muli %add3A_80, %mul3A_81 : i32
        %mul3A_83 = arith.constant 4 : i32
        %mul3A_84 = arith.muli %add3A_80, %mul3A_83 : i32
        %add3A_85 = vector.broadcast %mul3A_84 : i32 to vector<16xi32>
        %add3A_86 = arith.addi %add3A_85, %shift_right_arithmetic3A_4 : vector<16xi32>
        %gather3A = tpu.vector_load_idx %arg32[%add3A_86] : memref<1600xi32, #tpu.memory_space<vmem>>[vector<16xi32>], vector<16xi32>,
        %gather3A_87 = tpu.vector_load_idx %arg33[%add3A_86] : memref<1600xi32, #tpu.memory_space<vmem>>[vector<16xi32>], vector<16xi32>,
        %mul3A_88 = arith.muli %and3A_2, %gather3A_87 : vector<16xi32>
        %add3A_89 = arith.addi %gather3A, %mul3A_88 : vector<16xi32>
        %add3A_90 = vector.broadcast %add3A_51 : i32 to vector<16xi32>
        %add3A_91 = arith.addi %add3A_90, %add3A_86 : vector<16xi32>
        %min3A = arith.constant 99999 : i32
        %min3A_92 = vector.broadcast %min3A : i32 to vector<16xi32>
        %min3A_93 = arith.minsi %add3A_91, %min3A_92 : vector<16xi32>
        %mul3A_94 = arith.constant 4 : i32
        %mul3A_95 = vector.broadcast %mul3A_94 : i32 to vector<16xi32>
        %mul3A_96 = arith.muli %min3A_93, %mul3A_95 : vector<16xi32>
        %add3A_97 = arith.addi %mul3A_96, %and3A_2 : vector<16xi32>
        %get3A = arith.index_cast %mul3A_82 : i32 to index
        %get3A_98 = tpu.vector_load %arg34[%get3A] {strides = array<i32>} : memref<6400xf32, #tpu.memory_space<vmem>>, vector<16xf32>,
        %get3A_99 = arith.index_cast %mul3A_82 : i32 to index
        %get3A_100 = tpu.vector_load %arg35[%get3A_99] {strides = array<i32>} : memref<6400xf32, #tpu.memory_space<vmem>>, vector<16xf32>,
        %add3A_101 = arith.addf %get3A_98, %get3A_100 : vector<16xf32>
        %swap3A = arith.index_cast %mul3A_82 : i32 to index
        %swap3A_102 = tpu.vector_load %arg36[%swap3A] {strides = array<i32>} : memref<6400xi32, #tpu.memory_space<vmem>>, vector<16xi32>,
        tpu.vector_store %arg36[%swap3A], %add3A_89 {strides = array<i32>} : memref<6400xi32, #tpu.memory_space<vmem>>, vector<16xi32>,
        %swap3A_103 = arith.index_cast %mul3A_82 : i32 to index
        %swap3A_104 = tpu.vector_load %arg37[%swap3A_103] {strides = array<i32>} : memref<6400xi32, #tpu.memory_space<vmem>>, vector<16xi32>,
        tpu.vector_store %arg37[%swap3A_103], %add3A_97 {strides = array<i32>} : memref<6400xi32, #tpu.memory_space<vmem>>, vector<16xi32>,
        %swap3A_105 = arith.index_cast %mul3A_82 : i32 to index
        %swap3A_106 = tpu.vector_load %arg38[%swap3A_105] {strides = array<i32>} : memref<6400xf32, #tpu.memory_space<vmem>>, vector<16xf32>,
        tpu.vector_store %arg38[%swap3A_105], %add3A_101 {strides = array<i32>} : memref<6400xf32, #tpu.memory_space<vmem>>, vector<16xf32>,
      }
      "tpu.region"() ({
        %run_scoped3A = tpu.sem_alloc : memref<!tpu.dma_semaphore, #tpu.memory_space<semaphore_mem>>
        %dma_start3A = arith.constant 0 : i32
        %dma_start3A_78 = tpu.memref_slice %arg11[%dma_start3A] : memref<13200000xi32, #tpu.memory_space<hbm>> -> memref<13200000xi32, #tpu.memory_space<hbm>>
        tpu.enqueue_indirect_dma source(%arg37 : memref<6400xi32, #tpu.memory_space<vmem>>) target(%dma_start3A_78 : memref<13200000xi32, #tpu.memory_space<hbm>>) offsets(%arg36 : memref<6400xi32, #tpu.memory_space<vmem>>) semaphore(%run_scoped3A : memref<!tpu.dma_semaphore, #tpu.memory_space<semaphore_mem>>)
        %dma_wait3A = arith.constant 0 : i32
        %dma_wait3A_79 = tpu.memref_slice %arg11[%dma_wait3A] : memref<13200000xi32, #tpu.memory_space<hbm>> -> memref<13200000xi32, #tpu.memory_space<hbm>>
        tpu.wait_indirect_dma semaphore(%run_scoped3A : memref<!tpu.dma_semaphore, #tpu.memory_space<semaphore_mem>>) src(%arg37 : memref<6400xi32, #tpu.memory_space<vmem>>) dst(%dma_wait3A_79 : memref<13200000xi32, #tpu.memory_space<hbm>>)
        tpu.yield
      }) : () -> ()
      "tpu.region"() ({
        %run_scoped3A = tpu.sem_alloc : memref<!tpu.dma_semaphore, #tpu.memory_space<semaphore_mem>>
        %dma_start3A = arith.constant 0 : i32
        %dma_start3A_78 = tpu.memref_slice %arg12[%dma_start3A] : memref<13200000xi32, #tpu.memory_space<hbm>> -> memref<13200000xi32, #tpu.memory_space<hbm>>
        tpu.enqueue_indirect_dma source(%arg37 : memref<6400xi32, #tpu.memory_space<vmem>>) target(%dma_start3A_78 : memref<13200000xi32, #tpu.memory_space<hbm>>) offsets(%arg36 : memref<6400xi32, #tpu.memory_space<vmem>>) semaphore(%run_scoped3A : memref<!tpu.dma_semaphore, #tpu.memory_space<semaphore_mem>>)
        %dma_wait3A = arith.constant 0 : i32
        %dma_wait3A_79 = tpu.memref_slice %arg12[%dma_wait3A] : memref<13200000xi32, #tpu.memory_space<hbm>> -> memref<13200000xi32, #tpu.memory_space<hbm>>
        tpu.wait_indirect_dma semaphore(%run_scoped3A : memref<!tpu.dma_semaphore, #tpu.memory_space<semaphore_mem>>) src(%arg37 : memref<6400xi32, #tpu.memory_space<vmem>>) dst(%dma_wait3A_79 : memref<13200000xi32, #tpu.memory_space<hbm>>)
        tpu.yield
      }) : () -> ()
      "tpu.region"() ({
        %run_scoped3A = tpu.sem_alloc : memref<!tpu.dma_semaphore, #tpu.memory_space<semaphore_mem>>
        %dma_start3A = arith.constant 0 : i32
        %dma_start3A_78 = tpu.memref_slice %arg13[%dma_start3A] : memref<13200000xf32, #tpu.memory_space<hbm>> -> memref<13200000xf32, #tpu.memory_space<hbm>>
        tpu.enqueue_indirect_dma source(%arg38 : memref<6400xf32, #tpu.memory_space<vmem>>) target(%dma_start3A_78 : memref<13200000xf32, #tpu.memory_space<hbm>>) offsets(%arg36 : memref<6400xi32, #tpu.memory_space<vmem>>) semaphore(%run_scoped3A : memref<!tpu.dma_semaphore, #tpu.memory_space<semaphore_mem>>)
        %dma_wait3A = arith.constant 0 : i32
        %dma_wait3A_79 = tpu.memref_slice %arg13[%dma_wait3A] : memref<13200000xf32, #tpu.memory_space<hbm>> -> memref<13200000xf32, #tpu.memory_space<hbm>>
        tpu.wait_indirect_dma semaphore(%run_scoped3A : memref<!tpu.dma_semaphore, #tpu.memory_space<semaphore_mem>>) src(%arg38 : memref<6400xf32, #tpu.memory_space<vmem>>) dst(%dma_wait3A_79 : memref<13200000xf32, #tpu.memory_space<hbm>>)
        tpu.yield
      }) : () -> ()
    }
    return
  }
}

#map = affine_map<(d0, d1) -> (0)>
module attributes {stable_mosaic.version = 14 : i64} {
  func.func @_stats_kernel(%arg0: i32, %arg1: i32, %arg2: memref<6400000xf32, #tpu.memory_space<hbm>>, %arg3: memref<6400000xf32, #tpu.memory_space<hbm>>, %arg4: memref<1600000xi32, #tpu.memory_space<hbm>>, %arg5: memref<1600000xi32, #tpu.memory_space<hbm>>, %arg6: memref<25600xf32, #tpu.memory_space<hbm>>, %arg7: memref<6400xi32, #tpu.memory_space<hbm>>, %arg8: memref<2000xi32, #tpu.memory_space<hbm>>, %arg9: memref<819200xf32, #tpu.memory_space<hbm>>, %arg10: memref<204800xi32, #tpu.memory_space<hbm>>, %arg11: memref<204800xi32, #tpu.memory_space<hbm>>, %arg12: memref<409600xf32, #tpu.memory_space<vmem_shared>>, %arg13: memref<102400xi32, #tpu.memory_space<vmem_shared>>, %arg14: memref<102400xi32, #tpu.memory_space<vmem_shared>>, %arg15: memref<8000xf32, #tpu.memory_space<vmem>>, %arg16: memref<2000xi32, #tpu.memory_space<vmem>>, %arg17: memref<8000xi32, #tpu.memory_space<vmem>>, %arg18: memref<2000xi32, #tpu.memory_space<vmem>>) attributes {dimension_semantics = [#tpu.dimension_semantics<core_parallel>, #tpu.dimension_semantics<subcore_parallel>], iteration_bounds = array<i64: 2, 16>, scalar_prefetch = 0 : i64, scratch_operands = 7 : i64, tpu.core_type = #tpu.core_type<sc_vector_subcore>, window_params = [{transform_indices = #map}, {transform_indices = #map}, {transform_indices = #map}, {transform_indices = #map}, {transform_indices = #map}, {transform_indices = #map}, {transform_indices = #map}, {transform_indices = #map}, {transform_indices = #map}, {transform_indices = #map}]} {
    %mul3A = arith.constant 16 : i32
    %mul3A_0 = arith.muli %arg0, %mul3A : i32
    %add3A = arith.addi %mul3A_0, %arg1 : i32
    %iota3A = tpu.iota {dimensions = array<i32: 0>} : vector<16xi32>
    %and3A = arith.constant 3 : i32
    %and3A_1 = vector.broadcast %and3A : i32 to vector<16xi32>
    %and3A_2 = arith.andi %iota3A, %and3A_1 : vector<16xi32>
    %shift_right_arithmetic3A = arith.constant 2 : i32
    %shift_right_arithmetic3A_3 = vector.broadcast %shift_right_arithmetic3A : i32 to vector<16xi32>
    %shift_right_arithmetic3A_4 = arith.shrsi %iota3A, %shift_right_arithmetic3A_3 : vector<16xi32>
    %mul3A_5 = arith.constant 6400 : i32
    %mul3A_6 = arith.muli %arg1, %mul3A_5 : i32
    %mul3A_7 = arith.constant 4 : i32
    %mul3A_8 = arith.muli %mul3A_6, %mul3A_7 : i32
    "tpu.region"() ({
      %run_scoped3A = tpu.sem_alloc : memref<!tpu.dma_semaphore, #tpu.memory_space<semaphore_mem>>
      %dma_start3A = tpu.memref_slice %arg12[%mul3A_8] : memref<409600xf32, #tpu.memory_space<vmem_shared>> -> memref<25600xf32, #tpu.memory_space<vmem_shared>>
      tpu.enqueue_dma source(%arg6 : memref<25600xf32, #tpu.memory_space<hbm>>) target(%dma_start3A : memref<25600xf32, #tpu.memory_space<vmem_shared>>) target_semaphore(%run_scoped3A : memref<!tpu.dma_semaphore, #tpu.memory_space<semaphore_mem>>)
      %dma_wait3A = tpu.memref_slice %arg12[%mul3A_8] : memref<409600xf32, #tpu.memory_space<vmem_shared>> -> memref<25600xf32, #tpu.memory_space<vmem_shared>>
      tpu.wait_dma2 semaphore(%run_scoped3A : memref<!tpu.dma_semaphore, #tpu.memory_space<semaphore_mem>>) src(%arg6 : memref<25600xf32, #tpu.memory_space<hbm>>) dst(%dma_wait3A : memref<25600xf32, #tpu.memory_space<vmem_shared>>)
      tpu.yield
    }) : () -> ()
    "tpu.region"() ({
      %run_scoped3A = tpu.sem_alloc : memref<!tpu.dma_semaphore, #tpu.memory_space<semaphore_mem>>
      %dma_start3A = tpu.memref_slice %arg13[%mul3A_6] : memref<102400xi32, #tpu.memory_space<vmem_shared>> -> memref<6400xi32, #tpu.memory_space<vmem_shared>>
      tpu.enqueue_dma source(%arg7 : memref<6400xi32, #tpu.memory_space<hbm>>) target(%dma_start3A : memref<6400xi32, #tpu.memory_space<vmem_shared>>) target_semaphore(%run_scoped3A : memref<!tpu.dma_semaphore, #tpu.memory_space<semaphore_mem>>)
      %dma_wait3A = tpu.memref_slice %arg13[%mul3A_6] : memref<102400xi32, #tpu.memory_space<vmem_shared>> -> memref<6400xi32, #tpu.memory_space<vmem_shared>>
      tpu.wait_dma2 semaphore(%run_scoped3A : memref<!tpu.dma_semaphore, #tpu.memory_space<semaphore_mem>>) src(%arg7 : memref<6400xi32, #tpu.memory_space<hbm>>) dst(%dma_wait3A : memref<6400xi32, #tpu.memory_space<vmem_shared>>)
      tpu.yield
    }) : () -> ()
    "tpu.region"() ({
      %run_scoped3A = tpu.sem_alloc : memref<!tpu.dma_semaphore, #tpu.memory_space<semaphore_mem>>
      %dma_start3A = tpu.memref_slice %arg14[%mul3A_6] : memref<102400xi32, #tpu.memory_space<vmem_shared>> -> memref<6400xi32, #tpu.memory_space<vmem_shared>>
      tpu.enqueue_dma source(%arg7 : memref<6400xi32, #tpu.memory_space<hbm>>) target(%dma_start3A : memref<6400xi32, #tpu.memory_space<vmem_shared>>) target_semaphore(%run_scoped3A : memref<!tpu.dma_semaphore, #tpu.memory_space<semaphore_mem>>)
      %dma_wait3A = tpu.memref_slice %arg14[%mul3A_6] : memref<102400xi32, #tpu.memory_space<vmem_shared>> -> memref<6400xi32, #tpu.memory_space<vmem_shared>>
      tpu.wait_dma2 semaphore(%run_scoped3A : memref<!tpu.dma_semaphore, #tpu.memory_space<semaphore_mem>>) src(%arg7 : memref<6400xi32, #tpu.memory_space<hbm>>) dst(%dma_wait3A : memref<6400xi32, #tpu.memory_space<vmem_shared>>)
      tpu.yield
    }) : () -> ()
    "tpu.region"() ({
      %run_scoped3A = tpu.sem_alloc : memref<!tpu.dma_semaphore, #tpu.memory_space<semaphore_mem>>
      tpu.enqueue_dma source(%arg8 : memref<2000xi32, #tpu.memory_space<hbm>>) target(%arg18 : memref<2000xi32, #tpu.memory_space<vmem>>) target_semaphore(%run_scoped3A : memref<!tpu.dma_semaphore, #tpu.memory_space<semaphore_mem>>)
      tpu.wait_dma2 semaphore(%run_scoped3A : memref<!tpu.dma_semaphore, #tpu.memory_space<semaphore_mem>>) src(%arg8 : memref<2000xi32, #tpu.memory_space<hbm>>) dst(%arg18 : memref<2000xi32, #tpu.memory_space<vmem>>)
      tpu.yield
    }) : () -> ()
    %barrier3A = arith.constant 0 : index
    tpu.barrier barrier_id(%barrier3A)
    %mul3A_9 = arith.constant 50000 : i32
    %mul3A_10 = arith.muli %add3A, %mul3A_9 : i32
    %sub3A = arith.constant 25 : i32
    %sub3A_11 = arith.constant 0 : i32
    %sub3A_12 = arith.subi %sub3A, %sub3A_11 : i32
    %sub3A_13 = arith.constant 1 : i32
    %sub3A_14 = arith.constant 1 : i32
    %sub3A_15 = arith.subi %sub3A_13, %sub3A_14 : i32
    %add3A_16 = arith.addi %sub3A_12, %sub3A_15 : i32
    %div3A = arith.constant 1 : i32
    %div3A_17 = arith.divsi %add3A_16, %div3A : i32
    %while3A = arith.constant 1 : i32
    %while3A_18 = arith.constant 0 : i32
    %while3A_19 = arith.constant 0 : i32
    %while3A_20 = arith.subi %div3A_17, %while3A_19 : i32
    %while3A_21 = arith.addi %while3A_19, %while3A_20 : i32
    %while3A_22 = arith.constant 1 : i32
    %while3A_23 = arith.divsi %while3A_20, %while3A_22 : i32
    %while3A_24 = arith.muli %while3A_23, %while3A_22 : i32
    %while3A_25 = arith.addi %while3A_19, %while3A_24 : i32
    %while3A_26 = arith.constant 1 : i32
    scf.for %while3A_36 = %while3A_19 to %while3A_25 step %while3A_26  : i32 {
      %mul3A_37 = arith.muli %while3A_36, %while3A : i32
      %add3A_38 = arith.addi %while3A_18, %mul3A_37 : i32
      %mul3A_39 = arith.constant 2000 : i32
      %mul3A_40 = arith.muli %add3A_38, %mul3A_39 : i32
      %add3A_41 = arith.addi %mul3A_10, %mul3A_40 : i32
      %mul3A_42 = arith.constant 4 : i32
      %mul3A_43 = arith.muli %mul3A_42, %add3A_41 : i32
      "tpu.region"() ({
        %run_scoped3A = tpu.sem_alloc : memref<!tpu.dma_semaphore, #tpu.memory_space<semaphore_mem>>
        %dma_start3A = tpu.memref_slice %arg2[%mul3A_43] : memref<6400000xf32, #tpu.memory_space<hbm>> -> memref<8000xf32, #tpu.memory_space<hbm>>
        %dma_start3A_86 = tpu.memref_slice %arg2[%mul3A_43] : memref<6400000xf32, #tpu.memory_space<hbm>> -> memref<8000xf32, #tpu.memory_space<hbm>>
        tpu.enqueue_dma source(%dma_start3A_86 : memref<8000xf32, #tpu.memory_space<hbm>>) target(%arg15 : memref<8000xf32, #tpu.memory_space<vmem>>) target_semaphore(%run_scoped3A : memref<!tpu.dma_semaphore, #tpu.memory_space<semaphore_mem>>)
        %dma_wait3A = tpu.memref_slice %arg2[%mul3A_43] : memref<6400000xf32, #tpu.memory_space<hbm>> -> memref<8000xf32, #tpu.memory_space<hbm>>
        %dma_wait3A_87 = tpu.memref_slice %arg2[%mul3A_43] : memref<6400000xf32, #tpu.memory_space<hbm>> -> memref<8000xf32, #tpu.memory_space<hbm>>
        tpu.wait_dma2 semaphore(%run_scoped3A : memref<!tpu.dma_semaphore, #tpu.memory_space<semaphore_mem>>) src(%dma_wait3A_87 : memref<8000xf32, #tpu.memory_space<hbm>>) dst(%arg15 : memref<8000xf32, #tpu.memory_space<vmem>>)
        tpu.yield
      }) : () -> ()
      "tpu.region"() ({
        %run_scoped3A = tpu.sem_alloc : memref<!tpu.dma_semaphore, #tpu.memory_space<semaphore_mem>>
        %dma_start3A = tpu.memref_slice %arg4[%add3A_41] : memref<1600000xi32, #tpu.memory_space<hbm>> -> memref<2000xi32, #tpu.memory_space<hbm>>
        %dma_start3A_86 = tpu.memref_slice %arg4[%add3A_41] : memref<1600000xi32, #tpu.memory_space<hbm>> -> memref<2000xi32, #tpu.memory_space<hbm>>
        tpu.enqueue_dma source(%dma_start3A_86 : memref<2000xi32, #tpu.memory_space<hbm>>) target(%arg16 : memref<2000xi32, #tpu.memory_space<vmem>>) target_semaphore(%run_scoped3A : memref<!tpu.dma_semaphore, #tpu.memory_space<semaphore_mem>>)
        %dma_wait3A = tpu.memref_slice %arg4[%add3A_41] : memref<1600000xi32, #tpu.memory_space<hbm>> -> memref<2000xi32, #tpu.memory_space<hbm>>
        %dma_wait3A_87 = tpu.memref_slice %arg4[%add3A_41] : memref<1600000xi32, #tpu.memory_space<hbm>> -> memref<2000xi32, #tpu.memory_space<hbm>>
        tpu.wait_dma2 semaphore(%run_scoped3A : memref<!tpu.dma_semaphore, #tpu.memory_space<semaphore_mem>>) src(%dma_wait3A_87 : memref<2000xi32, #tpu.memory_space<hbm>>) dst(%arg16 : memref<2000xi32, #tpu.memory_space<vmem>>)
        tpu.yield
      }) : () -> ()
      %sub3A_44 = arith.constant 500 : i32
      %sub3A_45 = arith.constant 0 : i32
      %sub3A_46 = arith.subi %sub3A_44, %sub3A_45 : i32
      %sub3A_47 = arith.constant 1 : i32
      %sub3A_48 = arith.constant 1 : i32
      %sub3A_49 = arith.subi %sub3A_47, %sub3A_48 : i32
      %add3A_50 = arith.addi %sub3A_46, %sub3A_49 : i32
      %div3A_51 = arith.constant 1 : i32
      %div3A_52 = arith.divsi %add3A_50, %div3A_51 : i32
      %while3A_53 = arith.constant 1 : i32
      %while3A_54 = arith.constant 0 : i32
      %while3A_55 = arith.constant 0 : i32
      %while3A_56 = arith.subi %div3A_52, %while3A_55 : i32
      %while3A_57 = arith.addi %while3A_55, %while3A_56 : i32
      %while3A_58 = arith.constant 1 : i32
      %while3A_59 = arith.divsi %while3A_56, %while3A_58 : i32
      %while3A_60 = arith.muli %while3A_59, %while3A_58 : i32
      %while3A_61 = arith.addi %while3A_55, %while3A_60 : i32
      %while3A_62 = arith.constant 1 : i32
      scf.for %while3A_86 = %while3A_55 to %while3A_61 step %while3A_62  : i32 {
        %mul3A_87 = arith.muli %while3A_86, %while3A_53 : i32
        %add3A_88 = arith.addi %while3A_54, %mul3A_87 : i32
        %mul3A_89 = arith.constant 16 : i32
        %mul3A_90 = arith.muli %add3A_88, %mul3A_89 : i32
        %mul3A_91 = arith.constant 4 : i32
        %mul3A_92 = arith.muli %add3A_88, %mul3A_91 : i32
        %add3A_93 = vector.broadcast %mul3A_92 : i32 to vector<16xi32>
        %add3A_94 = arith.addi %add3A_93, %shift_right_arithmetic3A_4 : vector<16xi32>
        %gather3A = tpu.vector_load_idx %arg16[%add3A_94] : memref<2000xi32, #tpu.memory_space<vmem>>[vector<16xi32>], vector<16xi32>,
        %mul3A_95 = arith.constant 4 : i32
        %mul3A_96 = vector.broadcast %mul3A_95 : i32 to vector<16xi32>
        %mul3A_97 = arith.muli %gather3A, %mul3A_96 : vector<16xi32>
        %add3A_98 = arith.addi %mul3A_97, %and3A_2 : vector<16xi32>
        %swap3A = arith.index_cast %mul3A_90 : i32 to index
        %swap3A_99 = tpu.vector_load %arg17[%swap3A] {strides = array<i32>} : memref<8000xi32, #tpu.memory_space<vmem>>, vector<16xi32>,
        tpu.vector_store %arg17[%swap3A], %add3A_98 {strides = array<i32>} : memref<8000xi32, #tpu.memory_space<vmem>>, vector<16xi32>,
      }
      %while3A_63 = arith.constant 1 : i32
      scf.for %while3A_86 = %while3A_61 to %while3A_57 step %while3A_63  : i32 {
        %mul3A_87 = arith.muli %while3A_86, %while3A_53 : i32
        %add3A_88 = arith.addi %while3A_54, %mul3A_87 : i32
        %mul3A_89 = arith.constant 16 : i32
        %mul3A_90 = arith.muli %add3A_88, %mul3A_89 : i32
        %mul3A_91 = arith.constant 4 : i32
        %mul3A_92 = arith.muli %add3A_88, %mul3A_91 : i32
        %add3A_93 = vector.broadcast %mul3A_92 : i32 to vector<16xi32>
        %add3A_94 = arith.addi %add3A_93, %shift_right_arithmetic3A_4 : vector<16xi32>
        %gather3A = tpu.vector_load_idx %arg16[%add3A_94] : memref<2000xi32, #tpu.memory_space<vmem>>[vector<16xi32>], vector<16xi32>,
        %mul3A_95 = arith.constant 4 : i32
        %mul3A_96 = vector.broadcast %mul3A_95 : i32 to vector<16xi32>
        %mul3A_97 = arith.muli %gather3A, %mul3A_96 : vector<16xi32>
        %add3A_98 = arith.addi %mul3A_97, %and3A_2 : vector<16xi32>
        %swap3A = arith.index_cast %mul3A_90 : i32 to index
        %swap3A_99 = tpu.vector_load %arg17[%swap3A] {strides = array<i32>} : memref<8000xi32, #tpu.memory_space<vmem>>, vector<16xi32>,
        tpu.vector_store %arg17[%swap3A], %add3A_98 {strides = array<i32>} : memref<8000xi32, #tpu.memory_space<vmem>>, vector<16xi32>,
      }
      "tpu.region"() ({
        %run_scoped3A = tpu.sem_alloc : memref<!tpu.dma_semaphore, #tpu.memory_space<semaphore_mem>>
        %dma_start3A = arith.constant 0 : i32
        %dma_start3A_86 = tpu.memref_slice %arg12[%dma_start3A] : memref<409600xf32, #tpu.memory_space<vmem_shared>> -> memref<409600xf32, #tpu.memory_space<vmem_shared>>
        tpu.enqueue_indirect_dma source(%arg15 : memref<8000xf32, #tpu.memory_space<vmem>>) target(%dma_start3A_86 : memref<409600xf32, #tpu.memory_space<vmem_shared>>) offsets(%arg17 : memref<8000xi32, #tpu.memory_space<vmem>>) semaphore(%run_scoped3A : memref<!tpu.dma_semaphore, #tpu.memory_space<semaphore_mem>>) {add = true}
        %dma_wait3A = arith.constant 0 : i32
        %dma_wait3A_87 = tpu.memref_slice %arg12[%dma_wait3A] : memref<409600xf32, #tpu.memory_space<vmem_shared>> -> memref<409600xf32, #tpu.memory_space<vmem_shared>>
        tpu.wait_indirect_dma semaphore(%run_scoped3A : memref<!tpu.dma_semaphore, #tpu.memory_space<semaphore_mem>>) src(%arg15 : memref<8000xf32, #tpu.memory_space<vmem>>) dst(%dma_wait3A_87 : memref<409600xf32, #tpu.memory_space<vmem_shared>>)
        tpu.yield
      }) : () -> ()
      "tpu.region"() ({
        %run_scoped3A = tpu.sem_alloc : memref<!tpu.dma_semaphore, #tpu.memory_space<semaphore_mem>>
        %dma_start3A = arith.constant 0 : i32
        %dma_start3A_86 = tpu.memref_slice %arg13[%dma_start3A] : memref<102400xi32, #tpu.memory_space<vmem_shared>> -> memref<102400xi32, #tpu.memory_space<vmem_shared>>
        tpu.enqueue_indirect_dma source(%arg18 : memref<2000xi32, #tpu.memory_space<vmem>>) target(%dma_start3A_86 : memref<102400xi32, #tpu.memory_space<vmem_shared>>) offsets(%arg16 : memref<2000xi32, #tpu.memory_space<vmem>>) semaphore(%run_scoped3A : memref<!tpu.dma_semaphore, #tpu.memory_space<semaphore_mem>>) {add = true}
        %dma_wait3A = arith.constant 0 : i32
        %dma_wait3A_87 = tpu.memref_slice %arg13[%dma_wait3A] : memref<102400xi32, #tpu.memory_space<vmem_shared>> -> memref<102400xi32, #tpu.memory_space<vmem_shared>>
        tpu.wait_indirect_dma semaphore(%run_scoped3A : memref<!tpu.dma_semaphore, #tpu.memory_space<semaphore_mem>>) src(%arg18 : memref<2000xi32, #tpu.memory_space<vmem>>) dst(%dma_wait3A_87 : memref<102400xi32, #tpu.memory_space<vmem_shared>>)
        tpu.yield
      }) : () -> ()
      %mul3A_64 = arith.constant 4 : i32
      %mul3A_65 = arith.muli %mul3A_64, %add3A_41 : i32
      "tpu.region"() ({
        %run_scoped3A = tpu.sem_alloc : memref<!tpu.dma_semaphore, #tpu.memory_space<semaphore_mem>>
        %dma_start3A = tpu.memref_slice %arg3[%mul3A_65] : memref<6400000xf32, #tpu.memory_space<hbm>> -> memref<8000xf32, #tpu.memory_space<hbm>>
        %dma_start3A_86 = tpu.memref_slice %arg3[%mul3A_65] : memref<6400000xf32, #tpu.memory_space<hbm>> -> memref<8000xf32, #tpu.memory_space<hbm>>
        tpu.enqueue_dma source(%dma_start3A_86 : memref<8000xf32, #tpu.memory_space<hbm>>) target(%arg15 : memref<8000xf32, #tpu.memory_space<vmem>>) target_semaphore(%run_scoped3A : memref<!tpu.dma_semaphore, #tpu.memory_space<semaphore_mem>>)
        %dma_wait3A = tpu.memref_slice %arg3[%mul3A_65] : memref<6400000xf32, #tpu.memory_space<hbm>> -> memref<8000xf32, #tpu.memory_space<hbm>>
        %dma_wait3A_87 = tpu.memref_slice %arg3[%mul3A_65] : memref<6400000xf32, #tpu.memory_space<hbm>> -> memref<8000xf32, #tpu.memory_space<hbm>>
        tpu.wait_dma2 semaphore(%run_scoped3A : memref<!tpu.dma_semaphore, #tpu.memory_space<semaphore_mem>>) src(%dma_wait3A_87 : memref<8000xf32, #tpu.memory_space<hbm>>) dst(%arg15 : memref<8000xf32, #tpu.memory_space<vmem>>)
        tpu.yield
      }) : () -> ()
      "tpu.region"() ({
        %run_scoped3A = tpu.sem_alloc : memref<!tpu.dma_semaphore, #tpu.memory_space<semaphore_mem>>
        %dma_start3A = tpu.memref_slice %arg5[%add3A_41] : memref<1600000xi32, #tpu.memory_space<hbm>> -> memref<2000xi32, #tpu.memory_space<hbm>>
        %dma_start3A_86 = tpu.memref_slice %arg5[%add3A_41] : memref<1600000xi32, #tpu.memory_space<hbm>> -> memref<2000xi32, #tpu.memory_space<hbm>>
        tpu.enqueue_dma source(%dma_start3A_86 : memref<2000xi32, #tpu.memory_space<hbm>>) target(%arg16 : memref<2000xi32, #tpu.memory_space<vmem>>) target_semaphore(%run_scoped3A : memref<!tpu.dma_semaphore, #tpu.memory_space<semaphore_mem>>)
        %dma_wait3A = tpu.memref_slice %arg5[%add3A_41] : memref<1600000xi32, #tpu.memory_space<hbm>> -> memref<2000xi32, #tpu.memory_space<hbm>>
        %dma_wait3A_87 = tpu.memref_slice %arg5[%add3A_41] : memref<1600000xi32, #tpu.memory_space<hbm>> -> memref<2000xi32, #tpu.memory_space<hbm>>
        tpu.wait_dma2 semaphore(%run_scoped3A : memref<!tpu.dma_semaphore, #tpu.memory_space<semaphore_mem>>) src(%dma_wait3A_87 : memref<2000xi32, #tpu.memory_space<hbm>>) dst(%arg16 : memref<2000xi32, #tpu.memory_space<vmem>>)
        tpu.yield
      }) : () -> ()
      %sub3A_66 = arith.constant 500 : i32
      %sub3A_67 = arith.constant 0 : i32
      %sub3A_68 = arith.subi %sub3A_66, %sub3A_67 : i32
      %sub3A_69 = arith.constant 1 : i32
      %sub3A_70 = arith.constant 1 : i32
      %sub3A_71 = arith.subi %sub3A_69, %sub3A_70 : i32
      %add3A_72 = arith.addi %sub3A_68, %sub3A_71 : i32
      %div3A_73 = arith.constant 1 : i32
      %div3A_74 = arith.divsi %add3A_72, %div3A_73 : i32
      %while3A_75 = arith.constant 1 : i32
      %while3A_76 = arith.constant 0 : i32
      %while3A_77 = arith.constant 0 : i32
      %while3A_78 = arith.subi %div3A_74, %while3A_77 : i32
      %while3A_79 = arith.addi %while3A_77, %while3A_78 : i32
      %while3A_80 = arith.constant 1 : i32
      %while3A_81 = arith.divsi %while3A_78, %while3A_80 : i32
      %while3A_82 = arith.muli %while3A_81, %while3A_80 : i32
      %while3A_83 = arith.addi %while3A_77, %while3A_82 : i32
      %while3A_84 = arith.constant 1 : i32
      scf.for %while3A_86 = %while3A_77 to %while3A_83 step %while3A_84  : i32 {
        %mul3A_87 = arith.muli %while3A_86, %while3A_75 : i32
        %add3A_88 = arith.addi %while3A_76, %mul3A_87 : i32
        %mul3A_89 = arith.constant 16 : i32
        %mul3A_90 = arith.muli %add3A_88, %mul3A_89 : i32
        %mul3A_91 = arith.constant 4 : i32
        %mul3A_92 = arith.muli %add3A_88, %mul3A_91 : i32
        %add3A_93 = vector.broadcast %mul3A_92 : i32 to vector<16xi32>
        %add3A_94 = arith.addi %add3A_93, %shift_right_arithmetic3A_4 : vector<16xi32>
        %gather3A = tpu.vector_load_idx %arg16[%add3A_94] : memref<2000xi32, #tpu.memory_space<vmem>>[vector<16xi32>], vector<16xi32>,
        %mul3A_95 = arith.constant 4 : i32
        %mul3A_96 = vector.broadcast %mul3A_95 : i32 to vector<16xi32>
        %mul3A_97 = arith.muli %gather3A, %mul3A_96 : vector<16xi32>
        %add3A_98 = arith.addi %mul3A_97, %and3A_2 : vector<16xi32>
        %swap3A = arith.index_cast %mul3A_90 : i32 to index
        %swap3A_99 = tpu.vector_load %arg17[%swap3A] {strides = array<i32>} : memref<8000xi32, #tpu.memory_space<vmem>>, vector<16xi32>,
        tpu.vector_store %arg17[%swap3A], %add3A_98 {strides = array<i32>} : memref<8000xi32, #tpu.memory_space<vmem>>, vector<16xi32>,
      }
      %while3A_85 = arith.constant 1 : i32
      scf.for %while3A_86 = %while3A_83 to %while3A_79 step %while3A_85  : i32 {
        %mul3A_87 = arith.muli %while3A_86, %while3A_75 : i32
        %add3A_88 = arith.addi %while3A_76, %mul3A_87 : i32
        %mul3A_89 = arith.constant 16 : i32
        %mul3A_90 = arith.muli %add3A_88, %mul3A_89 : i32
        %mul3A_91 = arith.constant 4 : i32
        %mul3A_92 = arith.muli %add3A_88, %mul3A_91 : i32
        %add3A_93 = vector.broadcast %mul3A_92 : i32 to vector<16xi32>
        %add3A_94 = arith.addi %add3A_93, %shift_right_arithmetic3A_4 : vector<16xi32>
        %gather3A = tpu.vector_load_idx %arg16[%add3A_94] : memref<2000xi32, #tpu.memory_space<vmem>>[vector<16xi32>], vector<16xi32>,
        %mul3A_95 = arith.constant 4 : i32
        %mul3A_96 = vector.broadcast %mul3A_95 : i32 to vector<16xi32>
        %mul3A_97 = arith.muli %gather3A, %mul3A_96 : vector<16xi32>
        %add3A_98 = arith.addi %mul3A_97, %and3A_2 : vector<16xi32>
        %swap3A = arith.index_cast %mul3A_90 : i32 to index
        %swap3A_99 = tpu.vector_load %arg17[%swap3A] {strides = array<i32>} : memref<8000xi32, #tpu.memory_space<vmem>>, vector<16xi32>,
        tpu.vector_store %arg17[%swap3A], %add3A_98 {strides = array<i32>} : memref<8000xi32, #tpu.memory_space<vmem>>, vector<16xi32>,
      }
      "tpu.region"() ({
        %run_scoped3A = tpu.sem_alloc : memref<!tpu.dma_semaphore, #tpu.memory_space<semaphore_mem>>
        %dma_start3A = arith.constant 0 : i32
        %dma_start3A_86 = tpu.memref_slice %arg12[%dma_start3A] : memref<409600xf32, #tpu.memory_space<vmem_shared>> -> memref<409600xf32, #tpu.memory_space<vmem_shared>>
        tpu.enqueue_indirect_dma source(%arg15 : memref<8000xf32, #tpu.memory_space<vmem>>) target(%dma_start3A_86 : memref<409600xf32, #tpu.memory_space<vmem_shared>>) offsets(%arg17 : memref<8000xi32, #tpu.memory_space<vmem>>) semaphore(%run_scoped3A : memref<!tpu.dma_semaphore, #tpu.memory_space<semaphore_mem>>) {add = true}
        %dma_wait3A = arith.constant 0 : i32
        %dma_wait3A_87 = tpu.memref_slice %arg12[%dma_wait3A] : memref<409600xf32, #tpu.memory_space<vmem_shared>> -> memref<409600xf32, #tpu.memory_space<vmem_shared>>
        tpu.wait_indirect_dma semaphore(%run_scoped3A : memref<!tpu.dma_semaphore, #tpu.memory_space<semaphore_mem>>) src(%arg15 : memref<8000xf32, #tpu.memory_space<vmem>>) dst(%dma_wait3A_87 : memref<409600xf32, #tpu.memory_space<vmem_shared>>)
        tpu.yield
      }) : () -> ()
      "tpu.region"() ({
        %run_scoped3A = tpu.sem_alloc : memref<!tpu.dma_semaphore, #tpu.memory_space<semaphore_mem>>
        %dma_start3A = arith.constant 0 : i32
        %dma_start3A_86 = tpu.memref_slice %arg14[%dma_start3A] : memref<102400xi32, #tpu.memory_space<vmem_shared>> -> memref<102400xi32, #tpu.memory_space<vmem_shared>>
        tpu.enqueue_indirect_dma source(%arg18 : memref<2000xi32, #tpu.memory_space<vmem>>) target(%dma_start3A_86 : memref<102400xi32, #tpu.memory_space<vmem_shared>>) offsets(%arg16 : memref<2000xi32, #tpu.memory_space<vmem>>) semaphore(%run_scoped3A : memref<!tpu.dma_semaphore, #tpu.memory_space<semaphore_mem>>) {add = true}
        %dma_wait3A = arith.constant 0 : i32
        %dma_wait3A_87 = tpu.memref_slice %arg14[%dma_wait3A] : memref<102400xi32, #tpu.memory_space<vmem_shared>> -> memref<102400xi32, #tpu.memory_space<vmem_shared>>
        tpu.wait_indirect_dma semaphore(%run_scoped3A : memref<!tpu.dma_semaphore, #tpu.memory_space<semaphore_mem>>) src(%arg18 : memref<2000xi32, #tpu.memory_space<vmem>>) dst(%dma_wait3A_87 : memref<102400xi32, #tpu.memory_space<vmem_shared>>)
        tpu.yield
      }) : () -> ()
    }
    %while3A_27 = arith.constant 1 : i32
    scf.for %while3A_36 = %while3A_25 to %while3A_21 step %while3A_27  : i32 {
      %mul3A_37 = arith.muli %while3A_36, %while3A : i32
      %add3A_38 = arith.addi %while3A_18, %mul3A_37 : i32
      %mul3A_39 = arith.constant 2000 : i32
      %mul3A_40 = arith.muli %add3A_38, %mul3A_39 : i32
      %add3A_41 = arith.addi %mul3A_10, %mul3A_40 : i32
      %mul3A_42 = arith.constant 4 : i32
      %mul3A_43 = arith.muli %mul3A_42, %add3A_41 : i32
      "tpu.region"() ({
        %run_scoped3A = tpu.sem_alloc : memref<!tpu.dma_semaphore, #tpu.memory_space<semaphore_mem>>
        %dma_start3A = tpu.memref_slice %arg2[%mul3A_43] : memref<6400000xf32, #tpu.memory_space<hbm>> -> memref<8000xf32, #tpu.memory_space<hbm>>
        %dma_start3A_86 = tpu.memref_slice %arg2[%mul3A_43] : memref<6400000xf32, #tpu.memory_space<hbm>> -> memref<8000xf32, #tpu.memory_space<hbm>>
        tpu.enqueue_dma source(%dma_start3A_86 : memref<8000xf32, #tpu.memory_space<hbm>>) target(%arg15 : memref<8000xf32, #tpu.memory_space<vmem>>) target_semaphore(%run_scoped3A : memref<!tpu.dma_semaphore, #tpu.memory_space<semaphore_mem>>)
        %dma_wait3A = tpu.memref_slice %arg2[%mul3A_43] : memref<6400000xf32, #tpu.memory_space<hbm>> -> memref<8000xf32, #tpu.memory_space<hbm>>
        %dma_wait3A_87 = tpu.memref_slice %arg2[%mul3A_43] : memref<6400000xf32, #tpu.memory_space<hbm>> -> memref<8000xf32, #tpu.memory_space<hbm>>
        tpu.wait_dma2 semaphore(%run_scoped3A : memref<!tpu.dma_semaphore, #tpu.memory_space<semaphore_mem>>) src(%dma_wait3A_87 : memref<8000xf32, #tpu.memory_space<hbm>>) dst(%arg15 : memref<8000xf32, #tpu.memory_space<vmem>>)
        tpu.yield
      }) : () -> ()
      "tpu.region"() ({
        %run_scoped3A = tpu.sem_alloc : memref<!tpu.dma_semaphore, #tpu.memory_space<semaphore_mem>>
        %dma_start3A = tpu.memref_slice %arg4[%add3A_41] : memref<1600000xi32, #tpu.memory_space<hbm>> -> memref<2000xi32, #tpu.memory_space<hbm>>
        %dma_start3A_86 = tpu.memref_slice %arg4[%add3A_41] : memref<1600000xi32, #tpu.memory_space<hbm>> -> memref<2000xi32, #tpu.memory_space<hbm>>
        tpu.enqueue_dma source(%dma_start3A_86 : memref<2000xi32, #tpu.memory_space<hbm>>) target(%arg16 : memref<2000xi32, #tpu.memory_space<vmem>>) target_semaphore(%run_scoped3A : memref<!tpu.dma_semaphore, #tpu.memory_space<semaphore_mem>>)
        %dma_wait3A = tpu.memref_slice %arg4[%add3A_41] : memref<1600000xi32, #tpu.memory_space<hbm>> -> memref<2000xi32, #tpu.memory_space<hbm>>
        %dma_wait3A_87 = tpu.memref_slice %arg4[%add3A_41] : memref<1600000xi32, #tpu.memory_space<hbm>> -> memref<2000xi32, #tpu.memory_space<hbm>>
        tpu.wait_dma2 semaphore(%run_scoped3A : memref<!tpu.dma_semaphore, #tpu.memory_space<semaphore_mem>>) src(%dma_wait3A_87 : memref<2000xi32, #tpu.memory_space<hbm>>) dst(%arg16 : memref<2000xi32, #tpu.memory_space<vmem>>)
        tpu.yield
      }) : () -> ()
      %sub3A_44 = arith.constant 500 : i32
      %sub3A_45 = arith.constant 0 : i32
      %sub3A_46 = arith.subi %sub3A_44, %sub3A_45 : i32
      %sub3A_47 = arith.constant 1 : i32
      %sub3A_48 = arith.constant 1 : i32
      %sub3A_49 = arith.subi %sub3A_47, %sub3A_48 : i32
      %add3A_50 = arith.addi %sub3A_46, %sub3A_49 : i32
      %div3A_51 = arith.constant 1 : i32
      %div3A_52 = arith.divsi %add3A_50, %div3A_51 : i32
      %while3A_53 = arith.constant 1 : i32
      %while3A_54 = arith.constant 0 : i32
      %while3A_55 = arith.constant 0 : i32
      %while3A_56 = arith.subi %div3A_52, %while3A_55 : i32
      %while3A_57 = arith.addi %while3A_55, %while3A_56 : i32
      %while3A_58 = arith.constant 1 : i32
      %while3A_59 = arith.divsi %while3A_56, %while3A_58 : i32
      %while3A_60 = arith.muli %while3A_59, %while3A_58 : i32
      %while3A_61 = arith.addi %while3A_55, %while3A_60 : i32
      %while3A_62 = arith.constant 1 : i32
      scf.for %while3A_86 = %while3A_55 to %while3A_61 step %while3A_62  : i32 {
        %mul3A_87 = arith.muli %while3A_86, %while3A_53 : i32
        %add3A_88 = arith.addi %while3A_54, %mul3A_87 : i32
        %mul3A_89 = arith.constant 16 : i32
        %mul3A_90 = arith.muli %add3A_88, %mul3A_89 : i32
        %mul3A_91 = arith.constant 4 : i32
        %mul3A_92 = arith.muli %add3A_88, %mul3A_91 : i32
        %add3A_93 = vector.broadcast %mul3A_92 : i32 to vector<16xi32>
        %add3A_94 = arith.addi %add3A_93, %shift_right_arithmetic3A_4 : vector<16xi32>
        %gather3A = tpu.vector_load_idx %arg16[%add3A_94] : memref<2000xi32, #tpu.memory_space<vmem>>[vector<16xi32>], vector<16xi32>,
        %mul3A_95 = arith.constant 4 : i32
        %mul3A_96 = vector.broadcast %mul3A_95 : i32 to vector<16xi32>
        %mul3A_97 = arith.muli %gather3A, %mul3A_96 : vector<16xi32>
        %add3A_98 = arith.addi %mul3A_97, %and3A_2 : vector<16xi32>
        %swap3A = arith.index_cast %mul3A_90 : i32 to index
        %swap3A_99 = tpu.vector_load %arg17[%swap3A] {strides = array<i32>} : memref<8000xi32, #tpu.memory_space<vmem>>, vector<16xi32>,
        tpu.vector_store %arg17[%swap3A], %add3A_98 {strides = array<i32>} : memref<8000xi32, #tpu.memory_space<vmem>>, vector<16xi32>,
      }
      %while3A_63 = arith.constant 1 : i32
      scf.for %while3A_86 = %while3A_61 to %while3A_57 step %while3A_63  : i32 {
        %mul3A_87 = arith.muli %while3A_86, %while3A_53 : i32
        %add3A_88 = arith.addi %while3A_54, %mul3A_87 : i32
        %mul3A_89 = arith.constant 16 : i32
        %mul3A_90 = arith.muli %add3A_88, %mul3A_89 : i32
        %mul3A_91 = arith.constant 4 : i32
        %mul3A_92 = arith.muli %add3A_88, %mul3A_91 : i32
        %add3A_93 = vector.broadcast %mul3A_92 : i32 to vector<16xi32>
        %add3A_94 = arith.addi %add3A_93, %shift_right_arithmetic3A_4 : vector<16xi32>
        %gather3A = tpu.vector_load_idx %arg16[%add3A_94] : memref<2000xi32, #tpu.memory_space<vmem>>[vector<16xi32>], vector<16xi32>,
        %mul3A_95 = arith.constant 4 : i32
        %mul3A_96 = vector.broadcast %mul3A_95 : i32 to vector<16xi32>
        %mul3A_97 = arith.muli %gather3A, %mul3A_96 : vector<16xi32>
        %add3A_98 = arith.addi %mul3A_97, %and3A_2 : vector<16xi32>
        %swap3A = arith.index_cast %mul3A_90 : i32 to index
        %swap3A_99 = tpu.vector_load %arg17[%swap3A] {strides = array<i32>} : memref<8000xi32, #tpu.memory_space<vmem>>, vector<16xi32>,
        tpu.vector_store %arg17[%swap3A], %add3A_98 {strides = array<i32>} : memref<8000xi32, #tpu.memory_space<vmem>>, vector<16xi32>,
      }
      "tpu.region"() ({
        %run_scoped3A = tpu.sem_alloc : memref<!tpu.dma_semaphore, #tpu.memory_space<semaphore_mem>>
        %dma_start3A = arith.constant 0 : i32
        %dma_start3A_86 = tpu.memref_slice %arg12[%dma_start3A] : memref<409600xf32, #tpu.memory_space<vmem_shared>> -> memref<409600xf32, #tpu.memory_space<vmem_shared>>
        tpu.enqueue_indirect_dma source(%arg15 : memref<8000xf32, #tpu.memory_space<vmem>>) target(%dma_start3A_86 : memref<409600xf32, #tpu.memory_space<vmem_shared>>) offsets(%arg17 : memref<8000xi32, #tpu.memory_space<vmem>>) semaphore(%run_scoped3A : memref<!tpu.dma_semaphore, #tpu.memory_space<semaphore_mem>>) {add = true}
        %dma_wait3A = arith.constant 0 : i32
        %dma_wait3A_87 = tpu.memref_slice %arg12[%dma_wait3A] : memref<409600xf32, #tpu.memory_space<vmem_shared>> -> memref<409600xf32, #tpu.memory_space<vmem_shared>>
        tpu.wait_indirect_dma semaphore(%run_scoped3A : memref<!tpu.dma_semaphore, #tpu.memory_space<semaphore_mem>>) src(%arg15 : memref<8000xf32, #tpu.memory_space<vmem>>) dst(%dma_wait3A_87 : memref<409600xf32, #tpu.memory_space<vmem_shared>>)
        tpu.yield
      }) : () -> ()
      "tpu.region"() ({
        %run_scoped3A = tpu.sem_alloc : memref<!tpu.dma_semaphore, #tpu.memory_space<semaphore_mem>>
        %dma_start3A = arith.constant 0 : i32
        %dma_start3A_86 = tpu.memref_slice %arg13[%dma_start3A] : memref<102400xi32, #tpu.memory_space<vmem_shared>> -> memref<102400xi32, #tpu.memory_space<vmem_shared>>
        tpu.enqueue_indirect_dma source(%arg18 : memref<2000xi32, #tpu.memory_space<vmem>>) target(%dma_start3A_86 : memref<102400xi32, #tpu.memory_space<vmem_shared>>) offsets(%arg16 : memref<2000xi32, #tpu.memory_space<vmem>>) semaphore(%run_scoped3A : memref<!tpu.dma_semaphore, #tpu.memory_space<semaphore_mem>>) {add = true}
        %dma_wait3A = arith.constant 0 : i32
        %dma_wait3A_87 = tpu.memref_slice %arg13[%dma_wait3A] : memref<102400xi32, #tpu.memory_space<vmem_shared>> -> memref<102400xi32, #tpu.memory_space<vmem_shared>>
        tpu.wait_indirect_dma semaphore(%run_scoped3A : memref<!tpu.dma_semaphore, #tpu.memory_space<semaphore_mem>>) src(%arg18 : memref<2000xi32, #tpu.memory_space<vmem>>) dst(%dma_wait3A_87 : memref<102400xi32, #tpu.memory_space<vmem_shared>>)
        tpu.yield
      }) : () -> ()
      %mul3A_64 = arith.constant 4 : i32
      %mul3A_65 = arith.muli %mul3A_64, %add3A_41 : i32
      "tpu.region"() ({
        %run_scoped3A = tpu.sem_alloc : memref<!tpu.dma_semaphore, #tpu.memory_space<semaphore_mem>>
        %dma_start3A = tpu.memref_slice %arg3[%mul3A_65] : memref<6400000xf32, #tpu.memory_space<hbm>> -> memref<8000xf32, #tpu.memory_space<hbm>>
        %dma_start3A_86 = tpu.memref_slice %arg3[%mul3A_65] : memref<6400000xf32, #tpu.memory_space<hbm>> -> memref<8000xf32, #tpu.memory_space<hbm>>
        tpu.enqueue_dma source(%dma_start3A_86 : memref<8000xf32, #tpu.memory_space<hbm>>) target(%arg15 : memref<8000xf32, #tpu.memory_space<vmem>>) target_semaphore(%run_scoped3A : memref<!tpu.dma_semaphore, #tpu.memory_space<semaphore_mem>>)
        %dma_wait3A = tpu.memref_slice %arg3[%mul3A_65] : memref<6400000xf32, #tpu.memory_space<hbm>> -> memref<8000xf32, #tpu.memory_space<hbm>>
        %dma_wait3A_87 = tpu.memref_slice %arg3[%mul3A_65] : memref<6400000xf32, #tpu.memory_space<hbm>> -> memref<8000xf32, #tpu.memory_space<hbm>>
        tpu.wait_dma2 semaphore(%run_scoped3A : memref<!tpu.dma_semaphore, #tpu.memory_space<semaphore_mem>>) src(%dma_wait3A_87 : memref<8000xf32, #tpu.memory_space<hbm>>) dst(%arg15 : memref<8000xf32, #tpu.memory_space<vmem>>)
        tpu.yield
      }) : () -> ()
      "tpu.region"() ({
        %run_scoped3A = tpu.sem_alloc : memref<!tpu.dma_semaphore, #tpu.memory_space<semaphore_mem>>
        %dma_start3A = tpu.memref_slice %arg5[%add3A_41] : memref<1600000xi32, #tpu.memory_space<hbm>> -> memref<2000xi32, #tpu.memory_space<hbm>>
        %dma_start3A_86 = tpu.memref_slice %arg5[%add3A_41] : memref<1600000xi32, #tpu.memory_space<hbm>> -> memref<2000xi32, #tpu.memory_space<hbm>>
        tpu.enqueue_dma source(%dma_start3A_86 : memref<2000xi32, #tpu.memory_space<hbm>>) target(%arg16 : memref<2000xi32, #tpu.memory_space<vmem>>) target_semaphore(%run_scoped3A : memref<!tpu.dma_semaphore, #tpu.memory_space<semaphore_mem>>)
        %dma_wait3A = tpu.memref_slice %arg5[%add3A_41] : memref<1600000xi32, #tpu.memory_space<hbm>> -> memref<2000xi32, #tpu.memory_space<hbm>>
        %dma_wait3A_87 = tpu.memref_slice %arg5[%add3A_41] : memref<1600000xi32, #tpu.memory_space<hbm>> -> memref<2000xi32, #tpu.memory_space<hbm>>
        tpu.wait_dma2 semaphore(%run_scoped3A : memref<!tpu.dma_semaphore, #tpu.memory_space<semaphore_mem>>) src(%dma_wait3A_87 : memref<2000xi32, #tpu.memory_space<hbm>>) dst(%arg16 : memref<2000xi32, #tpu.memory_space<vmem>>)
        tpu.yield
      }) : () -> ()
      %sub3A_66 = arith.constant 500 : i32
      %sub3A_67 = arith.constant 0 : i32
      %sub3A_68 = arith.subi %sub3A_66, %sub3A_67 : i32
      %sub3A_69 = arith.constant 1 : i32
      %sub3A_70 = arith.constant 1 : i32
      %sub3A_71 = arith.subi %sub3A_69, %sub3A_70 : i32
      %add3A_72 = arith.addi %sub3A_68, %sub3A_71 : i32
      %div3A_73 = arith.constant 1 : i32
      %div3A_74 = arith.divsi %add3A_72, %div3A_73 : i32
      %while3A_75 = arith.constant 1 : i32
      %while3A_76 = arith.constant 0 : i32
      %while3A_77 = arith.constant 0 : i32
      %while3A_78 = arith.subi %div3A_74, %while3A_77 : i32
      %while3A_79 = arith.addi %while3A_77, %while3A_78 : i32
      %while3A_80 = arith.constant 1 : i32
      %while3A_81 = arith.divsi %while3A_78, %while3A_80 : i32
      %while3A_82 = arith.muli %while3A_81, %while3A_80 : i32
      %while3A_83 = arith.addi %while3A_77, %while3A_82 : i32
      %while3A_84 = arith.constant 1 : i32
      scf.for %while3A_86 = %while3A_77 to %while3A_83 step %while3A_84  : i32 {
        %mul3A_87 = arith.muli %while3A_86, %while3A_75 : i32
        %add3A_88 = arith.addi %while3A_76, %mul3A_87 : i32
        %mul3A_89 = arith.constant 16 : i32
        %mul3A_90 = arith.muli %add3A_88, %mul3A_89 : i32
        %mul3A_91 = arith.constant 4 : i32
        %mul3A_92 = arith.muli %add3A_88, %mul3A_91 : i32
        %add3A_93 = vector.broadcast %mul3A_92 : i32 to vector<16xi32>
        %add3A_94 = arith.addi %add3A_93, %shift_right_arithmetic3A_4 : vector<16xi32>
        %gather3A = tpu.vector_load_idx %arg16[%add3A_94] : memref<2000xi32, #tpu.memory_space<vmem>>[vector<16xi32>], vector<16xi32>,
        %mul3A_95 = arith.constant 4 : i32
        %mul3A_96 = vector.broadcast %mul3A_95 : i32 to vector<16xi32>
        %mul3A_97 = arith.muli %gather3A, %mul3A_96 : vector<16xi32>
        %add3A_98 = arith.addi %mul3A_97, %and3A_2 : vector<16xi32>
        %swap3A = arith.index_cast %mul3A_90 : i32 to index
        %swap3A_99 = tpu.vector_load %arg17[%swap3A] {strides = array<i32>} : memref<8000xi32, #tpu.memory_space<vmem>>, vector<16xi32>,
        tpu.vector_store %arg17[%swap3A], %add3A_98 {strides = array<i32>} : memref<8000xi32, #tpu.memory_space<vmem>>, vector<16xi32>,
      }
      %while3A_85 = arith.constant 1 : i32
      scf.for %while3A_86 = %while3A_83 to %while3A_79 step %while3A_85  : i32 {
        %mul3A_87 = arith.muli %while3A_86, %while3A_75 : i32
        %add3A_88 = arith.addi %while3A_76, %mul3A_87 : i32
        %mul3A_89 = arith.constant 16 : i32
        %mul3A_90 = arith.muli %add3A_88, %mul3A_89 : i32
        %mul3A_91 = arith.constant 4 : i32
        %mul3A_92 = arith.muli %add3A_88, %mul3A_91 : i32
        %add3A_93 = vector.broadcast %mul3A_92 : i32 to vector<16xi32>
        %add3A_94 = arith.addi %add3A_93, %shift_right_arithmetic3A_4 : vector<16xi32>
        %gather3A = tpu.vector_load_idx %arg16[%add3A_94] : memref<2000xi32, #tpu.memory_space<vmem>>[vector<16xi32>], vector<16xi32>,
        %mul3A_95 = arith.constant 4 : i32
        %mul3A_96 = vector.broadcast %mul3A_95 : i32 to vector<16xi32>
        %mul3A_97 = arith.muli %gather3A, %mul3A_96 : vector<16xi32>
        %add3A_98 = arith.addi %mul3A_97, %and3A_2 : vector<16xi32>
        %swap3A = arith.index_cast %mul3A_90 : i32 to index
        %swap3A_99 = tpu.vector_load %arg17[%swap3A] {strides = array<i32>} : memref<8000xi32, #tpu.memory_space<vmem>>, vector<16xi32>,
        tpu.vector_store %arg17[%swap3A], %add3A_98 {strides = array<i32>} : memref<8000xi32, #tpu.memory_space<vmem>>, vector<16xi32>,
      }
      "tpu.region"() ({
        %run_scoped3A = tpu.sem_alloc : memref<!tpu.dma_semaphore, #tpu.memory_space<semaphore_mem>>
        %dma_start3A = arith.constant 0 : i32
        %dma_start3A_86 = tpu.memref_slice %arg12[%dma_start3A] : memref<409600xf32, #tpu.memory_space<vmem_shared>> -> memref<409600xf32, #tpu.memory_space<vmem_shared>>
        tpu.enqueue_indirect_dma source(%arg15 : memref<8000xf32, #tpu.memory_space<vmem>>) target(%dma_start3A_86 : memref<409600xf32, #tpu.memory_space<vmem_shared>>) offsets(%arg17 : memref<8000xi32, #tpu.memory_space<vmem>>) semaphore(%run_scoped3A : memref<!tpu.dma_semaphore, #tpu.memory_space<semaphore_mem>>) {add = true}
        %dma_wait3A = arith.constant 0 : i32
        %dma_wait3A_87 = tpu.memref_slice %arg12[%dma_wait3A] : memref<409600xf32, #tpu.memory_space<vmem_shared>> -> memref<409600xf32, #tpu.memory_space<vmem_shared>>
        tpu.wait_indirect_dma semaphore(%run_scoped3A : memref<!tpu.dma_semaphore, #tpu.memory_space<semaphore_mem>>) src(%arg15 : memref<8000xf32, #tpu.memory_space<vmem>>) dst(%dma_wait3A_87 : memref<409600xf32, #tpu.memory_space<vmem_shared>>)
        tpu.yield
      }) : () -> ()
      "tpu.region"() ({
        %run_scoped3A = tpu.sem_alloc : memref<!tpu.dma_semaphore, #tpu.memory_space<semaphore_mem>>
        %dma_start3A = arith.constant 0 : i32
        %dma_start3A_86 = tpu.memref_slice %arg14[%dma_start3A] : memref<102400xi32, #tpu.memory_space<vmem_shared>> -> memref<102400xi32, #tpu.memory_space<vmem_shared>>
        tpu.enqueue_indirect_dma source(%arg18 : memref<2000xi32, #tpu.memory_space<vmem>>) target(%dma_start3A_86 : memref<102400xi32, #tpu.memory_space<vmem_shared>>) offsets(%arg16 : memref<2000xi32, #tpu.memory_space<vmem>>) semaphore(%run_scoped3A : memref<!tpu.dma_semaphore, #tpu.memory_space<semaphore_mem>>) {add = true}
        %dma_wait3A = arith.constant 0 : i32
        %dma_wait3A_87 = tpu.memref_slice %arg14[%dma_wait3A] : memref<102400xi32, #tpu.memory_space<vmem_shared>> -> memref<102400xi32, #tpu.memory_space<vmem_shared>>
        tpu.wait_indirect_dma semaphore(%run_scoped3A : memref<!tpu.dma_semaphore, #tpu.memory_space<semaphore_mem>>) src(%arg18 : memref<2000xi32, #tpu.memory_space<vmem>>) dst(%dma_wait3A_87 : memref<102400xi32, #tpu.memory_space<vmem_shared>>)
        tpu.yield
      }) : () -> ()
    }
    %barrier3A_28 = arith.constant 0 : index
    tpu.barrier barrier_id(%barrier3A_28)
    %mul3A_29 = arith.constant 102400 : i32
    %mul3A_30 = arith.muli %arg0, %mul3A_29 : i32
    %add3A_31 = arith.addi %mul3A_30, %mul3A_6 : i32
    %mul3A_32 = arith.constant 4 : i32
    %mul3A_33 = arith.muli %mul3A_6, %mul3A_32 : i32
    %mul3A_34 = arith.constant 4 : i32
    %mul3A_35 = arith.muli %add3A_31, %mul3A_34 : i32
    "tpu.region"() ({
      %run_scoped3A = tpu.sem_alloc : memref<!tpu.dma_semaphore, #tpu.memory_space<semaphore_mem>>
      %dma_start3A = tpu.memref_slice %arg9[%mul3A_35] : memref<819200xf32, #tpu.memory_space<hbm>> -> memref<25600xf32, #tpu.memory_space<hbm>>
      %dma_start3A_36 = tpu.memref_slice %arg12[%mul3A_33] : memref<409600xf32, #tpu.memory_space<vmem_shared>> -> memref<25600xf32, #tpu.memory_space<vmem_shared>>
      tpu.enqueue_dma source(%dma_start3A_36 : memref<25600xf32, #tpu.memory_space<vmem_shared>>) target(%dma_start3A : memref<25600xf32, #tpu.memory_space<hbm>>) target_semaphore(%run_scoped3A : memref<!tpu.dma_semaphore, #tpu.memory_space<semaphore_mem>>)
      %dma_wait3A = tpu.memref_slice %arg9[%mul3A_35] : memref<819200xf32, #tpu.memory_space<hbm>> -> memref<25600xf32, #tpu.memory_space<hbm>>
      %dma_wait3A_37 = tpu.memref_slice %arg12[%mul3A_33] : memref<409600xf32, #tpu.memory_space<vmem_shared>> -> memref<25600xf32, #tpu.memory_space<vmem_shared>>
      tpu.wait_dma2 semaphore(%run_scoped3A : memref<!tpu.dma_semaphore, #tpu.memory_space<semaphore_mem>>) src(%dma_wait3A_37 : memref<25600xf32, #tpu.memory_space<vmem_shared>>) dst(%dma_wait3A : memref<25600xf32, #tpu.memory_space<hbm>>)
      tpu.yield
    }) : () -> ()
    "tpu.region"() ({
      %run_scoped3A = tpu.sem_alloc : memref<!tpu.dma_semaphore, #tpu.memory_space<semaphore_mem>>
      %dma_start3A = tpu.memref_slice %arg10[%add3A_31] : memref<204800xi32, #tpu.memory_space<hbm>> -> memref<6400xi32, #tpu.memory_space<hbm>>
      %dma_start3A_36 = tpu.memref_slice %arg13[%mul3A_6] : memref<102400xi32, #tpu.memory_space<vmem_shared>> -> memref<6400xi32, #tpu.memory_space<vmem_shared>>
      tpu.enqueue_dma source(%dma_start3A_36 : memref<6400xi32, #tpu.memory_space<vmem_shared>>) target(%dma_start3A : memref<6400xi32, #tpu.memory_space<hbm>>) target_semaphore(%run_scoped3A : memref<!tpu.dma_semaphore, #tpu.memory_space<semaphore_mem>>)
      %dma_wait3A = tpu.memref_slice %arg10[%add3A_31] : memref<204800xi32, #tpu.memory_space<hbm>> -> memref<6400xi32, #tpu.memory_space<hbm>>
      %dma_wait3A_37 = tpu.memref_slice %arg13[%mul3A_6] : memref<102400xi32, #tpu.memory_space<vmem_shared>> -> memref<6400xi32, #tpu.memory_space<vmem_shared>>
      tpu.wait_dma2 semaphore(%run_scoped3A : memref<!tpu.dma_semaphore, #tpu.memory_space<semaphore_mem>>) src(%dma_wait3A_37 : memref<6400xi32, #tpu.memory_space<vmem_shared>>) dst(%dma_wait3A : memref<6400xi32, #tpu.memory_space<hbm>>)
      tpu.yield
    }) : () -> ()
    "tpu.region"() ({
      %run_scoped3A = tpu.sem_alloc : memref<!tpu.dma_semaphore, #tpu.memory_space<semaphore_mem>>
      %dma_start3A = tpu.memref_slice %arg11[%add3A_31] : memref<204800xi32, #tpu.memory_space<hbm>> -> memref<6400xi32, #tpu.memory_space<hbm>>
      %dma_start3A_36 = tpu.memref_slice %arg14[%mul3A_6] : memref<102400xi32, #tpu.memory_space<vmem_shared>> -> memref<6400xi32, #tpu.memory_space<vmem_shared>>
      tpu.enqueue_dma source(%dma_start3A_36 : memref<6400xi32, #tpu.memory_space<vmem_shared>>) target(%dma_start3A : memref<6400xi32, #tpu.memory_space<hbm>>) target_semaphore(%run_scoped3A : memref<!tpu.dma_semaphore, #tpu.memory_space<semaphore_mem>>)
      %dma_wait3A = tpu.memref_slice %arg11[%add3A_31] : memref<204800xi32, #tpu.memory_space<hbm>> -> memref<6400xi32, #tpu.memory_space<hbm>>
      %dma_wait3A_37 = tpu.memref_slice %arg14[%mul3A_6] : memref<102400xi32, #tpu.memory_space<vmem_shared>> -> memref<6400xi32, #tpu.memory_space<vmem_shared>>
      tpu.wait_dma2 semaphore(%run_scoped3A : memref<!tpu.dma_semaphore, #tpu.memory_space<semaphore_mem>>) src(%dma_wait3A_37 : memref<6400xi32, #tpu.memory_space<vmem_shared>>) dst(%dma_wait3A : memref<6400xi32, #tpu.memory_space<hbm>>)
      tpu.yield
    }) : () -> ()
    return
  }
}

module attributes {stable_mosaic.version = 14 : i64} {
  func.func @_ew_body(%arg0: i32, %arg1: memref<6250x128xf32, #tpu.memory_space<vmem>>, %arg2: memref<6250x128xf32, #tpu.memory_space<vmem>>, %arg3: memref<6250x128xf32, #tpu.memory_space<vmem>>, %arg4: memref<6250x128xf32, #tpu.memory_space<vmem>>, %arg5: memref<6250x128xf32, #tpu.memory_space<vmem>>) attributes {dimension_semantics = [#tpu.dimension_semantics<arbitrary>], iteration_bounds = array<i64: 8>, scalar_prefetch = 0 : i64, scratch_operands = 0 : i64, tpu.core_type = #tpu.core_type<tc>, window_params = [{transform_indices = @transform_0, window_bounds = array<i64: 6250, 128>}, {transform_indices = @transform_1, window_bounds = array<i64: 6250, 128>}, {transform_indices = @transform_2, window_bounds = array<i64: 6250, 128>}, {transform_indices = @transform_3, window_bounds = array<i64: 6250, 128>}, {transform_indices = @transform_4, window_bounds = array<i64: 6250, 128>}]} {
    %get3A = arith.constant 0 : index
    %get3A_0 = arith.constant 0 : index
    %get3A_1 = vector.load %arg1[%get3A, %get3A_0] : memref<6250x128xf32, #tpu.memory_space<vmem>>, vector<6250x128xf32>
    %get3A_2 = arith.constant 0 : index
    %get3A_3 = arith.constant 0 : index
    %get3A_4 = vector.load %arg2[%get3A_2, %get3A_3] : memref<6250x128xf32, #tpu.memory_space<vmem>>, vector<6250x128xf32>
    %mul3A = arith.mulf %get3A_1, %get3A_4 : vector<6250x128xf32>
    %neg3A = arith.constant 0.000000e+00 : f32
    %neg3A_5 = vector.broadcast %neg3A : f32 to vector<6250x128xf32>
    %neg3A_6 = arith.subf %neg3A_5, %mul3A : vector<6250x128xf32>
    %swap3A = arith.constant 0 : index
    %swap3A_7 = arith.constant 0 : index
    %swap3A_8 = vector.load %arg3[%swap3A, %swap3A_7] : memref<6250x128xf32, #tpu.memory_space<vmem>>, vector<6250x128xf32>
    tpu.vector_store %arg3[%swap3A, %swap3A_7], %neg3A_6 {strides = array<i32>} : memref<6250x128xf32, #tpu.memory_space<vmem>>, vector<6250x128xf32>,
    %mul3A_9 = arith.mulf %get3A_1, %get3A_1 : vector<6250x128xf32>
    %swap3A_10 = arith.constant 0 : index
    %swap3A_11 = arith.constant 0 : index
    %swap3A_12 = vector.load %arg4[%swap3A_10, %swap3A_11] : memref<6250x128xf32, #tpu.memory_space<vmem>>, vector<6250x128xf32>
    tpu.vector_store %arg4[%swap3A_10, %swap3A_11], %mul3A_9 {strides = array<i32>} : memref<6250x128xf32, #tpu.memory_space<vmem>>, vector<6250x128xf32>,
    %mul3A_13 = arith.mulf %get3A_4, %get3A_4 : vector<6250x128xf32>
    %swap3A_14 = arith.constant 0 : index
    %swap3A_15 = arith.constant 0 : index
    %swap3A_16 = vector.load %arg5[%swap3A_14, %swap3A_15] : memref<6250x128xf32, #tpu.memory_space<vmem>>, vector<6250x128xf32>
    tpu.vector_store %arg5[%swap3A_14, %swap3A_15], %mul3A_13 {strides = array<i32>} : memref<6250x128xf32, #tpu.memory_space<vmem>>, vector<6250x128xf32>,
    return
  }
  func.func @transform_0(%arg0: i32) -> (i32, i32) {
    %mul3A = arith.constant 0 : i32
    %mul3A_0 = arith.muli %arg0, %mul3A : i32
    %c0_i32 = arith.constant 0 : i32
    return %mul3A_0, %arg0 : i32, i32
  }
  func.func @transform_1(%arg0: i32) -> (i32, i32) {
    %mul3A = arith.constant 0 : i32
    %mul3A_0 = arith.muli %arg0, %mul3A : i32
    %c0_i32 = arith.constant 0 : i32
    return %mul3A_0, %arg0 : i32, i32
  }
  func.func @transform_2(%arg0: i32) -> (i32, i32) {
    %mul3A = arith.constant 0 : i32
    %mul3A_0 = arith.muli %arg0, %mul3A : i32
    %c0_i32 = arith.constant 0 : i32
    return %mul3A_0, %arg0 : i32, i32
  }
  func.func @transform_3(%arg0: i32) -> (i32, i32) {
    %mul3A = arith.constant 0 : i32
    %mul3A_0 = arith.muli %arg0, %mul3A : i32
    %c0_i32 = arith.constant 0 : i32
    return %mul3A_0, %arg0 : i32, i32
  }
  func.func @transform_4(%arg0: i32) -> (i32, i32) {
    %mul3A = arith.constant 0 : i32
    %mul3A_0 = arith.muli %arg0, %mul3A : i32
    %c0_i32 = arith.constant 0 : i32
    return %mul3A_0, %arg0 : i32, i32
  }
}

</mosaic_0001>

<sc_bundles>
// kernel: kernel.5.cloned.1.call-start
scs
__scs_entry_jumppad:
0x0: {  	(pc) =	sbr.rel $0x88, $3  }
0x1: {  	(tag) =	ssettag $0x0;
	lr =	simm.s32 $0x1  }
0x2: {  	[smem:$0x3F9F] =	sst lr;
	_ =	strace $0xD0000000  }
0x3: {  	_ = 	snop  }
0x4: {  	_ = 	snop  }
0x5: {  	_ = 	snop  }
0x6: {  	_ = 	snop  }
0x7: {  	_ = 	snop  }
__scs_overlays_trampoline_lowered:
0x8: {  	[smem:$0x3FAE] =	sst s0  }
0x9: {  	[smem:$0x3FAF] =	sst s1  }
0xa: {  	[smem:$0x3FB0] =	sst s2  }
0xb: {  	[smem:$0x3FB1] =	sst s3  }
0xc: {  	[smem:$0x3FB2] =	sst s4  }
0xd: {  	[smem:$0x3FB3] =	sst s5  }
0xe: {  	[smem:$0x3FB4] =	sst s6  }
0xf: {  	[smem:$0x3FB5] =	sst s7  }
0x10: {  	[smem:$0x3FB6] =	sst s8  }
0x11: {  	[smem:$0x3FB7] =	sst s9;
	s0 =	simm.s32 @!p0 $0x0  }
0x12: {  	s1 =	sld [smem:$0x3F9D];
	s0 =	simm.s32 @p0 $0x1  }
0x13: {  	[smem:$0x3FB8] =	sst s0;
	s0 =	simm.s32 @!p1 $0x0  }
0x14: {  	s2 =	sld [smem:$0x3F9C];
	s0 =	simm.s32 @p1 $0x1  }
0x15: {  	[smem:$0x3FB9] =	sst s0;
	s0 =	simm.s32 @!p2 $0x0  }
0x16: {  	s3 =	sld [smem:$0x3FDB];
	s0 =	simm.s32 @p2 $0x1  }
0x17: {  	s4 =	simm.s32 $0x1BF5;
	[smem:$0x3FBB] =	sst s0  }
0x18: {  	s0 =	sld [smem:$0x3F9E];
	_ =	swait.ge [sflag:s4], $0x0  }
0x19: {  	s7 =	sld [smem:$0x3F9F]  }
0x1a: {  	s8 =	sadd.s32 $0xFFFFE003, lr  }
0x1b: {  	s9 =	sadd.s32 $0xFFFFFEF7, lr;
	s5 =	simm.s32 $0xFFFFFFFF;
	p2 =	slt.u32 s8, $0xFFFFF086  }
0x1c: {  	p1 =	slt.u32 s9, $0xF7A;
	s5 =	simm.s32 @!p2 $0x0  }
0x1d: {  	s5 =	simm.s32 @p1 $0x1;
	p0 =	seq.s32 s7, s2  }
0x1e: {  	s7 =	smul.u32 @!p0 $0xF7A, s2;
	p2 =	seq.s32 @!p0 s5, $0x0  }
0x1f: {  	s9 =	smul.u32 $0xF7A, s1;
	s8 =	simm.s32 @!p0 $0x1BF5;
	p2 =	por !p2, p0  }
0x20: {  	[sflag:s8] =	ssyncset.s32 @!p0 $0xFFFFF086;
	s6 =	sadd.s32 @!p0 s3, s7;
	s7 =	simm.s32 @!p0 $0x108  }
0x21: {  	s3 =	sadd.s32 s3, s9;
	s6 =	sadd.s32 @!p0 $0x88, s6;
	s7 =	simm.s32 @p2 $0x1082  }
0x22: {  	[simem:s7], [sflag:s8] =	dma.local @!p0 [hbm:s6], $0xF7A  }
0x23: {  	s9 =	sor.u32 $0xD0000000, s2;
	s6 =	simm.s32 $0x108;
	_ =	swait.ge @!p0 [sflag:s8], $0x0  }
0x24: {  	s3 =	sadd.s32 $0x88, s3;
	s6 =	simm.s32 @!p1 $0x1082;
	[sflag:s4] =	ssyncset.s32 $0xFFFFF086  }
0x25: {  	[simem:s6], [sflag:s4] =	dma.local [hbm:s3], $0xF7A  }
0x26: {  	[smem:$0x3F9F] =	sst s1;
	(tag) =	ssettag s2;
	_ =	strace s9  }
0x27: {  	s1 =	sld [smem:$0x3FAF]  }
0x28: {  	s2 =	sld [smem:$0x3FB0]  }
0x29: {  	s4 =	sld [smem:$0x3FB2]  }
0x2a: {  	p0 =	seq.s32 s5, $0x0;
	s5 =	sld [smem:$0x3FB3]  }
0x2b: {  	s6 =	sld [smem:$0x3FB4]  }
0x2c: {  	s7 =	sld [smem:$0x3FB5]  }
0x2d: {  	s3 =	simm.s32 $0x108;
	s8 =	sld [smem:$0x3FB6]  }
0x2e: {  	s3 =	simm.s32 @!p0 $0x1082;
	s9 =	sld [smem:$0x3FB7]  }
0x2f: {  	lr =	sadd.s32 s0, s3;
	s0 =	sld [smem:$0x3FAE]  }
0x30: {  	s3 =	sld [smem:$0x3FB1]  }
0x31: {  	[smem:$0x3FBA] =	sst s10  }
0x32: {  	s10 =	sld [smem:$0x3FB8];
	_ =	sdelay $0x3  }
0x33: {  	p0 =	seq.s32 s10, $0x1;
	s10 =	sld [smem:$0x3FBA];
	_ =	sdelay $0x3  }
0x34: {  	[smem:$0x3FBA] =	sst s10  }
0x35: {  	s10 =	sld [smem:$0x3FB9];
	_ =	sdelay $0x3  }
0x36: {  	p1 =	seq.s32 s10, $0x1;
	s10 =	sld [smem:$0x3FBA];
	_ =	sdelay $0x3  }
0x37: {  	[smem:$0x3FBA] =	sst s10  }
0x38: {  	s10 =	sld [smem:$0x3FBB]  }
0x39: {  	_ = 	snop;
	(pc) =	sbr.ind lr, $3  }
0x3a: {  	_ = 	snop  }
0x3b: {  	_ = 	snop  }
0x3c: {  	p2 =	seq.s32 s10, $0x1;
	s10 =	sld [smem:$0x3FBA]  }
0x3d: {  	_ =	shalt  }
0x3e: {  	_ =	shalt  }
0x3f: {  	_ =	shalt  }
0x40: {  	_ =	shalt  }
0x41: {  	_ =	shalt  }
0x42: {  	_ =	shalt  }
0x43: {  	_ =	shalt  }
0x44: {  	_ =	shalt  }
0x45: {  	_ =	shalt  }
0x46: {  	_ =	shalt  }
0x47: {  	_ =	shalt  }
0x48: {  	_ =	shalt  }
0x49: {  	_ =	shalt  }
0x4a: {  	_ =	shalt  }
0x4b: {  	_ =	shalt  }
0x4c: {  	_ =	shalt  }
0x4d: {  	_ =	shalt  }
0x4e: {  	_ =	shalt  }
0x4f: {  	_ =	shalt  }
0x50: {  	_ =	shalt  }
0x51: {  	_ =	shalt  }
0x52: {  	_ =	shalt  }
0x53: {  	_ =	shalt  }
0x54: {  	_ =	shalt  }
0x55: {  	_ =	shalt  }
0x56: {  	_ =	shalt  }
0x57: {  	_ =	shalt  }
0x58: {  	_ =	shalt  }
0x59: {  	_ =	shalt  }
0x5a: {  	_ =	shalt  }
0x5b: {  	_ =	shalt  }
0x5c: {  	_ =	shalt  }
0x5d: {  	_ =	shalt  }
0x5e: {  	_ =	shalt  }
0x5f: {  	_ =	shalt  }
0x60: {  	_ =	shalt  }
0x61: {  	_ =	shalt  }
0x62: {  	_ =	shalt  }
0x63: {  	_ =	shalt  }
0x64: {  	_ =	shalt  }
0x65: {  	_ =	shalt  }
0x66: {  	_ =	shalt  }
0x67: {  	_ =	shalt  }
0x68: {  	_ =	shalt  }
0x69: {  	_ =	shalt  }
0x6a: {  	_ =	shalt  }
0x6b: {  	_ =	shalt  }
0x6c: {  	_ =	shalt  }
0x6d: {  	_ =	shalt  }
0x6e: {  	_ =	shalt  }
0x6f: {  	_ =	shalt  }
0x70: {  	_ =	shalt  }
0x71: {  	_ =	shalt  }
0x72: {  	_ =	shalt  }
0x73: {  	_ =	shalt  }
0x74: {  	_ =	shalt  }
0x75: {  	_ =	shalt  }
0x76: {  	_ =	shalt  }
0x77: {  	_ =	shalt  }
0x78: {  	_ =	shalt  }
0x79: {  	_ =	shalt  }
0x7a: {  	_ =	shalt  }
0x7b: {  	_ =	shalt  }
0x7c: {  	_ =	shalt  }
0x7d: {  	_ =	shalt  }
0x7e: {  	_ =	shalt  }
0x7f: {  	_ =	shalt  }
0x80: {  	_ =	shalt  }
0x81: {  	_ =	shalt  }
0x82: {  	_ =	shalt  }
0x83: {  	_ =	shalt  }
0x84: {  	_ =	shalt  }
0x85: {  	_ =	shalt  }
0x86: {  	_ =	shalt  }
0x87: {  	_ =	shalt  }
.Lfunc_end0:
.L_simem_size_0:
called_computation_lowered:
.L_overlay_start_0:
0x88: {  	s2 =	sld [smem:$0x3FD9]  }
0x89: {  	s3 =	sld [smem:$0x3FFE];
	_ =	sdelay $0x1  }
0x8a: {  	s1 =	srdreg.scid  }
0x8b: {  	s0 =	sand.u32 $0x1, s1  }
0x8c: {  	s14 =	sshll.u32 s0, $0xA;
	s2 =	sadd.s32 s3, s2  }
0x8d: {  	s2 =	sadd.s32 s2, s14  }
0x8e: {  	[smem:$0x3FC6] =	sst s2  }
0x8f: {  	_ = 	snop  }
0x90: {  	s2 =	sld [smem:$0x3FD0];
	_ =	sdelay $0x2  }
0x91: {  	s15 =	simm.s32 $0xA;
	s4 =	simm.s32 $0x10  }
0x92: {  	[smem:s4], [sflag:s15] =	dma.local [hbm:s2], $0x1  }
0x93: {  	_ =	swait.eq [sflag:s15], $0x1  }
0x94: {  	[sflag:s15] =	ssyncset.done $0x0  }
0x95: {  	s16 =	sld [smem:$0x11];
	[sflag:s15] =	ssyncadd.s32 $0xFFFFFFFF  }
0x96: {  	s17 =	sld [smem:$0x12];
	(tm) =	ssettm $0x1  }
0x97: {  	s18 =	sld [smem:$0x3FFB];
	_ =	sdelay $0x3  }
0x98: {  	_ =	strace s18  }
0x99: {  	s4 =	sld [smem:$0x3FFC];
	_ =	sdelay $0x3  }
0x9a: {  	_ =	strace s4  }
0x9b: {  	s4 =	sld [smem:$0x3FFD];
	_ =	sdelay $0x3  }
0x9c: {  	_ =	strace s4  }
0x9d: {  	_ =	strace $0x8FFFFFFF  }
0x9e: {  	s19 =	sld [smem:$0x3FDB];
	_ =	sdelay $0x1  }
0x9f: {  	s5 =	simm.s32 $_scs_section_size  }
0xa0: {  	s6 =	simm.s32 $_size__tile_overlayer_lowered;
	s7 =	simm.s32 $_tile_overlayer_lowered  }
0xa1: {  	s22 =	simm.s32 $0x1BFF;
	s21 =	sshll.u32 s7, $0x1;
	s4 =	sadd.s32 s5, s19  }
0xa2: {  	s8 =	simm.s32 $0x0;
	s20 =	sshll.u32 s6, $0x1;
	s6 =	sadd.s32 s21, s4  }
0xa3: {  	[timem:s8], [sflag:s22] =	dma.local [hbm:s6], s20  }
0xa4: {  	_ =	swait.ge [sflag:s22], s20  }
0xa5: {  	s5 =	ssub.s32 $0x0, s20;
	[sflag:s22] =	ssyncset.done $0x0  }
0xa6: {  	[sflag:s22] =	ssyncadd.s32 s5;
	_ =	sdelay $0x1  }
0xa7: {  	s23 =	simm.s32 $0x1B8B  }
0xa8: {  	_ =	swait.ge [sflag:s23], $0x1  }
0xa9: {  	[sflag:s23] =	ssyncset.done $0x0  }
0xaa: {  	s25 =	simm.s32 $0x1B8E;
	s24 =	sld [smem:$0x3FFE];
	[sflag:s23] =	ssyncadd.s32 $0xFFFFFFFF  }
0xab: {  	s26 =	simm.s32 $execute0_lowered;
	[smem:$0x3FD2] =	sst s25  }
0xac: {  	s6 =	sshll.u32 s26, $0x1;
	_ =	strace $0x80000046;
	[dreg:$0x1] =	wrdreg $0xFFFFFFFF  }
0xad: {  	s28 =	simm.s32 $_size_execute0_lowered;
	s4 =	sadd.s32 s4, s6;
	[dreg:$0x0] =	wrdreg $0x0  }
0xae: {  	s6 =	sshll.u32 s28, $0x1;
	[dreg:$0x2] =	wrdreg s4  }
0xaf: {  	[dreg:$0x3] =	wrdreg s6  }
0xb0: {  	[dreg:$0x4] =	wrdreg $0xC0  }
0xb1: {  	_ =	task [dreg:s8], $0x5FFFF  }
0xb2: {  	[dreg:$0x1] =	wrdreg $0xFFFFFFFF  }
0xb3: {  	[dreg:$0x0] =	wrdreg $0x60  }
0xb4: {  	[dreg:$0x2] =	wrdreg s17  }
0xb5: {  	[dreg:$0x3] =	wrdreg s16  }
0xb6: {  	[dreg:$0x4] =	wrdreg s24  }
0xb7: {  	[dreg:$0x5] =	wrdreg $0x0  }
0xb8: {  	[dreg:$0x6] =	wrdreg $0x64000  }
0xb9: {  	[dreg:$0x7] =	wrdreg $0x7D000  }
0xba: {  	[dreg:$0x8] =	wrdreg $0x9  }
0xbb: {  	_ =	task.clear_ibuf [dreg:s8], $0x9FFFF;
	_ =	strace $0x90000046  }
0xbc: {  	s29 =	simm.s32 $0x9;
	_ =	strace $0x80000048  }
0xbd: {  	_ =	swait.ge [sflag:s29], $0x1  }
0xbe: {  	[sflag:s29] =	ssyncadd.s32 $0xFFFFFFFF  }
0xbf: {  	_ =	strace $0x90000048  }
0xc0: {  	_ =	sfence  }
0xc1: {  	s30 =	sld [smem:$0x0];
	_ =	sdelay $0x2  }
0xc2: {  	s31 =	sshll.u32 s1, $0xD;
	s1 =	sshrl.u32 s1, $0x2  }
0xc3: {  	s3 =	sand.u32 $0x4000, s31;
	s1 =	sadd.s32 s1, s30  }
0xc4: {  	s0 =	sor.u32 s3, s0;
	s1 =	sshll.u32 s1, $0x11  }
0xc5: {  	s0 =	sor.u32 s1, s0  }
0xc6: {  	s0 =	sadd.s32 $0x8F2B, s0  }
0xc7: {  	[sflag:s0] =	ssyncadd.remote.s32 $0x1  }
0xc8: {  	_ =	sfence.sel $0xFFFF  }
0xc9: {  	[dreg:$0x0] =	wrdreg $0xFFFFFFFF;
	(pc) =	sbr.abs _section_cstart, $3  }
0xca: {  	[dreg:$0x1] =	wrdreg $0xFFFFFFFF  }
0xcb: {  	_ =	task.clear_ibuf [dreg:s8], $0x2FFFF;
	_ =	strace $0x9FFFFFFF  }
0xcc: {  	(tm) =	ssettm $0x7FFFFFFF  }
0xcd: {  	_ =	shalt  }
tec
execute0_lowered:
.L_overlay_start_1:
0x0: {  	(tag) =	ssettag $0x1  }
0x1: {  	s1 =	rddreg [dreg:$0x0]  }
0x2: {  	s2 =	rddreg [dreg:$0x1]  }
0x3: {  	s0 =	rddreg [dreg:$0x2]  }
0x4: {  	s3 =	rddreg [dreg:$0x3]  }
0x5: {  	s5 =	rddreg [dreg:$0x4]  }
0x6: {  	s6 =	rddreg [dreg:$0x5]  }
0x7: {  	s4 =	srdreg.scid;
	s15 =	stileid.u32  }
0x8: {  	s8 =	simm.s32 $0x0;
	s21 =	simm.s32 $0x1;
	s23 =	simm.s32 $0xDC50  }
0x9: {  	s28 =	simm.s32 $0x7D0;
	s29 =	simm.s32 $0xBD10;
	s30 =	simm.s32 $0x0  }
0xa: {  	s4 =	sand.u32 $0x1, s4;
	s7 =	smul.u32 $0x1900, s15;
	[smem:$0x7FF] =	sst s8  }
0xb: {  	s8 =	sadd.s32 $0x31C00, s0;
	s9 =	sadd.s32 $0xE00, s0;
	s11 =	sadd.s32 $0x63000, s0  }
0xc: {  	s12 =	sadd.s32 $0x62A00, s0;
	s14 =	smul.u32 $0x19000, s15;
	s31 =	sshll.u32 s15, $0x6  }
0xd: {  	s10 =	smul.u32 $0x19000, s4;
	_ =	strace $0x80000047;
	[dreg:$0x7] =	wrdreg s11  }
0xe: {  	s11 =	sadd.s32 $0x62C00, s0;
	[dreg:$0x8] =	wrdreg s12;
	s13 =	ssub.s32 $0x2, s4  }
0xf: {  	s4 =	sshll.u32 s4, $0x4;
	s25 =	sshrl.u32 s13, $0x1;
	s26 =	sshrl.u32 s14, $0x2  }
0x10: {  	s4 =	sor.u32 s15, s4;
	s22 =	sadd.s32 s7, s5;
	s14 =	sadd.s32 s7, s6  }
0x11: {  	s10 =	sadd.s32 s7, s10;
	s20 =	sadd.s32 s26, s3;
	s15 =	smul.u32 $0xC350, s4  }
0x12: {  	s22 =	sshrl.u32 s22, $0x3;
	s26 =	simm.s32 $0x1F40;
	s24 =	sshrl.u32 s10, $0x1  }
0x13: {  	s10 =	sshrl.u32 s10, $0x3;
	s20 =	sshrl.u32 s20, $0x3;
	s12 =	sadd.s32 s24, s0  }
0x14: {  	s0 =	sadd.s32 s10, s0;
	s10 =	ssub.s32 s13, s25;
	s13 =	sor.u32 $0x1C01, s31  }
0x15: {  	v1 =	vlaneseq.u32;
	s24 =	simm.s32 $0x9600;
	s25 =	simm.s32 $0xB540;
	s16 =	sadd.s32 $0x70600, s12  }
0x16: {  	v0 =	vshrl.u32 v1, $0x2;
	v1 =	vand.u32 $0x3, v1;
	s17 =	sadd.s32 $0x63E00, s0;
	s18 =	sadd.s32 $0x6A200, s0;
	s19 =	smax.u32 s10, $0x1  }
.LBB2_1:
0x17: {  	s0 =	rddreg [dreg:$0x7]  }
0x18: {  	[spmem:s20], [sflag:s13] =	dma.local [hbm:s0], $0xC80  }
0x19: {  	_ =	swait.ge [sflag:s21], $0xC80  }
0x1a: {  	[sflag:s21] =	ssyncset.done $0x0  }
0x1b: {  	[sflag:s21] =	ssyncadd.s32 $0xFFFFF380  }
0x1c: {  	[spmem:s22], [sflag:s13] =	dma.local [hbm:s11], $0x320  }
0x1d: {  	_ =	swait.ge [sflag:s21], $0x320  }
0x1e: {  	[sflag:s21] =	ssyncset.done $0x0  }
0x1f: {  	s31 =	sshrl.u32 s14, $0x3;
	[sflag:s21] =	ssyncadd.s32 $0xFFFFFCE0  }
0x20: {  	[spmem:s31], [sflag:s13] =	dma.local [hbm:s11], $0x320  }
0x21: {  	_ =	swait.ge [sflag:s21], $0x320  }
0x22: {  	[sflag:s21] =	ssyncset.done $0x0  }
0x23: {  	s12 =	simm.s32 $0x0;
	s4 =	rddreg [dreg:$0x8];
	[sflag:s21] =	ssyncadd.s32 $0xFFFFFCE0  }
0x24: {  	[tilespmem:s23], [sflag:$0x1] =	stream.linear.gather [hbm4b:s4+s12], $0x7D0, $0x38;
	[tilespmem:$0xE420] =	vst v63  }
0x25: {  	_ =	swait.ge [sflag:s21], $0x7D0  }
0x26: {  	[sflag:s21] =	ssyncset.done $0x0  }
0x27: {  	[sflag:s21] =	ssyncadd.s32 $0xFFFFF830  }
0x28: {  	s0 =	simm.s32 $0x0;
	[bflag:$0x0] =	sbarrier.arrive $0xFFFF  }
.LBB2_2:
0x29: {  	s4 =	smul.u32 $0x7D0, s0;
	_ =	sdelay $0x1  }
0x2a: {  	s7 =	sadd.s32 s15, s4  }
0x2b: {  	s4 =	sshrl.u32 s7, $0x1  }
0x2c: {  	s12 =	simm.s32 $0x0;
	s10 =	sadd.s32 s1, s4  }
0x2d: {  	[tilespmem:s24], [sflag:$0x1] =	stream.linear.gather [hbm4b:s10+s12], $0x1F40, $0x38;
	[tilespmem:$0xE420] =	vst v63  }
0x2e: {  	_ =	swait.ge [sflag:s21], $0x1F40  }
0x2f: {  	s7 =	sshrl.u32 s7, $0x3;
	[sflag:s21] =	ssyncset.done $0x0  }
0x30: {  	v2 =	vor.u32 s12, v0;
	s10 =	sadd.s32 s8, s7;
	[sflag:s21] =	ssyncadd.s32 $0xFFFFE0C0  }
0x31: {  	[tilespmem:s25], [sflag:$0x1] =	stream.linear.gather [hbm4b:s10+s12], $0x7D0, $0x38;
	[tilespmem:$0xE420] =	vst v63  }
0x32: {  	_ =	swait.ge [sflag:s21], $0x7D0  }
0x33: {  	[sflag:s21] =	ssyncset.done $0x0  }
0x34: {  	[sflag:s21] =	ssyncadd.s32 $0xFFFFF830  }
0x35: {  	v2 =	vld.idx.msk [tilespmem:v2+s25+$0x0], $0xffff;
	_ =	sdelay $0x1  }
0x36: {  	s12 =	simm.s32 $0x4  }
0x37: {  	v3 =	vor.u32 s12, v0;
	_ =	sdelay $0x1  }
0x38: {  	v2 =	vshll.u32 v2, $0x2  }
0x39: {  	s10 =	simm.s32 $0xBD10;
	v2 =	vor.u32 v1, v2  }
0x3a: {  	[tilespmem:s10+$0x0] =	vst v2  }
0x3b: {  	v3 =	vld.idx.msk [tilespmem:v3+s25+$0x0], $0xffff;
	_ =	sdelay $0x1  }
0x3c: {  	s12 =	simm.s32 $0x8  }
0x3d: {  	v2 =	vor.u32 s12, v0;
	s12 =	simm.s32 $0xC  }
.LBB2_3:
0x3e: {  	p0 =	sne.s32 s12, $0x7CC  }
0x3f: {  	v3 =	vshll.u32 v3, $0x2  }
0x40: {  	s10 =	sadd.s32 $0x10, s10;
	v3 =	vor.u32 v1, v3  }
0x41: {  	[tilespmem:s10+$0x0] =	vst v3  }
.Ltmp0:
0x42: {  	v3 =	vld.idx.msk [tilespmem:v2+s25+$0x0], $0xffff;
	(pc) =	sbr.rel @p0 .LBB2_3-.Ltmp0, $2  }
0x43: {  	_ =	sdelay $0x2  }
0x44: {  	v2 =	vor.u32 s12, v0;
	s12 =	sadd.s32 $0x4, s12  }
0x45: {  	_ = 	snop  }
0x46: {  	v3 =	vshll.u32 v3, $0x2  }
0x47: {  	s10 =	sadd.s32 $0x10, s10;
	v3 =	vor.u32 v1, v3  }
0x48: {  	[tilespmem:s10+$0x0] =	vst v3  }
0x49: {  	v2 =	vld.idx.msk [tilespmem:v2+s25+$0x0], $0xffff;
	_ =	sdelay $0x4  }
0x4a: {  	v2 =	vshll.u32 v2, $0x2  }
0x4b: {  	s10 =	sadd.s32 $0x10, s10;
	v2 =	vor.u32 v1, v2  }
0x4c: {  	[tilespmem:s10+$0x0] =	vst v2;
	s10 =	simm.s32 $0xBD10  }
0x4d: {  	[spmem:s3] =	stream.indirect.scatter.add.f32 [tilespmem:s24], [sflag:$0x1], $0x1, s10, s26, $0xb8;
	[tilespmem:$0xE420] =	vst v63  }
0x4e: {  	_ =	swait.ge [sflag:s21], $0x1F40  }
0x4f: {  	[sflag:s21] =	ssyncset.done $0x0  }
0x50: {  	[sflag:s21] =	ssyncadd.s32 $0xFFFFE0C0  }
0x51: {  	[spmem:s5] =	stream.indirect.scatter.add.s32 [tilespmem:s23], [sflag:$0x1], $0x1, s25, s28, $0xb8;
	[tilespmem:$0xE420] =	vst v63  }
0x52: {  	_ =	swait.ge [sflag:s21], $0x7D0  }
0x53: {  	[sflag:s21] =	ssyncset.done $0x0  }
0x54: {  	s4 =	sadd.s32 s2, s4;
	s12 =	simm.s32 $0x0;
	[sflag:s21] =	ssyncadd.s32 $0xFFFFF830  }
0x55: {  	[tilespmem:s24], [sflag:$0x1] =	stream.linear.gather [hbm4b:s4+s12], $0x1F40, $0x38;
	[tilespmem:$0xE420] =	vst v63  }
0x56: {  	_ =	swait.ge [sflag:s21], $0x1F40  }
0x57: {  	[sflag:s21] =	ssyncset.done $0x0  }
0x58: {  	s7 =	sadd.s32 s9, s7;
	v2 =	vor.u32 s12, v0;
	[sflag:s21] =	ssyncadd.s32 $0xFFFFE0C0  }
0x59: {  	[tilespmem:s25], [sflag:$0x1] =	stream.linear.gather [hbm4b:s7+s12], $0x7D0, $0x38;
	[tilespmem:$0xE420] =	vst v63  }
0x5a: {  	_ =	swait.ge [sflag:s21], $0x7D0  }
0x5b: {  	[sflag:s21] =	ssyncset.done $0x0  }
0x5c: {  	[sflag:s21] =	ssyncadd.s32 $0xFFFFF830  }
0x5d: {  	v2 =	vld.idx.msk [tilespmem:v2+s25+$0x0], $0xffff;
	_ =	sdelay $0x1  }
0x5e: {  	s7 =	simm.s32 $0x4  }
0x5f: {  	v3 =	vor.u32 s7, v0;
	_ =	sdelay $0x1  }
0x60: {  	v2 =	vshll.u32 v2, $0x2  }
0x61: {  	v2 =	vor.u32 v1, v2  }
0x62: {  	[tilespmem:s10+$0x0] =	vst v2  }
0x63: {  	v3 =	vld.idx.msk [tilespmem:v3+s25+$0x0], $0xffff;
	_ =	sdelay $0x1  }
0x64: {  	s12 =	simm.s32 $0x8  }
0x65: {  	s4 =	simm.s32 $0xC;
	v2 =	vor.u32 s12, v0  }
.LBB2_5:
0x66: {  	p0 =	sne.s32 s4, $0x7CC  }
0x67: {  	v3 =	vshll.u32 v3, $0x2  }
0x68: {  	s10 =	sadd.s32 $0x10, s10;
	v3 =	vor.u32 v1, v3  }
0x69: {  	[tilespmem:s10+$0x0] =	vst v3  }
.Ltmp1:
0x6a: {  	v3 =	vld.idx.msk [tilespmem:v2+s25+$0x0], $0xffff;
	(pc) =	sbr.rel @p0 .LBB2_5-.Ltmp1, $2  }
0x6b: {  	_ =	sdelay $0x2  }
0x6c: {  	v2 =	vor.u32 s4, v0;
	s4 =	sadd.s32 $0x4, s4  }
0x6d: {  	_ = 	snop  }
0x6e: {  	v3 =	vshll.u32 v3, $0x2  }
0x6f: {  	s4 =	sadd.s32 $0x10, s10;
	v3 =	vor.u32 v1, v3  }
0x70: {  	[tilespmem:s4+$0x0] =	vst v3  }
0x71: {  	v2 =	vld.idx.msk [tilespmem:v2+s25+$0x0], $0xffff;
	_ =	sdelay $0x4  }
0x72: {  	v2 =	vshll.u32 v2, $0x2  }
0x73: {  	s4 =	sadd.s32 $0x10, s4;
	v2 =	vor.u32 v1, v2  }
0x74: {  	[tilespmem:s4+$0x0] =	vst v2  }
0x75: {  	[spmem:s3] =	stream.indirect.scatter.add.f32 [tilespmem:s24], [sflag:$0x1], $0x1, s29, s26, $0xb8;
	[tilespmem:$0xE420] =	vst v63  }
0x76: {  	s0 =	sadd.s32 $0x1, s0;
	_ =	swait.ge [sflag:s21], $0x1F40  }
0x77: {  	p0 =	sne.s32 s0, $0x19;
	[sflag:s21] =	ssyncset.done $0x0  }
.Ltmp2:
0x78: {  	[sflag:s21] =	ssyncadd.s32 $0xFFFFE0C0;
	(pc) =	sbr.rel @p0 .LBB2_2-.Ltmp2, $4  }
0x79: {  	[spmem:s6] =	stream.indirect.scatter.add.s32 [tilespmem:s23], [sflag:$0x1], $0x1, s25, s28, $0xb8;
	[tilespmem:$0xE420] =	vst v63  }
0x7a: {  	_ =	swait.ge [sflag:s21], $0x7D0  }
0x7b: {  	[sflag:s21] =	ssyncset.done $0x0  }
0x7c: {  	[sflag:s21] =	ssyncadd.s32 $0xFFFFF830  }
0x7d: {  	[bflag:$0x0] =	sbarrier.arrive $0xFFFF  }
0x7e: {  	[hbm:s16], [sflag:s13] =	dma.local [spmem:s20], $0xC80  }
0x7f: {  	_ =	swait.ge [sflag:s21], $0xC80  }
0x80: {  	[sflag:s21] =	ssyncset.done $0x0  }
0x81: {  	[sflag:s21] =	ssyncadd.s32 $0xFFFFF380  }
0x82: {  	[hbm:s17], [sflag:s13] =	dma.local [spmem:s22], $0x320  }
0x83: {  	s30 =	sadd.s32 $0x1, s30;
	_ =	swait.ge [sflag:s21], $0x320  }
0x84: {  	p0 =	sne.s32 s30, s19;
	[sflag:s21] =	ssyncset.done $0x0  }
.Ltmp3:
0x85: {  	[sflag:s21] =	ssyncadd.s32 $0xFFFFFCE0;
	(pc) =	sbr.rel @p0 .LBB2_1-.Ltmp3, $4  }
0x86: {  	[hbm:s18], [sflag:s13] =	dma.local [spmem:s31], $0x320  }
0x87: {  	_ =	swait.ge [sflag:s21], $0x320  }
0x88: {  	[sflag:s21] =	ssyncset.done $0x0  }
0x89: {  	[sflag:s21] =	ssyncadd.s32 $0xFFFFFCE0  }
0x8a: {  	_ =	sfence.sel $0x180000  }
0x8b: {  	[bflag:$0x0] =	sbarrier.arrive $0xFFFF  }
0x8c: {  	_ =	strace $0x90000047  }
0x8d: {  	s0 =	stileid.u32;
	[bflag:$0x2] =	sbarrier.arrive $0xFFFF  }
0x8e: {  	p0 =	sne.s32 s0, $0x0;
	s0 =	rddreg [dreg:$0x6]  }
0x8f: {  	s0 =	sadd.s32 @!p0 $0x100000, s0  }
0x90: {  	[sflag:s0] =	ssyncadd.tile.s32 @!p0 $0x1;
	_ =	shalt  }
.Lfunc_end2:
_tile_overlayer_lowered:
.L_overlay_start_2:
0x91: {  	(tag) =	ssettag $0x2  }
0x92: {  	s0 =	rddreg [dreg:$0x0];
	s2 =	stileid.u32  }
0x93: {  	s1 =	rddreg [dreg:$0x1];
	p0 =	sne.s32 s2, $0x0  }
0x94: {  	s3 =	rddreg [dreg:$0x2];
	[bflag:$0x3] =	sbarrier.arrive $0xFFFF;
	s2 =	simm.s32 @!p0 $0x1C01  }
0x95: {  	[timem:s3], [sflag:s2] =	dma.local @!p0 [hbm:s0], s1  }
0x96: {  	s0 =	simm.s32 @!p0 $0x1  }
0x97: {  	_ =	swait.ge @!p0 [sflag:s0], s1  }
0x98: {  	s1 =	ssub.s32 @!p0 $0x0, s1;
	[sflag:s0] =	ssyncset.done @!p0 $0x0  }
0x99: {  	[sflag:s0] =	ssyncadd.s32 @!p0 s1  }
0x9a: {  	[bflag:$0x3] =	sbarrier.arrive $0xFFFF  }
0x9b: {  	_ =	shalt  }

// kernel: kernel.8.cloned.1.call-start
scs
__scs_entry_jumppad:
0x0: {  	(pc) =	sbr.rel $0x88, $3  }
0x1: {  	(tag) =	ssettag $0x0;
	lr =	simm.s32 $0x1  }
0x2: {  	[smem:$0x3F9F] =	sst lr;
	_ =	strace $0xD0000000  }
0x3: {  	_ = 	snop  }
0x4: {  	_ = 	snop  }
0x5: {  	_ = 	snop  }
0x6: {  	_ = 	snop  }
0x7: {  	_ = 	snop  }
__scs_overlays_trampoline_lowered:
0x8: {  	[smem:$0x3FAE] =	sst s0  }
0x9: {  	[smem:$0x3FAF] =	sst s1  }
0xa: {  	[smem:$0x3FB0] =	sst s2  }
0xb: {  	[smem:$0x3FB1] =	sst s3  }
0xc: {  	[smem:$0x3FB2] =	sst s4  }
0xd: {  	[smem:$0x3FB3] =	sst s5  }
0xe: {  	[smem:$0x3FB4] =	sst s6  }
0xf: {  	[smem:$0x3FB5] =	sst s7  }
0x10: {  	[smem:$0x3FB6] =	sst s8  }
0x11: {  	[smem:$0x3FB7] =	sst s9;
	s0 =	simm.s32 @!p0 $0x0  }
0x12: {  	s1 =	sld [smem:$0x3F9D];
	s0 =	simm.s32 @p0 $0x1  }
0x13: {  	[smem:$0x3FB8] =	sst s0;
	s0 =	simm.s32 @!p1 $0x0  }
0x14: {  	s2 =	sld [smem:$0x3F9C];
	s0 =	simm.s32 @p1 $0x1  }
0x15: {  	[smem:$0x3FB9] =	sst s0;
	s0 =	simm.s32 @!p2 $0x0  }
0x16: {  	s3 =	sld [smem:$0x3FDB];
	s0 =	simm.s32 @p2 $0x1  }
0x17: {  	s4 =	simm.s32 $0x1BF5;
	[smem:$0x3FBB] =	sst s0  }
0x18: {  	s0 =	sld [smem:$0x3F9E];
	_ =	swait.ge [sflag:s4], $0x0  }
0x19: {  	s7 =	sld [smem:$0x3F9F]  }
0x1a: {  	s8 =	sadd.s32 $0xFFFFE003, lr  }
0x1b: {  	s9 =	sadd.s32 $0xFFFFFEF7, lr;
	s5 =	simm.s32 $0xFFFFFFFF;
	p2 =	slt.u32 s8, $0xFFFFF086  }
0x1c: {  	p1 =	slt.u32 s9, $0xF7A;
	s5 =	simm.s32 @!p2 $0x0  }
0x1d: {  	s5 =	simm.s32 @p1 $0x1;
	p0 =	seq.s32 s7, s2  }
0x1e: {  	s7 =	smul.u32 @!p0 $0xF7A, s2;
	p2 =	seq.s32 @!p0 s5, $0x0  }
0x1f: {  	s9 =	smul.u32 $0xF7A, s1;
	s8 =	simm.s32 @!p0 $0x1BF5;
	p2 =	por !p2, p0  }
0x20: {  	[sflag:s8] =	ssyncset.s32 @!p0 $0xFFFFF086;
	s6 =	sadd.s32 @!p0 s3, s7;
	s7 =	simm.s32 @!p0 $0x108  }
0x21: {  	s3 =	sadd.s32 s3, s9;
	s6 =	sadd.s32 @!p0 $0x88, s6;
	s7 =	simm.s32 @p2 $0x1082  }
0x22: {  	[simem:s7], [sflag:s8] =	dma.local @!p0 [hbm:s6], $0xF7A  }
0x23: {  	s9 =	sor.u32 $0xD0000000, s2;
	s6 =	simm.s32 $0x108;
	_ =	swait.ge @!p0 [sflag:s8], $0x0  }
0x24: {  	s3 =	sadd.s32 $0x88, s3;
	s6 =	simm.s32 @!p1 $0x1082;
	[sflag:s4] =	ssyncset.s32 $0xFFFFF086  }
0x25: {  	[simem:s6], [sflag:s4] =	dma.local [hbm:s3], $0xF7A  }
0x26: {  	[smem:$0x3F9F] =	sst s1;
	(tag) =	ssettag s2;
	_ =	strace s9  }
0x27: {  	s1 =	sld [smem:$0x3FAF]  }
0x28: {  	s2 =	sld [smem:$0x3FB0]  }
0x29: {  	s4 =	sld [smem:$0x3FB2]  }
0x2a: {  	p0 =	seq.s32 s5, $0x0;
	s5 =	sld [smem:$0x3FB3]  }
0x2b: {  	s6 =	sld [smem:$0x3FB4]  }
0x2c: {  	s7 =	sld [smem:$0x3FB5]  }
0x2d: {  	s3 =	simm.s32 $0x108;
	s8 =	sld [smem:$0x3FB6]  }
0x2e: {  	s3 =	simm.s32 @!p0 $0x1082;
	s9 =	sld [smem:$0x3FB7]  }
0x2f: {  	lr =	sadd.s32 s0, s3;
	s0 =	sld [smem:$0x3FAE]  }
0x30: {  	s3 =	sld [smem:$0x3FB1]  }
0x31: {  	[smem:$0x3FBA] =	sst s10  }
0x32: {  	s10 =	sld [smem:$0x3FB8];
	_ =	sdelay $0x3  }
0x33: {  	p0 =	seq.s32 s10, $0x1;
	s10 =	sld [smem:$0x3FBA];
	_ =	sdelay $0x3  }
0x34: {  	[smem:$0x3FBA] =	sst s10  }
0x35: {  	s10 =	sld [smem:$0x3FB9];
	_ =	sdelay $0x3  }
0x36: {  	p1 =	seq.s32 s10, $0x1;
	s10 =	sld [smem:$0x3FBA];
	_ =	sdelay $0x3  }
0x37: {  	[smem:$0x3FBA] =	sst s10  }
0x38: {  	s10 =	sld [smem:$0x3FBB]  }
0x39: {  	_ = 	snop;
	(pc) =	sbr.ind lr, $3  }
0x3a: {  	_ = 	snop  }
0x3b: {  	_ = 	snop  }
0x3c: {  	p2 =	seq.s32 s10, $0x1;
	s10 =	sld [smem:$0x3FBA]  }
0x3d: {  	_ =	shalt  }
0x3e: {  	_ =	shalt  }
0x3f: {  	_ =	shalt  }
0x40: {  	_ =	shalt  }
0x41: {  	_ =	shalt  }
0x42: {  	_ =	shalt  }
0x43: {  	_ =	shalt  }
0x44: {  	_ =	shalt  }
0x45: {  	_ =	shalt  }
0x46: {  	_ =	shalt  }
0x47: {  	_ =	shalt  }
0x48: {  	_ =	shalt  }
0x49: {  	_ =	shalt  }
0x4a: {  	_ =	shalt  }
0x4b: {  	_ =	shalt  }
0x4c: {  	_ =	shalt  }
0x4d: {  	_ =	shalt  }
0x4e: {  	_ =	shalt  }
0x4f: {  	_ =	shalt  }
0x50: {  	_ =	shalt  }
0x51: {  	_ =	shalt  }
0x52: {  	_ =	shalt  }
0x53: {  	_ =	shalt  }
0x54: {  	_ =	shalt  }
0x55: {  	_ =	shalt  }
0x56: {  	_ =	shalt  }
0x57: {  	_ =	shalt  }
0x58: {  	_ =	shalt  }
0x59: {  	_ =	shalt  }
0x5a: {  	_ =	shalt  }
0x5b: {  	_ =	shalt  }
0x5c: {  	_ =	shalt  }
0x5d: {  	_ =	shalt  }
0x5e: {  	_ =	shalt  }
0x5f: {  	_ =	shalt  }
0x60: {  	_ =	shalt  }
0x61: {  	_ =	shalt  }
0x62: {  	_ =	shalt  }
0x63: {  	_ =	shalt  }
0x64: {  	_ =	shalt  }
0x65: {  	_ =	shalt  }
0x66: {  	_ =	shalt  }
0x67: {  	_ =	shalt  }
0x68: {  	_ =	shalt  }
0x69: {  	_ =	shalt  }
0x6a: {  	_ =	shalt  }
0x6b: {  	_ =	shalt  }
0x6c: {  	_ =	shalt  }
0x6d: {  	_ =	shalt  }
0x6e: {  	_ =	shalt  }
0x6f: {  	_ =	shalt  }
0x70: {  	_ =	shalt  }
0x71: {  	_ =	shalt  }
0x72: {  	_ =	shalt  }
0x73: {  	_ =	shalt  }
0x74: {  	_ =	shalt  }
0x75: {  	_ =	shalt  }
0x76: {  	_ =	shalt  }
0x77: {  	_ =	shalt  }
0x78: {  	_ =	shalt  }
0x79: {  	_ =	shalt  }
0x7a: {  	_ =	shalt  }
0x7b: {  	_ =	shalt  }
0x7c: {  	_ =	shalt  }
0x7d: {  	_ =	shalt  }
0x7e: {  	_ =	shalt  }
0x7f: {  	_ =	shalt  }
0x80: {  	_ =	shalt  }
0x81: {  	_ =	shalt  }
0x82: {  	_ =	shalt  }
0x83: {  	_ =	shalt  }
0x84: {  	_ =	shalt  }
0x85: {  	_ =	shalt  }
0x86: {  	_ =	shalt  }
0x87: {  	_ =	shalt  }
.Lfunc_end0:
.L_simem_size_0:
called_computation.1_lowered:
.L_overlay_start_0:
0x88: {  	s2 =	sld [smem:$0x3FD9]  }
0x89: {  	s3 =	sld [smem:$0x3FFE];
	_ =	sdelay $0x1  }
0x8a: {  	s1 =	srdreg.scid  }
0x8b: {  	s0 =	sand.u32 $0x1, s1  }
0x8c: {  	s14 =	sshll.u32 s0, $0xA;
	s2 =	sadd.s32 s3, s2  }
0x8d: {  	s2 =	sadd.s32 s2, s14  }
0x8e: {  	[smem:$0x3FC6] =	sst s2  }
0x8f: {  	_ = 	snop  }
0x90: {  	s2 =	sld [smem:$0x3FD0];
	_ =	sdelay $0x2  }
0x91: {  	s15 =	simm.s32 $0xA;
	s4 =	simm.s32 $0x10  }
0x92: {  	[smem:s4], [sflag:s15] =	dma.local [hbm:s2], $0x1  }
0x93: {  	_ =	swait.eq [sflag:s15], $0x1  }
0x94: {  	[sflag:s15] =	ssyncset.done $0x0  }
0x95: {  	s16 =	sld [smem:$0x10];
	[sflag:s15] =	ssyncadd.s32 $0xFFFFFFFF  }
0x96: {  	s17 =	sld [smem:$0x11];
	(tm) =	ssettm $0x1  }
0x97: {  	s18 =	sld [smem:$0x3FFB];
	_ =	sdelay $0x3  }
0x98: {  	_ =	strace s18  }
0x99: {  	s4 =	sld [smem:$0x3FFC];
	_ =	sdelay $0x3  }
0x9a: {  	_ =	strace s4  }
0x9b: {  	s4 =	sld [smem:$0x3FFD];
	_ =	sdelay $0x3  }
0x9c: {  	_ =	strace s4  }
0x9d: {  	_ =	strace $0x8FFFFFFF  }
0x9e: {  	s19 =	sld [smem:$0x3FDB];
	_ =	sdelay $0x1  }
0x9f: {  	s5 =	simm.s32 $_scs_section_size  }
0xa0: {  	s6 =	simm.s32 $_size__tile_overlayer_lowered;
	s7 =	simm.s32 $_tile_overlayer_lowered  }
0xa1: {  	s22 =	simm.s32 $0x1BFF;
	s21 =	sshll.u32 s7, $0x1;
	s4 =	sadd.s32 s5, s19  }
0xa2: {  	s8 =	simm.s32 $0x0;
	s20 =	sshll.u32 s6, $0x1;
	s6 =	sadd.s32 s21, s4  }
0xa3: {  	[timem:s8], [sflag:s22] =	dma.local [hbm:s6], s20  }
0xa4: {  	_ =	swait.ge [sflag:s22], s20  }
0xa5: {  	s5 =	ssub.s32 $0x0, s20;
	[sflag:s22] =	ssyncset.done $0x0  }
0xa6: {  	[sflag:s22] =	ssyncadd.s32 s5;
	_ =	sdelay $0x1  }
0xa7: {  	s23 =	simm.s32 $0x1B8B  }
0xa8: {  	_ =	swait.ge [sflag:s23], $0x1  }
0xa9: {  	[sflag:s23] =	ssyncset.done $0x0  }
0xaa: {  	s25 =	simm.s32 $0x1B8E;
	s24 =	sld [smem:$0x3FFE];
	[sflag:s23] =	ssyncadd.s32 $0xFFFFFFFF  }
0xab: {  	s26 =	simm.s32 $execute0_lowered;
	[smem:$0x3FD2] =	sst s25  }
0xac: {  	s6 =	sshll.u32 s26, $0x1;
	_ =	strace $0x80000049;
	[dreg:$0x1] =	wrdreg $0xFFFFFFFF  }
0xad: {  	s28 =	simm.s32 $_size_execute0_lowered;
	s4 =	sadd.s32 s4, s6;
	[dreg:$0x0] =	wrdreg $0x0  }
0xae: {  	s6 =	sshll.u32 s28, $0x1;
	[dreg:$0x2] =	wrdreg s4  }
0xaf: {  	[dreg:$0x3] =	wrdreg s6  }
0xb0: {  	[dreg:$0x4] =	wrdreg $0xC0  }
0xb1: {  	_ =	task [dreg:s8], $0x5FFFF  }
0xb2: {  	[dreg:$0x1] =	wrdreg $0xFFFFFFFF  }
0xb3: {  	[dreg:$0x0] =	wrdreg $0x60  }
0xb4: {  	[dreg:$0x2] =	wrdreg s24  }
0xb5: {  	[dreg:$0x3] =	wrdreg s16  }
0xb6: {  	[dreg:$0x4] =	wrdreg s17  }
0xb7: {  	[dreg:$0x5] =	wrdreg $0x9  }
0xb8: {  	_ =	task.clear_ibuf [dreg:s8], $0x6FFFF;
	_ =	strace $0x90000049  }
0xb9: {  	s29 =	simm.s32 $0x9;
	_ =	strace $0x8000004B  }
0xba: {  	_ =	swait.ge [sflag:s29], $0x1  }
0xbb: {  	[sflag:s29] =	ssyncadd.s32 $0xFFFFFFFF  }
0xbc: {  	_ =	strace $0x9000004B  }
0xbd: {  	_ =	sfence  }
0xbe: {  	s30 =	sld [smem:$0x0];
	_ =	sdelay $0x2  }
0xbf: {  	s31 =	sshll.u32 s1, $0xD;
	s1 =	sshrl.u32 s1, $0x2  }
0xc0: {  	s3 =	sand.u32 $0x4000, s31;
	s1 =	sadd.s32 s1, s30  }
0xc1: {  	s0 =	sor.u32 s3, s0;
	s1 =	sshll.u32 s1, $0x11  }
0xc2: {  	s0 =	sor.u32 s1, s0  }
0xc3: {  	s0 =	sadd.s32 $0x8F2B, s0  }
0xc4: {  	[sflag:s0] =	ssyncadd.remote.s32 $0x1  }
0xc5: {  	_ =	sfence.sel $0xFFFF  }
0xc6: {  	[dreg:$0x0] =	wrdreg $0xFFFFFFFF;
	(pc) =	sbr.abs _section_cstart, $3  }
0xc7: {  	[dreg:$0x1] =	wrdreg $0xFFFFFFFF  }
0xc8: {  	_ =	task.clear_ibuf [dreg:s8], $0x2FFFF;
	_ =	strace $0x9FFFFFFF  }
0xc9: {  	(tm) =	ssettm $0x7FFFFFFF  }
tec
execute0_lowered:
.L_overlay_start_1:
0x0: {  	(tag) =	ssettag $0x1  }
0x1: {  	s0 =	rddreg [dreg:$0x0]  }
0x2: {  	s17 =	rddreg [dreg:$0x1]  }
0x3: {  	s6 =	rddreg [dreg:$0x2];
	s3 =	simm.s32 $0x0;
	s25 =	srdreg.scid  }
0x4: {  	s4 =	stileid.u32;
	s18 =	simm.s32 $0x1;
	s19 =	simm.s32 $0x7D0  }
0x5: {  	s31 =	simm.s32 $0x4650;
	s28 =	simm.s32 $0x3E80;
	s10 =	simm.s32 $0x15F90  }
0x6: {  	s29 =	simm.s32 $0x165D0;
	[smem:$0x7FF] =	sst s3;
	s21 =	sadd.s32 $0xBA400, s0  }
0x7: {  	s1 =	sadd.s32 $0x31C00, s0;
	s20 =	sadd.s32 $0xE00, s0;
	s22 =	sadd.s32 $0x89600, s0  }
0x8: {  	s23 =	sadd.s32 $0x65C00, s0;
	_ =	strace $0x8000004A;
	[dreg:$0x4] =	wrdreg s1  }
0x9: {  	s24 =	sadd.s32 $0x6C000, s0;
	s11 =	sadd.s32 $0x62A00, s0;
	[dreg:$0x5] =	wrdreg s20  }
0xa: {  	s5 =	sadd.s32 $0x68E00, s0;
	s13 =	sadd.s32 $0x6F200, s0;
	[dreg:$0x6] =	wrdreg s22  }
0xb: {  	s14 =	sadd.s32 $0x2AD200, s0;
	[dreg:$0x7] =	wrdreg s23;
	s1 =	sand.u32 $0x1, s25  }
0xc: {  	[dreg:$0x8] =	wrdreg s24;
	s2 =	ssub.s32 $0x2, s1;
	s1 =	sshll.u32 s1, $0x4  }
0xd: {  	s20 =	simm.s32 $0xFA0;
	s22 =	simm.s32 $0x1770;
	s1 =	sor.u32 s4, s1  }
0xe: {  	[dreg:$0x9] =	wrdreg s5;
	s7 =	sshrl.u32 s2, $0x1;
	s30 =	smul.u32 $0xC350, s1  }
0xf: {  	s23 =	simm.s32 $0x1F40;
	[dreg:$0xa] =	wrdreg s13;
	s26 =	ssub.s32 s2, s7  }
0x10: {  	s0 =	smax.u32 s26, $0x1;
	[dreg:$0xb] =	wrdreg s30;
	s30 =	smul.u32 $0xC80, s1  }
0x11: {  	v1 =	vlaneseq.u32;
	s24 =	simm.s32 $0x2710;
	s25 =	simm.s32 $0x2EE0;
	[dreg:$0xd] =	wrdreg s0  }
0x12: {  	v0 =	vshrl.u32 v1, $0x2;
	v1 =	vand.u32 $0x3, v1;
	s26 =	simm.s32 $0x36B0;
	s1 =	simm.s32 $0x0;
	[dreg:$0xc] =	wrdreg s30  }
.LBB2_1:
0x13: {  	[dreg:$0xe] =	wrdreg s1;
	s9 =	simm.s32 $0x0  }
.LBB2_2:
0x14: {  	s0 =	smul.u32 $0x7D0, s9  }
0x15: {  	s1 =	rddreg [dreg:$0xb]  }
0x16: {  	s0 =	sadd.s32 s1, s0  }
0x17: {  	s4 =	rddreg [dreg:$0x4];
	s1 =	sshrl.u32 s0, $0x3  }
0x18: {  	s8 =	simm.s32 $0x0;
	s2 =	sadd.s32 s4, s1  }
0x19: {  	[tilespmem:s8], [sflag:$0x1] =	stream.linear.gather [hbm4b:s2+s8], $0x7D0, $0x38;
	[tilespmem:$0x1E910] =	vst v63  }
0x1a: {  	_ =	swait.ge [sflag:s18], $0x7D0  }
0x1b: {  	[sflag:s18] =	ssyncset.done $0x0;
	s7 =	rddreg [dreg:$0x5]  }
0x1c: {  	[sflag:s18] =	ssyncadd.s32 $0xFFFFF830;
	s15 =	sadd.s32 s7, s1  }
0x1d: {  	[tilespmem:s19], [sflag:$0x1] =	stream.linear.gather [hbm4b:s15+s8], $0x7D0, $0x38;
	[tilespmem:$0x1E910] =	vst v63  }
0x1e: {  	_ =	swait.ge [sflag:s18], $0x7D0  }
0x1f: {  	[sflag:s18] =	ssyncset.done $0x0;
	s16 =	rddreg [dreg:$0x6]  }
0x20: {  	[sflag:s18] =	ssyncadd.s32 $0xFFFFF830;
	s1 =	sadd.s32 s16, s1  }
0x21: {  	[tilespmem:s20], [sflag:$0x1] =	stream.linear.gather [hbm4b:s1+s8], $0x7D0, $0x38;
	[tilespmem:$0x1E910] =	vst v63  }
0x22: {  	_ =	swait.ge [sflag:s18], $0x7D0  }
0x23: {  	s5 =	smov.u32 s17;
	s17 =	sshrl.u32 s0, $0x1;
	[sflag:s18] =	ssyncset.done $0x0  }
0x24: {  	s1 =	sadd.s32 s21, s17;
	[sflag:s18] =	ssyncadd.s32 $0xFFFFF830  }
0x25: {  	[tilespmem:s31], [sflag:$0x1] =	stream.linear.gather [hbm4b:s1+s8], $0x1F40, $0x38;
	[tilespmem:$0x1E910] =	vst v63  }
0x26: {  	_ =	swait.ge [sflag:s18], $0x1F40  }
0x27: {  	[sflag:s18] =	ssyncset.done $0x0  }
0x28: {  	[sflag:s18] =	ssyncadd.s32 $0xFFFFE0C0  }
0x29: {  	[tilespmem:s22], [sflag:$0x1] =	stream.indirect.gather [hbm4b:s4+s19], $0x1, s20, s19, $0xb8;
	[tilespmem:$0x1E910] =	vst v63  }
0x2a: {  	_ =	swait.ge [sflag:s18], $0x7D0  }
0x2b: {  	[sflag:s18] =	ssyncset.done $0x0  }
0x2c: {  	[sflag:s18] =	ssyncadd.s32 $0xFFFFF830  }
0x2d: {  	[tilespmem:s23], [sflag:$0x1] =	stream.indirect.gather [hbm4b:s7+s19], $0x1, s20, s19, $0xb8;
	[tilespmem:$0x1E910] =	vst v63  }
0x2e: {  	_ =	swait.ge [sflag:s18], $0x7D0  }
0x2f: {  	[sflag:s18] =	ssyncset.done $0x0  }
0x30: {  	s13 =	smov.u32 s21;
	s21 =	rddreg [dreg:$0x7];
	[sflag:s18] =	ssyncadd.s32 $0xFFFFF830  }
0x31: {  	[tilespmem:s24], [sflag:$0x1] =	stream.indirect.gather [hbm4b:s21+s19], $0x1, s8, s19, $0xb8;
	[tilespmem:$0x1E910] =	vst v63  }
0x32: {  	_ =	swait.ge [sflag:s18], $0x7D0  }
0x33: {  	[sflag:s18] =	ssyncset.done $0x0  }
0x34: {  	[sflag:s18] =	ssyncadd.s32 $0xFFFFF830  }
0x35: {  	[tilespmem:s25], [sflag:$0x1] =	stream.indirect.gather [hbm4b:s11+s19], $0x1, s8, s19, $0xb8;
	[tilespmem:$0x1E910] =	vst v63  }
0x36: {  	_ =	swait.ge [sflag:s18], $0x7D0  }
0x37: {  	[sflag:s18] =	ssyncset.done $0x0  }
0x38: {  	s2 =	rddreg [dreg:$0x8];
	[sflag:s18] =	ssyncadd.s32 $0xFFFFF830  }
0x39: {  	[tilespmem:s26], [sflag:$0x1] =	stream.indirect.gather [hbm4b:s2+s19], $0x1, s23, s19, $0xb8;
	[tilespmem:$0x1E910] =	vst v63  }
0x3a: {  	_ =	swait.ge [sflag:s18], $0x7D0  }
0x3b: {  	[sflag:s18] =	ssyncset.done $0x0  }
0x3c: {  	v3 =	vor.u32 s8, v0;
	[sflag:s18] =	ssyncadd.s32 $0xFFFFF830  }
0x3d: {  	[tilespmem:s28], [sflag:$0x1] =	stream.indirect.gather [hbm4b:s11+s19], $0x1, s23, s19, $0xb8;
	[tilespmem:$0x1E910] =	vst v63  }
0x3e: {  	_ =	swait.ge [sflag:s18], $0x7D0  }
0x3f: {  	[sflag:s18] =	ssyncset.done $0x0  }
0x40: {  	[sflag:s18] =	ssyncadd.s32 $0xFFFFF830  }
0x41: {  	v4 =	vld.idx.msk [tilespmem:v3+s3+$0x0], $0xffff  }
0x42: {  	v5 =	vld.idx.msk [tilespmem:v3+s24+$0x0], $0xffff  }
0x43: {  	v6 =	vld.idx.msk [tilespmem:v3+s25+$0x0], $0xffff  }
0x44: {  	v7 =	vld.idx.msk [tilespmem:v3+s19+$0x0], $0xffff  }
0x45: {  	v8 =	vld.idx.msk [tilespmem:v3+s28+$0x0], $0xffff  }
0x46: {  	v9 =	vld.idx.msk [tilespmem:v3+s26+$0x0], $0xffff  }
0x47: {  	v2 =	vmov s0;
	v12 =	vld.idx.msk [tilespmem:v3+s22+$0x0], $0xffff  }
0x48: {  	v11 =	vadd.s32 v2, v3;
	v10 =	vld.idx.msk [tilespmem:v3+s23+$0x0], $0xffff;
	v6 =	vmul.u32 v1, v6  }
0x49: {  	v13 =	vld.idx.msk [tilespmem:v3+s20+$0x0], $0xffff;
	v5 =	vadd.s32 v11, v5  }
0x4a: {  	s12 =	simm.s32 $0xA410;
	s15 =	simm.s32 $0x84D0;
	v3 =	vshll.u32 v4, $0x2;
	v4 =	vadd.s32 v6, v5  }
0x4b: {  	s30 =	simm.s32 $0x101E0;
	s0 =	simm.s32 $0x8;
	s16 =	simm.s32 $0x4;
	v3 =	vor.u32 v1, v3;
	v5 =	vmul.u32 v1, v8;
	v6 =	vshll.u32 v7, $0x2;
	[tilespmem:s15+$0x0] =	vst v4  }
0x4c: {  	s17 =	simm.s32 $0x12110;
	s31 =	simm.s32 $0x101D0;
	s4 =	simm.s32 $0xC350;
	v7 =	vadd.s32 v11, v9;
	v4 =	vor.u32 v1, v6;
	v6 =	vshll.u32 v12, $0x2;
	[tilespmem:s12+$0x0] =	vst v3  }
0x4d: {  	s1 =	simm.s32 $0xC360;
	s7 =	simm.s32 $0xE290;
	s21 =	simm.s32 $0x12120;
	v7 =	vadd.s32 v5, v7;
	v5 =	vshll.u32 v10, $0x2;
	v3 =	vor.u32 s16, v0;
	[tilespmem:s4+$0x0] =	vst v4  }
0x4e: {  	s8 =	simm.s32 $0xE2A0;
	s2 =	simm.s32 $0x14050;
	s16 =	simm.s32 $0x14060;
	v5 =	vor.u32 v1, v5;
	v4 =	vor.u32 v1, v6;
	v6 =	vshll.u32 v13, $0x2;
	[tilespmem:s7+$0x0] =	vst v7  }
.LBB2_3:
0x4f: {  	s15 =	sadd.s32 $0x10, s15;
	s12 =	sadd.s32 $0x10, s12  }
0x50: {  	v6 =	vor.u32 v1, v6;
	[tilespmem:s31+$0x0] =	vst v5;
	s7 =	smov.u32 s0;
	s4 =	sadd.s32 $0x4, s0;
	s31 =	smov.u32 s30  }
0x51: {  	p0 =	sne.s32 s0, $0x7CC;
	[tilespmem:s17+$0x0] =	vst v4;
	s17 =	smov.u32 s21  }
0x52: {  	[tilespmem:s2+$0x0] =	vst v6;
	s2 =	smov.u32 s16  }
0x53: {  	v4 =	vld.idx.msk [tilespmem:v3+s3+$0x0], $0xffff  }
0x54: {  	v5 =	vld.idx.msk [tilespmem:v3+s24+$0x0], $0xffff  }
0x55: {  	v6 =	vld.idx.msk [tilespmem:v3+s25+$0x0], $0xffff  }
0x56: {  	v7 =	vld.idx.msk [tilespmem:v3+s19+$0x0], $0xffff  }
0x57: {  	v8 =	vld.idx.msk [tilespmem:v3+s28+$0x0], $0xffff  }
0x58: {  	v9 =	vld.idx.msk [tilespmem:v3+s26+$0x0], $0xffff  }
0x59: {  	v4 =	vshll.u32 v4, $0x2;
	v10 =	vld.idx.msk [tilespmem:v3+s23+$0x0], $0xffff  }
0x5a: {  	v11 =	vadd.s32 v2, v3;
	v12 =	vld.idx.msk [tilespmem:v3+s22+$0x0], $0xffff  }
0x5b: {  	v5 =	vadd.s32 v11, v5;
	v6 =	vmul.u32 v1, v6;
	v13 =	vld.idx.msk [tilespmem:v3+s20+$0x0], $0xffff  }
0x5c: {  	v3 =	vshll.u32 v7, $0x2  }
.Ltmp0:
0x5d: {  	v4 =	vor.u32 v1, v4;
	v5 =	vadd.s32 v6, v5;
	v6 =	vmul.u32 v1, v8;
	(pc) =	sbr.rel @p0 .LBB2_3-.Ltmp0, $4  }
0x5e: {  	v7 =	vor.u32 v1, v3;
	v3 =	vadd.s32 v11, v9;
	[tilespmem:s15+$0x0] =	vst v5  }
0x5f: {  	v8 =	vadd.s32 v6, v3;
	v5 =	vshll.u32 v10, $0x2;
	[tilespmem:s12+$0x0] =	vst v4  }
0x60: {  	s30 =	sadd.s32 $0x10, s30;
	s21 =	sadd.s32 $0x10, s21;
	s16 =	sadd.s32 $0x10, s16;
	v3 =	vor.u32 s7, v0;
	v5 =	vor.u32 v1, v5;
	v4 =	vshll.u32 v12, $0x2;
	[tilespmem:s1+$0x0] =	vst v7  }
0x61: {  	s0 =	smov.u32 s4;
	v4 =	vor.u32 v1, v4;
	v6 =	vshll.u32 v13, $0x2;
	s1 =	sadd.s32 $0x10, s1;
	[tilespmem:s8+$0x0] =	vst v8;
	s8 =	sadd.s32 $0x10, s8  }
0x62: {  	_ = 	snop  }
0x63: {  	[tilespmem:s31+$0x0] =	vst v5  }
0x64: {  	v57 =	vor.u32 v1, v6;
	[tilespmem:s17+$0x0] =	vst v4  }
0x65: {  	[tilespmem:s2+$0x0] =	vst v57  }
0x66: {  	v4 =	vld.idx.msk [tilespmem:v3+s3+$0x0], $0xffff  }
0x67: {  	v5 =	vld.idx.msk [tilespmem:v3+s25+$0x0], $0xffff  }
0x68: {  	v58 =	vld.idx.msk [tilespmem:v3+s24+$0x0], $0xffff  }
0x69: {  	v7 =	vld.idx.msk [tilespmem:v3+s19+$0x0], $0xffff  }
0x6a: {  	v8 =	vld.idx.msk [tilespmem:v3+s28+$0x0], $0xffff  }
0x6b: {  	v9 =	vld.idx.msk [tilespmem:v3+s26+$0x0], $0xffff  }
0x6c: {  	v2 =	vadd.s32 v2, v3;
	v10 =	vld.idx.msk [tilespmem:v3+s23+$0x0], $0xffff;
	v5 =	vmul.u32 v1, v5  }
0x6d: {  	v11 =	vld.idx.msk [tilespmem:v3+s22+$0x0], $0xffff;
	v6 =	vadd.s32 v2, v58  }
0x6e: {  	s0 =	sadd.s32 $0x10, s15;
	v3 =	vld.idx.msk [tilespmem:v3+s20+$0x0], $0xffff;
	v4 =	vshll.u32 v4, $0x2;
	v5 =	vadd.s32 v5, v6  }
0x6f: {  	s2 =	sadd.s32 $0x10, s12;
	v59 =	vshll.u32 v7, $0x2;
	v60 =	vmul.u32 v1, v8;
	v4 =	vor.u32 v1, v4;
	[tilespmem:s0+$0x0] =	vst v5  }
0x70: {  	v2 =	vadd.s32 v2, v9;
	v61 =	vor.u32 v1, v59;
	[tilespmem:s2+$0x0] =	vst v4  }
0x71: {  	v62 =	vshll.u32 v10, $0x2;
	v2 =	vadd.s32 v60, v2;
	[tilespmem:s1+$0x0] =	vst v61  }
0x72: {  	v63 =	vshll.u32 v11, $0x2;
	[tilespmem:s8+$0x0] =	vst v2;
	v2 =	vor.u32 v1, v62  }
0x73: {  	v3 =	vshll.u32 v3, $0x2;
	[tilespmem:s30+$0x0] =	vst v2;
	v2 =	vor.u32 v1, v63  }
0x74: {  	[tilespmem:s21+$0x0] =	vst v2;
	v2 =	vor.u32 v1, v3  }
0x75: {  	s4 =	simm.s32 $0x14050;
	s7 =	simm.s32 $0x6590;
	[tilespmem:s16+$0x0] =	vst v2  }
0x76: {  	[tilespmem:s7], [sflag:$0x1] =	stream.indirect.gather [hbm4b:s13+s23], $0x1, s4, s23, $0xb8;
	[tilespmem:$0x1E910] =	vst v63  }
0x77: {  	_ =	swait.ge [sflag:s18], $0x1F40  }
0x78: {  	[sflag:s18] =	ssyncset.done $0x0  }
0x79: {  	s12 =	simm.s32 $0xA410;
	s8 =	simm.s32 $0x84D0;
	[sflag:s18] =	ssyncadd.s32 $0xFFFFE0C0  }
0x7a: {  	[hbm4b:s14+s23] =	stream.indirect.scatter [tilespmem:s12], [sflag:$0x1], $0x1, s8, s23, $0xb8;
	[tilespmem:$0x1E910] =	vst v63  }
0x7b: {  	_ =	swait.ge [sflag:s18], $0x1F40  }
0x7c: {  	[sflag:s18] =	ssyncset.done $0x0  }
0x7d: {  	s21 =	smov.u32 s13;
	s13 =	simm.s32 $0xC350;
	[sflag:s18] =	ssyncadd.s32 $0xFFFFE0C0  }
0x7e: {  	[hbm4b:s5+s23] =	stream.indirect.scatter [tilespmem:s13], [sflag:$0x1], $0x1, s8, s23, $0xb8;
	[tilespmem:$0x1E910] =	vst v63  }
0x7f: {  	_ =	swait.ge [sflag:s18], $0x1F40  }
0x80: {  	[sflag:s18] =	ssyncset.done $0x0  }
0x81: {  	s31 =	simm.s32 $0x4650;
	[sflag:s18] =	ssyncadd.s32 $0xFFFFE0C0  }
0x82: {  	[hbm4b:s6+s23] =	stream.indirect.scatter [tilespmem:s31], [sflag:$0x1], $0x1, s8, s23, $0xb8;
	[tilespmem:$0x1E910] =	vst v63  }
0x83: {  	_ =	swait.ge [sflag:s18], $0x1F40  }
0x84: {  	[sflag:s18] =	ssyncset.done $0x0  }
0x85: {  	s15 =	simm.s32 $0xE290;
	s16 =	simm.s32 $0x101D0;
	[sflag:s18] =	ssyncadd.s32 $0xFFFFE0C0  }
0x86: {  	[hbm4b:s14+s23] =	stream.indirect.scatter [tilespmem:s16], [sflag:$0x1], $0x1, s15, s23, $0xb8;
	[tilespmem:$0x1E910] =	vst v63  }
0x87: {  	_ =	swait.ge [sflag:s18], $0x1F40  }
0x88: {  	[sflag:s18] =	ssyncset.done $0x0  }
0x89: {  	s30 =	simm.s32 $0x12110;
	[sflag:s18] =	ssyncadd.s32 $0xFFFFE0C0  }
0x8a: {  	[hbm4b:s5+s23] =	stream.indirect.scatter [tilespmem:s30], [sflag:$0x1], $0x1, s15, s23, $0xb8;
	[tilespmem:$0x1E910] =	vst v63  }
0x8b: {  	s9 =	sadd.s32 $0x1, s9;
	_ =	swait.ge [sflag:s18], $0x1F40  }
0x8c: {  	p0 =	sne.s32 s9, $0x19;
	[sflag:s18] =	ssyncset.done $0x0  }
.Ltmp1:
0x8d: {  	[sflag:s18] =	ssyncadd.s32 $0xFFFFE0C0;
	(pc) =	sbr.rel @p0 .LBB2_2-.Ltmp1, $4  }
0x8e: {  	[hbm4b:s6+s23] =	stream.indirect.scatter [tilespmem:s7], [sflag:$0x1], $0x1, s15, s23, $0xb8;
	[tilespmem:$0x1E910] =	vst v63  }
0x8f: {  	_ =	swait.ge [sflag:s18], $0x1F40  }
0x90: {  	[sflag:s18] =	ssyncset.done $0x0  }
0x91: {  	s17 =	smov.u32 s5;
	[sflag:s18] =	ssyncadd.s32 $0xFFFFE0C0  }
0x92: {  	s5 =	rddreg [dreg:$0x9]  }
0x93: {  	s9 =	simm.s32 $0x0;
	s13 =	rddreg [dreg:$0xa]  }
0x94: {  	p1 =	por $0x1, $0x1;
	s0 =	simm.s32 $0x0;
	s30 =	rddreg [dreg:$0xc]  }
.LBB2_6:
0x95: {  	s0 =	sadd.s32 s30, s0  }
0x96: {  	s1 =	sshrl.u32 s0, $0x3  }
0x97: {  	s2 =	sadd.s32 s5, s1  }
0x98: {  	[tilespmem:s10], [sflag:$0x1] =	stream.linear.gather [hbm4b:s2+s9], $0x640, $0x38;
	[tilespmem:$0x1E910] =	vst v63  }
0x99: {  	_ =	swait.ge [sflag:s18], $0x640  }
0x9a: {  	[sflag:s18] =	ssyncset.done $0x0  }
0x9b: {  	s1 =	sadd.s32 s11, s1;
	[sflag:s18] =	ssyncadd.s32 $0xFFFFF9C0  }
0x9c: {  	[tilespmem:s29], [sflag:$0x1] =	stream.linear.gather [hbm4b:s1+s9], $0x640, $0x38;
	[tilespmem:$0x1E910] =	vst v63  }
0x9d: {  	_ =	swait.ge [sflag:s18], $0x640  }
0x9e: {  	s7 =	sshrl.u32 s0, $0x1;
	[sflag:s18] =	ssyncset.done $0x0  }
0x9f: {  	s4 =	sadd.s32 s13, s7;
	s1 =	simm.s32 $0x16C10;
	[sflag:s18] =	ssyncadd.s32 $0xFFFFF9C0  }
0xa0: {  	[tilespmem:s1], [sflag:$0x1] =	stream.linear.gather [hbm4b:s4+s9], $0x1900, $0x38;
	[tilespmem:$0x1E910] =	vst v63  }
0xa1: {  	s2 =	sand.u32 $0x1FFFFFFF, s7;
	_ =	swait.ge [sflag:s18], $0x1900  }
0xa2: {  	s2 =	sadd.s32 s13, s2;
	[sflag:s18] =	ssyncset.done $0x0  }
0xa3: {  	v3 =	vor.u32 s9, v0;
	s8 =	sadd.s32 $0xC800, s2;
	s2 =	simm.s32 $0x18510;
	[sflag:s18] =	ssyncadd.s32 $0xFFFFE700  }
0xa4: {  	[tilespmem:s2], [sflag:$0x1] =	stream.linear.gather [hbm4b:s8+s9], $0x1900, $0x38;
	[tilespmem:$0x1E910] =	vst v63  }
0xa5: {  	_ =	swait.ge [sflag:s18], $0x1900  }
0xa6: {  	[sflag:s18] =	ssyncset.done $0x0  }
0xa7: {  	[sflag:s18] =	ssyncadd.s32 $0xFFFFE700  }
0xa8: {  	v4 =	vld.idx.msk [tilespmem:v3+s29+$0x0], $0xffff;
	_ =	sdelay $0x1  }
0xa9: {  	v5 =	vld.idx.msk [tilespmem:v3+s10+$0x0], $0xffff  }
0xaa: {  	v2 =	vmov s0;
	v6 =	vld [tilespmem:s2+$0x0]  }
0xab: {  	v3 =	vadd.s32 v2, v3;
	v7 =	vld [tilespmem:s1+$0x0]  }
0xac: {  	s12 =	simm.s32 $0x4;
	vm0 =	vlt.s32 v3, $0x1869F;
	v4 =	vmul.u32 v1, v4  }
0xad: {  	v8 =	vnsel vm0, $0x1869F, v3;
	v3 =	vor.u32 s12, v0  }
0xae: {  	s15 =	simm.s32 $0x19E10;
	s16 =	simm.s32 $0x1D010;
	v9 =	vadd.s32 v2, v3;
	v4 =	vadd.s32 v5, v4;
	v5 =	vshll.u32 v8, $0x2  }
0xaf: {  	p0 =	por p1, p1;
	s0 =	simm.s32 $0x8;
	s7 =	simm.s32 $0x1B710;
	vm15 =	vlt.s32 v9, $0x1869F;
	v8 =	vor.u32 v1, v5;
	[tilespmem:s15+$0x0] =	vst v4  }
0xb0: {  	s8 =	simm.s32 $0x1D020;
	s12 =	simm.s32 $0x19E20;
	v5 =	vadd.f32 v6, v7;
	v4 =	vnsel vm15, $0x1869F, v9;
	s15 =	simm.s32 $0x1B720;
	[tilespmem:s7+$0x0] =	vst v8  }
.LBB2_7:
0xb1: {  	s1 =	sadd.s32 $0x10, s1;
	s2 =	sadd.s32 $0x10, s2  }
0xb2: {  	[tilespmem:s16+$0x0] =	vst v5;
	s4 =	smov.u32 s0;
	s7 =	sadd.s32 $0x4, s0;
	s16 =	smov.u32 s8  }
0xb3: {  	p1 =	sne.s32 s0, $0x63C;
	v5 =	vld.idx.msk [tilespmem:v3+s29+$0x0], $0xffff;
	_ =	sdelay $0x1  }
0xb4: {  	v6 =	vld.idx.msk [tilespmem:v3+s10+$0x0], $0xffff  }
0xb5: {  	v7 =	vld [tilespmem:s2+$0x0]  }
0xb6: {  	v8 =	vld [tilespmem:s1+$0x0];
	_ =	sdelay $0x1  }
.Ltmp2:
0xb7: {  	v5 =	vmul.u32 v1, v5;
	(pc) =	sbr.rel @p1 .LBB2_7-.Ltmp2, $4  }
0xb8: {  	v3 =	vor.u32 s4, v0  }
0xb9: {  	v4 =	vshll.u32 v4, $0x2;
	v9 =	vadd.s32 v2, v3;
	v6 =	vadd.s32 v6, v5  }
0xba: {  	s8 =	sadd.s32 $0x10, s8;
	v10 =	vor.u32 v1, v4;
	vm0 =	vlt.s32 v9, $0x1869F;
	v5 =	vadd.f32 v7, v8;
	[tilespmem:s12+$0x0] =	vst v6  }
0xbb: {  	s0 =	smov.u32 s7;
	v4 =	vnsel vm0, $0x1869F, v9;
	s12 =	sadd.s32 $0x10, s12;
	[tilespmem:s15+$0x0] =	vst v10;
	s15 =	sadd.s32 $0x10, s15  }
0xbc: {  	_ =	sdelay $0x2  }
0xbd: {  	[tilespmem:s16+$0x0] =	vst v5  }
0xbe: {  	v2 =	vld.idx.msk [tilespmem:v3+s29+$0x0], $0xffff  }
0xbf: {  	s0 =	sadd.s32 $0x10, s2;
	v3 =	vld.idx.msk [tilespmem:v3+s10+$0x0], $0xffff  }
0xc0: {  	s1 =	sadd.s32 $0x10, s1;
	v5 =	vld [tilespmem:s0+$0x0]  }
0xc1: {  	v6 =	vld [tilespmem:s1+$0x0];
	_ =	sdelay $0x1  }
0xc2: {  	v2 =	vmul.u32 v1, v2;
	_ =	sdelay $0x1  }
0xc3: {  	v2 =	vadd.s32 v3, v2;
	v3 =	vshll.u32 v4, $0x2  }
0xc4: {  	v63 =	vadd.f32 v5, v6;
	v3 =	vor.u32 v1, v3;
	[tilespmem:s12+$0x0] =	vst v2  }
0xc5: {  	[tilespmem:s15+$0x0] =	vst v3  }
0xc6: {  	s12 =	simm.s32 $0x19E10;
	s15 =	simm.s32 $0x1B710;
	[tilespmem:s8+$0x0] =	vst v63;
	s8 =	simm.s32 $0x1900  }
0xc7: {  	[hbm4b:s14+s8] =	stream.indirect.scatter [tilespmem:s15], [sflag:$0x1], $0x1, s12, s8, $0xb8;
	[tilespmem:$0x1E910] =	vst v63  }
0xc8: {  	_ =	swait.ge [sflag:s18], $0x1900  }
0xc9: {  	[sflag:s18] =	ssyncset.done $0x0  }
0xca: {  	[sflag:s18] =	ssyncadd.s32 $0xFFFFE700  }
0xcb: {  	[hbm4b:s17+s8] =	stream.indirect.scatter [tilespmem:s15], [sflag:$0x1], $0x1, s12, s8, $0xb8;
	[tilespmem:$0x1E910] =	vst v63  }
0xcc: {  	_ =	swait.ge [sflag:s18], $0x1900  }
0xcd: {  	[sflag:s18] =	ssyncset.done $0x0  }
.Ltmp3:
0xce: {  	s16 =	simm.s32 $0x1D010;
	[sflag:s18] =	ssyncadd.s32 $0xFFFFE700;
	(pc) =	sbr.rel @p0 .LBB2_6-.Ltmp3, $4  }
0xcf: {  	[hbm4b:s6+s8] =	stream.indirect.scatter [tilespmem:s16], [sflag:$0x1], $0x1, s12, s8, $0xb8;
	[tilespmem:$0x1E910] =	vst v63  }
0xd0: {  	_ =	swait.ge [sflag:s18], $0x1900  }
0xd1: {  	[sflag:s18] =	ssyncset.done $0x0  }
0xd2: {  	p1 =	por $0x0, $0x0;
	s0 =	simm.s32 $0x640;
	[sflag:s18] =	ssyncadd.s32 $0xFFFFE700  }
0xd3: {  	s1 =	rddreg [dreg:$0xe]  }
0xd4: {  	s0 =	rddreg [dreg:$0xd];
	s1 =	sadd.s32 $0x1, s1  }
0xd5: {  	p0 =	sne.s32 s1, s0  }
.Ltmp4:
0xd6: {  	_ = 	snop;
	(pc) =	sbr.rel @p0 .LBB2_1-.Ltmp4, $1  }
0xd7: {  	_ =	sdelay $0x3  }
0xd8: {  	_ =	sfence.sel $0x180000  }
0xd9: {  	[bflag:$0x0] =	sbarrier.arrive $0xFFFF  }
0xda: {  	_ =	strace $0x9000004A  }
0xdb: {  	s0 =	stileid.u32;
	[bflag:$0x2] =	sbarrier.arrive $0xFFFF  }
0xdc: {  	p0 =	sne.s32 s0, $0x0;
	s0 =	rddreg [dreg:$0x3]  }
0xdd: {  	s0 =	sadd.s32 @!p0 $0x100000, s0  }
0xde: {  	[sflag:s0] =	ssyncadd.tile.s32 @!p0 $0x1;
	_ =	shalt  }
.Lfunc_end2:
_tile_overlayer_lowered:
.L_overlay_start_2:
0xdf: {  	(tag) =	ssettag $0x2  }
0xe0: {  	s0 =	rddreg [dreg:$0x0];
	s2 =	stileid.u32  }
0xe1: {  	s1 =	rddreg [dreg:$0x1];
	p0 =	sne.s32 s2, $0x0  }
0xe2: {  	s3 =	rddreg [dreg:$0x2];
	[bflag:$0x3] =	sbarrier.arrive $0xFFFF;
	s2 =	simm.s32 @!p0 $0x1C01  }
0xe3: {  	[timem:s3], [sflag:s2] =	dma.local @!p0 [hbm:s0], s1  }
0xe4: {  	s0 =	simm.s32 @!p0 $0x1  }
0xe5: {  	_ =	swait.ge @!p0 [sflag:s0], s1  }
0xe6: {  	s1 =	ssub.s32 @!p0 $0x0, s1;
	[sflag:s0] =	ssyncset.done @!p0 $0x0  }
0xe7: {  	[sflag:s0] =	ssyncadd.s32 @!p0 s1  }
0xe8: {  	[bflag:$0x3] =	sbarrier.arrive $0xFFFF  }
0xe9: {  	_ =	shalt  }

</sc_bundles>
